<compile_context>
chip_gen: v7x
topology: tpu7x:2x2x1
jax: 0.10.2.dev20260603
libtpu: 0.0.44.dev20260713+nightly
codegen_flags: <defaults>
</compile_context>

<pallas_src>
import functools

import jax
import jax.numpy as jnp
from jax import lax
from jax.experimental import pallas as pl
from jax.experimental.pallas import tpu as pltpu
from jax.experimental.pallas import tpu_sc as plsc

N = 10000
E = 320000
BLK = 128
NB = E // BLK
NBP = 2560
NBX = NBP + 8
NCORE = 2
NSUB = 16
NW = NCORE * NSUB
BPT = NBP // NW
HALF = BPT // 2
IDXR = HALF + 4
ACC = 10112
ZPT = ACC // NSUB
RPT = 624
TAIL = N - NSUB * RPT
PAD_DST = N
DEGW = 16


def _core_sub():
    return lax.axis_index("c"), lax.axis_index("s")


def _zero_acc(zeros_hbm, acc, s):
    pltpu.sync_copy(zeros_hbm, acc.at[pl.ds(s * ZPT, ZPT)])


def _dump_acc(acc, out_hbm, c, s):
    r0 = s * RPT
    pltpu.sync_copy(acc.at[pl.ds(r0, RPT)], out_hbm.at[c, pl.ds(r0, RPT)])

    @pl.when(s == NSUB - 1)
    def _():
        t0 = NSUB * RPT
        pltpu.sync_copy(acc.at[pl.ds(t0, TAIL)], out_hbm.at[c, pl.ds(t0, TAIL)])


def _make_deg_kernel():
    mesh = plsc.VectorSubcoreMesh(core_axis_name="c", subcore_axis_name="s")

    @functools.partial(
        pl.kernel,
        out_type=(
            jax.ShapeDtypeStruct((NCORE, N, DEGW), jnp.float32),
            jax.ShapeDtypeStruct((NCORE, N, DEGW), jnp.float32),
        ),
        mesh=mesh,
        scratch_types=[
            pltpu.VMEM_SHARED((ACC, DEGW), jnp.float32),
            pltpu.VMEM_SHARED((ACC, DEGW), jnp.float32),
            pltpu.VMEM((BPT, BLK), jnp.int32),
            pltpu.VMEM((BPT, BLK), jnp.int32),
            pltpu.VMEM((BLK, DEGW), jnp.float32),
            pltpu.SemaphoreType.DMA,
        ],
        compiler_params=pltpu.CompilerParams(use_tc_tiling_on_sc=False),
    )
    def deg_kernel(src_hbm, dst_hbm, ones_hbm, zeros_hbm,
                   outs_hbm, outd_hbm, acc_s, acc_d, src_v, dst_v, ones_v, sem):
        c, s = _core_sub()
        w = c * NSUB + s
        pltpu.sync_copy(src_hbm.at[pl.ds(w * BPT, BPT)], src_v)
        pltpu.sync_copy(dst_hbm.at[pl.ds(w * BPT, BPT)], dst_v)
        pltpu.sync_copy(ones_hbm, ones_v)
        _zero_acc(zeros_hbm, acc_s, s)
        _zero_acc(zeros_hbm, acc_d, s)
        plsc.subcore_barrier()

        def chunk(ch, carry):
            g0 = ch * 8
            descs = []
            for j in range(8):
                descs.append(pltpu.async_copy(
                    ones_v, acc_s.at[src_v.at[g0 + j]], sem, add=True))
                descs.append(pltpu.async_copy(
                    ones_v, acc_d.at[dst_v.at[g0 + j]], sem, add=True))
            for d in descs:
                d.wait()
            return carry

        lax.fori_loop(0, BPT // 8, chunk, 0)
        plsc.subcore_barrier()
        _dump_acc(acc_s, outs_hbm, c, s)
        _dump_acc(acc_d, outd_hbm, c, s)

    return deg_kernel


def _make_agg_kernel(D):
    mesh = plsc.VectorSubcoreMesh(core_axis_name="c", subcore_axis_name="s")

    @functools.partial(
        pl.kernel,
        out_type=jax.ShapeDtypeStruct((NCORE, N, D), jnp.float32),
        mesh=mesh,
        scratch_types=[
            pltpu.VMEM_SHARED((ACC, D), jnp.float32),
            pltpu.VMEM((BLK,), jnp.int32),
            pltpu.VMEM((BLK,), jnp.int32),
            pltpu.VMEM((8, BLK), jnp.int32),
            [pltpu.VMEM((BLK, D), jnp.float32) for _ in range(2)],
            [pltpu.SemaphoreType.DMA for _ in range(2)],
            [pltpu.SemaphoreType.DMA for _ in range(2)],
        ],
        compiler_params=pltpu.CompilerParams(use_tc_tiling_on_sc=False),
    )
    def agg_kernel(y_hbm, src_hbm, dst_hbm, pad_hbm, zeros_hbm,
                   out_hbm, acc, src_v, dst_v, pad_v, rows, gsems, ssems):
        c, s = _core_sub()
        base = (c * NSUB + s) * BPT
        pltpu.sync_copy(pad_hbm, pad_v)
        _zero_acc(zeros_hbm, acc, s)
        plsc.subcore_barrier()

        def body(g, carry):
            pltpu.sync_copy(src_hbm.at[base + g], src_v)
            pltpu.sync_copy(dst_hbm.at[base + g], dst_v)
            pltpu.async_copy(y_hbm.at[src_v], rows[0], gsems[0]).wait()
            pltpu.async_copy(rows[0], acc.at[dst_v], ssems[0], add=True).wait()
            return carry

        lax.fori_loop(0, BPT, body, 0)

        plsc.subcore_barrier()
        _dump_acc(acc, out_hbm, c, s)

    return agg_kernel


_deg_kernel = _make_deg_kernel()
_agg128 = _make_agg_kernel(128)
_agg64 = _make_agg_kernel(64)


_RB = 1000
_GRID = N // _RB


def _tc0_body(hs_ref, hd_ref, x_ref, ns_ref, nd_ref, y0_ref):
    ds = jnp.sum(hs_ref[...], axis=(0, 2)) * (1.0 / DEGW)
    dd = jnp.sum(hd_ref[...], axis=(0, 2)) * (1.0 / DEGW)
    ns = lax.rsqrt(jnp.maximum(ds, 1.0))
    nd = lax.rsqrt(jnp.maximum(dd, 1.0))
    ns_ref[...] = ns[:, None]
    nd_ref[...] = nd[:, None]
    y0_ref[...] = x_ref[...] * ns[:, None]


def _tc0(hs, hd, x):
    return pl.pallas_call(
        _tc0_body,
        grid=(_GRID,),
        in_specs=[
            pl.BlockSpec((NCORE, _RB, DEGW), lambda i: (0, i, 0)),
            pl.BlockSpec((NCORE, _RB, DEGW), lambda i: (0, i, 0)),
            pl.BlockSpec((_RB, 128), lambda i: (i, 0)),
        ],
        out_specs=[
            pl.BlockSpec((_RB, 1), lambda i: (i, 0)),
            pl.BlockSpec((_RB, 1), lambda i: (i, 0)),
            pl.BlockSpec((_RB, 128), lambda i: (i, 0)),
        ],
        out_shape=[
            jax.ShapeDtypeStruct((N, 1), jnp.float32),
            jax.ShapeDtypeStruct((N, 1), jnp.float32),
            jax.ShapeDtypeStruct((N, 128), jnp.float32),
        ],
    )(hs, hd, x)


def _tc1_body(g0_ref, ns_ref, nd_ref, w0_ref, b0_ref, y1_ref):
    g0 = (g0_ref[0] + g0_ref[1]) * nd_ref[...]
    h = jnp.dot(g0, w0_ref[...], preferred_element_type=jnp.float32)
    h = jnp.maximum(h + b0_ref[...], 0.0) * ns_ref[...]
    y1_ref[0] = h[:, :128]
    y1_ref[1] = h[:, 128:]


def _tc1(g0, ns, nd, W0, b0):
    return pl.pallas_call(
        _tc1_body,
        grid=(_GRID,),
        in_specs=[
            pl.BlockSpec((NCORE, _RB, 128), lambda i: (0, i, 0)),
            pl.BlockSpec((_RB, 1), lambda i: (i, 0)),
            pl.BlockSpec((_RB, 1), lambda i: (i, 0)),
            pl.BlockSpec((128, 256), lambda i: (0, 0)),
            pl.BlockSpec((1, 256), lambda i: (0, 0)),
        ],
        out_specs=pl.BlockSpec((NCORE, _RB, 128), lambda i: (0, i, 0)),
        out_shape=jax.ShapeDtypeStruct((NCORE, N, 128), jnp.float32),
    )(g0, ns, nd, W0, b0)


def _tc2_body(g1a_ref, g1b_ref, ns_ref, nd_ref, w1_ref, b1_ref, w2_ref, y2_ref):
    a = (g1a_ref[0] + g1a_ref[1]) * nd_ref[...]
    b = (g1b_ref[0] + g1b_ref[1]) * nd_ref[...]
    h = jnp.dot(a, w1_ref[0], preferred_element_type=jnp.float32)
    h = h + jnp.dot(b, w1_ref[1], preferred_element_type=jnp.float32)
    h = jnp.maximum(h + b1_ref[...], 0.0)
    t = jnp.dot(h, w2_ref[...], preferred_element_type=jnp.float32)
    y2_ref[...] = t * ns_ref[...]


def _tc2(g1a, g1b, ns, nd, W1, b1, W2):
    return pl.pallas_call(
        _tc2_body,
        grid=(_GRID,),
        in_specs=[
            pl.BlockSpec((NCORE, _RB, 128), lambda i: (0, i, 0)),
            pl.BlockSpec((NCORE, _RB, 128), lambda i: (0, i, 0)),
            pl.BlockSpec((_RB, 1), lambda i: (i, 0)),
            pl.BlockSpec((_RB, 1), lambda i: (i, 0)),
            pl.BlockSpec((NCORE, 128, 256), lambda i: (0, 0, 0)),
            pl.BlockSpec((1, 256), lambda i: (0, 0)),
            pl.BlockSpec((256, 64), lambda i: (0, 0)),
        ],
        out_specs=pl.BlockSpec((_RB, 64), lambda i: (i, 0)),
        out_shape=jax.ShapeDtypeStruct((N, 64), jnp.float32),
    )(g1a, g1b, ns, nd, W1, b1, W2)


def _tc3_body(g2_ref, nd_ref, b2_ref, out_ref):
    out_ref[...] = (g2_ref[0] + g2_ref[1]) * nd_ref[...] + b2_ref[...]


def _tc3(g2, nd, b2):
    return pl.pallas_call(
        _tc3_body,
        grid=(_GRID,),
        in_specs=[
            pl.BlockSpec((NCORE, _RB, 64), lambda i: (0, i, 0)),
            pl.BlockSpec((_RB, 1), lambda i: (i, 0)),
            pl.BlockSpec((1, 64), lambda i: (0, 0)),
        ],
        out_specs=pl.BlockSpec((_RB, 64), lambda i: (i, 0)),
        out_shape=jax.ShapeDtypeStruct((N, 64), jnp.float32),
    )(g2, nd, b2)


@jax.jit
def _run(x, edge_index, W0, b0, W1, b1, W2, b2):
    src = edge_index[0].astype(jnp.int32).reshape(NB, BLK)
    dst = edge_index[1].astype(jnp.int32).reshape(NB, BLK)
    spread = PAD_DST + jnp.arange((NBX - NB) * BLK, dtype=jnp.int32) % (ACC - N)
    padn = spread.reshape(NBX - NB, BLK)
    pad0 = jnp.zeros((NBX - NB, BLK), jnp.int32)
    src_deg = jnp.concatenate([src, padn[:NBP - NB]])
    src_agg = jnp.concatenate([src, pad0])
    dst_pad = jnp.concatenate([dst, padn])
    ones = jnp.ones((BLK, DEGW), jnp.float32)
    pad_idx = PAD_DST + jnp.arange(8 * BLK, dtype=jnp.int32) % (ACC - N)
    pad_idx = pad_idx.reshape(8, BLK)
    zeros_deg = jnp.zeros((ZPT, DEGW), jnp.float32)
    zeros128 = jnp.zeros((ZPT, 128), jnp.float32)
    zeros64 = jnp.zeros((ZPT, 64), jnp.float32)

    hs, hd = _deg_kernel(src_deg, dst_pad[:NBP], ones, zeros_deg)
    ns, nd, y0 = _tc0(hs, hd, x)
    g0 = _agg128(y0, src_agg, dst_pad, pad_idx, zeros128)
    y1 = _tc1(g0, ns, nd, W0, b0.reshape(1, -1))
    g1a = _agg128(y1[0], src_agg, dst_pad, pad_idx, zeros128)
    g1b = _agg128(y1[1], src_agg, dst_pad, pad_idx, zeros128)
    y2 = _tc2(g1a, g1b, ns, nd, W1.reshape(NCORE, 128, 256),
              b1.reshape(1, -1), W2)
    g2 = _agg64(y2, src_agg, dst_pad, pad_idx, zeros64)
    return _tc3(g2, nd, b2.reshape(1, -1))


def kernel(x, edge_index, W0, b0, W1, b1, W2, b2):
    return _run(x, edge_index, W0, b0, W1, b1, W2, b2)

# --- scband reference (transcript-rebuilt; emitter-appended) ---
"""Pipeline reference for scband-gcn-8478265442665 (READ-ONLY COPY).

The authoritative reference and input builder live on the scoring server;
editing this copy changes nothing except your own understanding.
"""

import jax, jax.numpy as jnp
import numpy as np

N = 10000
E = 320000
D_IN = 128
D_H = 256
N_CLS = 64

def setup_inputs(seed: int = 0):
    key = jax.random.key(seed)
    ks = jax.random.split(key, 10)
    x = jax.random.normal(ks[0], (N, D_IN), dtype=jnp.float32)
    edge_index = jax.random.randint(ks[1], (2, E), 0, N).astype(jnp.int64)
    W0 = jax.random.normal(ks[2], (D_IN, D_H), dtype=jnp.float32) * (1.0 / np.sqrt(D_IN))
    b0 = jnp.zeros((D_H,), dtype=jnp.float32)
    W1 = jax.random.normal(ks[3], (D_H, D_H), dtype=jnp.float32) * (1.0 / np.sqrt(D_H))
    b1 = jnp.zeros((D_H,), dtype=jnp.float32)
    W2 = jax.random.normal(ks[4], (D_H, N_CLS), dtype=jnp.float32) * (1.0 / np.sqrt(D_H))
    b2 = jnp.zeros((N_CLS,), dtype=jnp.float32)
    return {"x": x, "edge_index": edge_index, "W0": W0, "b0": b0, "W1": W1, "b1": b1, "W2": W2, "b2": b2}

def reference(x, edge_index, W0, b0, W1, b1, W2, b2):
    # DGL-style GraphConv with norm='both': h' = D_dst^{-1/2} A D_src^{-1/2} (h W) + b
    src = edge_index[0]
    dst = edge_index[1]
    ones = jnp.ones((E,), dtype=jnp.float32)
    out_deg = jax.ops.segment_sum(ones, src, num_segments=N)
    in_deg = jax.ops.segment_sum(ones, dst, num_segments=N)
    norm_src = jnp.clip(out_deg, 1.0, None) ** -0.5
    norm_dst = jnp.clip(in_deg, 1.0, None) ** -0.5

    def graph_conv(h, W, b, act):
        h = h @ W
        h = h * norm_src[:, None]
        msg = jnp.take(h, src, axis=0)
        agg = jax.ops.segment_sum(msg, dst, num_segments=N)
        agg = agg * norm_dst[:, None]
        out = agg + b
        if act:
            out = jax.nn.relu(out)
        return out

    # Dropout is identity in eval / deterministic mode.
    h = graph_conv(x, W0, b0, True)
    h = graph_conv(h, W1, b1, True)
    h = graph_conv(h, W2, b2, False)
    return h

if __name__ == "__main__":
    import jax
    _d = setup_inputs()
    print(jax.jit(kernel)(*tuple(_d.values())))

</pallas_src>

<mosaic_0001>
#map = affine_map<(d0, d1) -> (0, 0)>
#map1 = affine_map<(d0, d1) -> (0, 0, 0)>
module attributes {stable_mosaic.version = 14 : i64} {
  func.func @agg_kernel(%arg0: i32, %arg1: i32, %arg2: memref<10000x128xf32, #tpu.memory_space<hbm>>, %arg3: memref<2568x128xi32, #tpu.memory_space<hbm>>, %arg4: memref<2568x128xi32, #tpu.memory_space<hbm>>, %arg5: memref<8x128xi32, #tpu.memory_space<hbm>>, %arg6: memref<632x128xf32, #tpu.memory_space<hbm>>, %arg7: memref<2x10000x128xf32, #tpu.memory_space<hbm>>, %arg8: memref<10112x128xf32, #tpu.memory_space<vmem_shared>>, %arg9: memref<128xi32, #tpu.memory_space<vmem>>, %arg10: memref<128xi32, #tpu.memory_space<vmem>>, %arg11: memref<8x128xi32, #tpu.memory_space<vmem>>, %arg12: memref<128x128xf32, #tpu.memory_space<vmem>>, %arg13: memref<128x128xf32, #tpu.memory_space<vmem>>, %arg14: memref<!tpu.dma_semaphore, #tpu.memory_space<semaphore_mem>>, %arg15: memref<!tpu.dma_semaphore, #tpu.memory_space<semaphore_mem>>, %arg16: memref<!tpu.dma_semaphore, #tpu.memory_space<semaphore_mem>>, %arg17: memref<!tpu.dma_semaphore, #tpu.memory_space<semaphore_mem>>) attributes {dimension_semantics = [#tpu.dimension_semantics<core_parallel>, #tpu.dimension_semantics<subcore_parallel>], iteration_bounds = array<i64: 2, 16>, scalar_prefetch = 0 : i64, scratch_operands = 10 : i64, tpu.core_type = #tpu.core_type<sc_vector_subcore>, window_params = [{transform_indices = #map}, {transform_indices = #map}, {transform_indices = #map}, {transform_indices = #map}, {transform_indices = #map}, {transform_indices = #map1}]} {
    %mul3A = arith.constant 16 : i32
    %mul3A_0 = arith.muli %arg0, %mul3A : i32
    %add3A = arith.addi %mul3A_0, %arg1 : i32
    %mul3A_1 = arith.constant 80 : i32
    %mul3A_2 = arith.muli %add3A, %mul3A_1 : i32
    "tpu.region"() ({
      %run_scoped3A = tpu.sem_alloc : memref<!tpu.dma_semaphore, #tpu.memory_space<semaphore_mem>>
      tpu.enqueue_dma source(%arg5 : memref<8x128xi32, #tpu.memory_space<hbm>>) target(%arg11 : memref<8x128xi32, #tpu.memory_space<vmem>>) target_semaphore(%run_scoped3A : memref<!tpu.dma_semaphore, #tpu.memory_space<semaphore_mem>>)
      tpu.wait_dma2 semaphore(%run_scoped3A : memref<!tpu.dma_semaphore, #tpu.memory_space<semaphore_mem>>) src(%arg5 : memref<8x128xi32, #tpu.memory_space<hbm>>) dst(%arg11 : memref<8x128xi32, #tpu.memory_space<vmem>>)
      tpu.yield
    }) : () -> ()
    %mul3A_3 = arith.constant 632 : i32
    %mul3A_4 = arith.muli %arg1, %mul3A_3 : i32
    "tpu.region"() ({
      %run_scoped3A = tpu.sem_alloc : memref<!tpu.dma_semaphore, #tpu.memory_space<semaphore_mem>>
      %dma_start3A = arith.constant 0 : i32
      %dma_start3A_15 = tpu.memref_slice %arg8[%mul3A_4, %dma_start3A] : memref<10112x128xf32, #tpu.memory_space<vmem_shared>> -> memref<632x128xf32, #tpu.memory_space<vmem_shared>>
      tpu.enqueue_dma source(%arg6 : memref<632x128xf32, #tpu.memory_space<hbm>>) target(%dma_start3A_15 : memref<632x128xf32, #tpu.memory_space<vmem_shared>>) target_semaphore(%run_scoped3A : memref<!tpu.dma_semaphore, #tpu.memory_space<semaphore_mem>>)
      %dma_wait3A = arith.constant 0 : i32
      %dma_wait3A_16 = tpu.memref_slice %arg8[%mul3A_4, %dma_wait3A] : memref<10112x128xf32, #tpu.memory_space<vmem_shared>> -> memref<632x128xf32, #tpu.memory_space<vmem_shared>>
      tpu.wait_dma2 semaphore(%run_scoped3A : memref<!tpu.dma_semaphore, #tpu.memory_space<semaphore_mem>>) src(%arg6 : memref<632x128xf32, #tpu.memory_space<hbm>>) dst(%dma_wait3A_16 : memref<632x128xf32, #tpu.memory_space<vmem_shared>>)
      tpu.yield
    }) : () -> ()
    %barrier3A = arith.constant 0 : index
    tpu.barrier barrier_id(%barrier3A)
    %scan3A = arith.constant 0 : i32
    %scan3A_5 = arith.constant 0 : i32
    %scan3A_6 = arith.constant 80 : i32
    %scan3A_7 = arith.addi %scan3A_5, %scan3A_6 : i32
    %scan3A_8 = arith.constant 1 : i32
    scf.for %scan3A_15 = %scan3A_5 to %scan3A_7 step %scan3A_8  : i32 {
      %add3A_16 = arith.addi %mul3A_2, %scan3A_15 : i32
      "tpu.region"() ({
        %run_scoped3A = tpu.sem_alloc : memref<!tpu.dma_semaphore, #tpu.memory_space<semaphore_mem>>
        %dma_start3A_28 = arith.constant 0 : i32
        %dma_start3A_29 = tpu.memref_slice %arg3[%add3A_16, %dma_start3A_28] : memref<2568x128xi32, #tpu.memory_space<hbm>> -> memref<1x128xi32, #tpu.memory_space<hbm>>
        %dma_start3A_30 = tpu.memref_squeeze %dma_start3A_29 : memref<1x128xi32, #tpu.memory_space<hbm>> -> memref<128xi32, #tpu.memory_space<hbm>>
        %dma_start3A_31 = arith.constant 0 : i32
        %dma_start3A_32 = tpu.memref_slice %arg3[%add3A_16, %dma_start3A_31] : memref<2568x128xi32, #tpu.memory_space<hbm>> -> memref<1x128xi32, #tpu.memory_space<hbm>>
        %dma_start3A_33 = tpu.memref_squeeze %dma_start3A_32 : memref<1x128xi32, #tpu.memory_space<hbm>> -> memref<128xi32, #tpu.memory_space<hbm>>
        tpu.enqueue_dma source(%dma_start3A_33 : memref<128xi32, #tpu.memory_space<hbm>>) target(%arg9 : memref<128xi32, #tpu.memory_space<vmem>>) target_semaphore(%run_scoped3A : memref<!tpu.dma_semaphore, #tpu.memory_space<semaphore_mem>>)
        %dma_wait3A_34 = arith.constant 0 : i32
        %dma_wait3A_35 = tpu.memref_slice %arg3[%add3A_16, %dma_wait3A_34] : memref<2568x128xi32, #tpu.memory_space<hbm>> -> memref<1x128xi32, #tpu.memory_space<hbm>>
        %dma_wait3A_36 = tpu.memref_squeeze %dma_wait3A_35 : memref<1x128xi32, #tpu.memory_space<hbm>> -> memref<128xi32, #tpu.memory_space<hbm>>
        %dma_wait3A_37 = arith.constant 0 : i32
        %dma_wait3A_38 = tpu.memref_slice %arg3[%add3A_16, %dma_wait3A_37] : memref<2568x128xi32, #tpu.memory_space<hbm>> -> memref<1x128xi32, #tpu.memory_space<hbm>>
        %dma_wait3A_39 = tpu.memref_squeeze %dma_wait3A_38 : memref<1x128xi32, #tpu.memory_space<hbm>> -> memref<128xi32, #tpu.memory_space<hbm>>
        tpu.wait_dma2 semaphore(%run_scoped3A : memref<!tpu.dma_semaphore, #tpu.memory_space<semaphore_mem>>) src(%dma_wait3A_39 : memref<128xi32, #tpu.memory_space<hbm>>) dst(%arg9 : memref<128xi32, #tpu.memory_space<vmem>>)
        tpu.yield
      }) : () -> ()
      %add3A_17 = arith.addi %mul3A_2, %scan3A_15 : i32
      "tpu.region"() ({
        %run_scoped3A = tpu.sem_alloc : memref<!tpu.dma_semaphore, #tpu.memory_space<semaphore_mem>>
        %dma_start3A_28 = arith.constant 0 : i32
        %dma_start3A_29 = tpu.memref_slice %arg4[%add3A_17, %dma_start3A_28] : memref<2568x128xi32, #tpu.memory_space<hbm>> -> memref<1x128xi32, #tpu.memory_space<hbm>>
        %dma_start3A_30 = tpu.memref_squeeze %dma_start3A_29 : memref<1x128xi32, #tpu.memory_space<hbm>> -> memref<128xi32, #tpu.memory_space<hbm>>
        %dma_start3A_31 = arith.constant 0 : i32
        %dma_start3A_32 = tpu.memref_slice %arg4[%add3A_17, %dma_start3A_31] : memref<2568x128xi32, #tpu.memory_space<hbm>> -> memref<1x128xi32, #tpu.memory_space<hbm>>
        %dma_start3A_33 = tpu.memref_squeeze %dma_start3A_32 : memref<1x128xi32, #tpu.memory_space<hbm>> -> memref<128xi32, #tpu.memory_space<hbm>>
        tpu.enqueue_dma source(%dma_start3A_33 : memref<128xi32, #tpu.memory_space<hbm>>) target(%arg10 : memref<128xi32, #tpu.memory_space<vmem>>) target_semaphore(%run_scoped3A : memref<!tpu.dma_semaphore, #tpu.memory_space<semaphore_mem>>)
        %dma_wait3A_34 = arith.constant 0 : i32
        %dma_wait3A_35 = tpu.memref_slice %arg4[%add3A_17, %dma_wait3A_34] : memref<2568x128xi32, #tpu.memory_space<hbm>> -> memref<1x128xi32, #tpu.memory_space<hbm>>
        %dma_wait3A_36 = tpu.memref_squeeze %dma_wait3A_35 : memref<1x128xi32, #tpu.memory_space<hbm>> -> memref<128xi32, #tpu.memory_space<hbm>>
        %dma_wait3A_37 = arith.constant 0 : i32
        %dma_wait3A_38 = tpu.memref_slice %arg4[%add3A_17, %dma_wait3A_37] : memref<2568x128xi32, #tpu.memory_space<hbm>> -> memref<1x128xi32, #tpu.memory_space<hbm>>
        %dma_wait3A_39 = tpu.memref_squeeze %dma_wait3A_38 : memref<1x128xi32, #tpu.memory_space<hbm>> -> memref<128xi32, #tpu.memory_space<hbm>>
        tpu.wait_dma2 semaphore(%run_scoped3A : memref<!tpu.dma_semaphore, #tpu.memory_space<semaphore_mem>>) src(%dma_wait3A_39 : memref<128xi32, #tpu.memory_space<hbm>>) dst(%arg10 : memref<128xi32, #tpu.memory_space<vmem>>)
        tpu.yield
      }) : () -> ()
      %dma_start3A = arith.constant 0 : i32
      %dma_start3A_18 = arith.constant 0 : i32
      %dma_start3A_19 = tpu.memref_slice %arg2[%dma_start3A, %dma_start3A_18] : memref<10000x128xf32, #tpu.memory_space<hbm>> -> memref<10000x128xf32, #tpu.memory_space<hbm>>
      tpu.enqueue_indirect_dma source(%dma_start3A_19 : memref<10000x128xf32, #tpu.memory_space<hbm>>) target(%arg12 : memref<128x128xf32, #tpu.memory_space<vmem>>) offsets(%arg9 : memref<128xi32, #tpu.memory_space<vmem>>) semaphore(%arg14 : memref<!tpu.dma_semaphore, #tpu.memory_space<semaphore_mem>>)
      %dma_wait3A = arith.constant 0 : i32
      %dma_wait3A_20 = arith.constant 0 : i32
      %dma_wait3A_21 = tpu.memref_slice %arg2[%dma_wait3A, %dma_wait3A_20] : memref<10000x128xf32, #tpu.memory_space<hbm>> -> memref<10000x128xf32, #tpu.memory_space<hbm>>
      tpu.wait_indirect_dma semaphore(%arg14 : memref<!tpu.dma_semaphore, #tpu.memory_space<semaphore_mem>>) src(%dma_wait3A_21 : memref<10000x128xf32, #tpu.memory_space<hbm>>) dst(%arg12 : memref<128x128xf32, #tpu.memory_space<vmem>>)
      %dma_start3A_22 = arith.constant 0 : i32
      %dma_start3A_23 = arith.constant 0 : i32
      %dma_start3A_24 = tpu.memref_slice %arg8[%dma_start3A_22, %dma_start3A_23] : memref<10112x128xf32, #tpu.memory_space<vmem_shared>> -> memref<10112x128xf32, #tpu.memory_space<vmem_shared>>
      tpu.enqueue_indirect_dma source(%arg12 : memref<128x128xf32, #tpu.memory_space<vmem>>) target(%dma_start3A_24 : memref<10112x128xf32, #tpu.memory_space<vmem_shared>>) offsets(%arg10 : memref<128xi32, #tpu.memory_space<vmem>>) semaphore(%arg16 : memref<!tpu.dma_semaphore, #tpu.memory_space<semaphore_mem>>) {add = true}
      %dma_wait3A_25 = arith.constant 0 : i32
      %dma_wait3A_26 = arith.constant 0 : i32
      %dma_wait3A_27 = tpu.memref_slice %arg8[%dma_wait3A_25, %dma_wait3A_26] : memref<10112x128xf32, #tpu.memory_space<vmem_shared>> -> memref<10112x128xf32, #tpu.memory_space<vmem_shared>>
      tpu.wait_indirect_dma semaphore(%arg16 : memref<!tpu.dma_semaphore, #tpu.memory_space<semaphore_mem>>) src(%arg12 : memref<128x128xf32, #tpu.memory_space<vmem>>) dst(%dma_wait3A_27 : memref<10112x128xf32, #tpu.memory_space<vmem_shared>>)
    }
    %scan3A_9 = arith.constant 80 : i32
    %barrier3A_10 = arith.constant 0 : index
    tpu.barrier barrier_id(%barrier3A_10)
    %mul3A_11 = arith.constant 624 : i32
    %mul3A_12 = arith.muli %arg1, %mul3A_11 : i32
    "tpu.region"() ({
      %run_scoped3A = tpu.sem_alloc : memref<!tpu.dma_semaphore, #tpu.memory_space<semaphore_mem>>
      %dma_start3A = arith.constant 0 : i32
      %dma_start3A_15 = tpu.memref_slice %arg7[%arg0, %mul3A_12, %dma_start3A] : memref<2x10000x128xf32, #tpu.memory_space<hbm>> -> memref<1x624x128xf32, #tpu.memory_space<hbm>>
      %dma_start3A_16 = tpu.memref_squeeze %dma_start3A_15 : memref<1x624x128xf32, #tpu.memory_space<hbm>> -> memref<624x128xf32, #tpu.memory_space<hbm>>
      %dma_start3A_17 = arith.constant 0 : i32
      %dma_start3A_18 = tpu.memref_slice %arg8[%mul3A_12, %dma_start3A_17] : memref<10112x128xf32, #tpu.memory_space<vmem_shared>> -> memref<624x128xf32, #tpu.memory_space<vmem_shared>>
      tpu.enqueue_dma source(%dma_start3A_18 : memref<624x128xf32, #tpu.memory_space<vmem_shared>>) target(%dma_start3A_16 : memref<624x128xf32, #tpu.memory_space<hbm>>) target_semaphore(%run_scoped3A : memref<!tpu.dma_semaphore, #tpu.memory_space<semaphore_mem>>)
      %dma_wait3A = arith.constant 0 : i32
      %dma_wait3A_19 = tpu.memref_slice %arg7[%arg0, %mul3A_12, %dma_wait3A] : memref<2x10000x128xf32, #tpu.memory_space<hbm>> -> memref<1x624x128xf32, #tpu.memory_space<hbm>>
      %dma_wait3A_20 = tpu.memref_squeeze %dma_wait3A_19 : memref<1x624x128xf32, #tpu.memory_space<hbm>> -> memref<624x128xf32, #tpu.memory_space<hbm>>
      %dma_wait3A_21 = arith.constant 0 : i32
      %dma_wait3A_22 = tpu.memref_slice %arg8[%mul3A_12, %dma_wait3A_21] : memref<10112x128xf32, #tpu.memory_space<vmem_shared>> -> memref<624x128xf32, #tpu.memory_space<vmem_shared>>
      tpu.wait_dma2 semaphore(%run_scoped3A : memref<!tpu.dma_semaphore, #tpu.memory_space<semaphore_mem>>) src(%dma_wait3A_22 : memref<624x128xf32, #tpu.memory_space<vmem_shared>>) dst(%dma_wait3A_20 : memref<624x128xf32, #tpu.memory_space<hbm>>)
      tpu.yield
    }) : () -> ()
    %eq3A = arith.constant 15 : i32
    %eq3A_13 = arith.cmpi eq, %arg1, %eq3A : i32
    %convert_element_type3A = arith.extui %eq3A_13 : i1 to i32
    %cond3A = arith.constant 0 : i32
    %cond3A_14 = arith.cmpi ne, %convert_element_type3A, %cond3A : i32
    scf.if %cond3A_14 {
      "tpu.region"() ({
        %run_scoped3A = tpu.sem_alloc : memref<!tpu.dma_semaphore, #tpu.memory_space<semaphore_mem>>
        %dma_start3A = arith.constant 9984 : i32
        %dma_start3A_15 = arith.constant 0 : i32
        %dma_start3A_16 = tpu.memref_slice %arg7[%arg0, %dma_start3A, %dma_start3A_15] : memref<2x10000x128xf32, #tpu.memory_space<hbm>> -> memref<1x16x128xf32, #tpu.memory_space<hbm>>
        %dma_start3A_17 = tpu.memref_squeeze %dma_start3A_16 : memref<1x16x128xf32, #tpu.memory_space<hbm>> -> memref<16x128xf32, #tpu.memory_space<hbm>>
        %dma_start3A_18 = arith.constant 9984 : i32
        %dma_start3A_19 = arith.constant 0 : i32
        %dma_start3A_20 = tpu.memref_slice %arg8[%dma_start3A_18, %dma_start3A_19] : memref<10112x128xf32, #tpu.memory_space<vmem_shared>> -> memref<16x128xf32, #tpu.memory_space<vmem_shared>>
        tpu.enqueue_dma source(%dma_start3A_20 : memref<16x128xf32, #tpu.memory_space<vmem_shared>>) target(%dma_start3A_17 : memref<16x128xf32, #tpu.memory_space<hbm>>) target_semaphore(%run_scoped3A : memref<!tpu.dma_semaphore, #tpu.memory_space<semaphore_mem>>)
        %dma_wait3A = arith.constant 9984 : i32
        %dma_wait3A_21 = arith.constant 0 : i32
        %dma_wait3A_22 = tpu.memref_slice %arg7[%arg0, %dma_wait3A, %dma_wait3A_21] : memref<2x10000x128xf32, #tpu.memory_space<hbm>> -> memref<1x16x128xf32, #tpu.memory_space<hbm>>
        %dma_wait3A_23 = tpu.memref_squeeze %dma_wait3A_22 : memref<1x16x128xf32, #tpu.memory_space<hbm>> -> memref<16x128xf32, #tpu.memory_space<hbm>>
        %dma_wait3A_24 = arith.constant 9984 : i32
        %dma_wait3A_25 = arith.constant 0 : i32
        %dma_wait3A_26 = tpu.memref_slice %arg8[%dma_wait3A_24, %dma_wait3A_25] : memref<10112x128xf32, #tpu.memory_space<vmem_shared>> -> memref<16x128xf32, #tpu.memory_space<vmem_shared>>
        tpu.wait_dma2 semaphore(%run_scoped3A : memref<!tpu.dma_semaphore, #tpu.memory_space<semaphore_mem>>) src(%dma_wait3A_26 : memref<16x128xf32, #tpu.memory_space<vmem_shared>>) dst(%dma_wait3A_23 : memref<16x128xf32, #tpu.memory_space<hbm>>)
        tpu.yield
      }) : () -> ()
    } else {
    }
    return
  }
}

#map = affine_map<(d0, d1) -> (0, 0)>
#map1 = affine_map<(d0, d1) -> (0, 0, 0)>
module attributes {stable_mosaic.version = 14 : i64} {
  func.func @deg_kernel(%arg0: i32, %arg1: i32, %arg2: memref<2560x128xi32, #tpu.memory_space<hbm>>, %arg3: memref<2560x128xi32, #tpu.memory_space<hbm>>, %arg4: memref<128x16xf32, #tpu.memory_space<hbm>>, %arg5: memref<632x16xf32, #tpu.memory_space<hbm>>, %arg6: memref<2x10000x16xf32, #tpu.memory_space<hbm>>, %arg7: memref<2x10000x16xf32, #tpu.memory_space<hbm>>, %arg8: memref<10112x16xf32, #tpu.memory_space<vmem_shared>>, %arg9: memref<10112x16xf32, #tpu.memory_space<vmem_shared>>, %arg10: memref<80x128xi32, #tpu.memory_space<vmem>>, %arg11: memref<80x128xi32, #tpu.memory_space<vmem>>, %arg12: memref<128x16xf32, #tpu.memory_space<vmem>>, %arg13: memref<!tpu.dma_semaphore, #tpu.memory_space<semaphore_mem>>) attributes {dimension_semantics = [#tpu.dimension_semantics<core_parallel>, #tpu.dimension_semantics<subcore_parallel>], iteration_bounds = array<i64: 2, 16>, scalar_prefetch = 0 : i64, scratch_operands = 6 : i64, tpu.core_type = #tpu.core_type<sc_vector_subcore>, window_params = [{transform_indices = #map}, {transform_indices = #map}, {transform_indices = #map}, {transform_indices = #map}, {transform_indices = #map1}, {transform_indices = #map1}]} {
    %mul3A = arith.constant 16 : i32
    %mul3A_0 = arith.muli %arg0, %mul3A : i32
    %add3A = arith.addi %mul3A_0, %arg1 : i32
    %mul3A_1 = arith.constant 80 : i32
    %mul3A_2 = arith.muli %add3A, %mul3A_1 : i32
    "tpu.region"() ({
      %run_scoped3A = tpu.sem_alloc : memref<!tpu.dma_semaphore, #tpu.memory_space<semaphore_mem>>
      %dma_start3A = arith.constant 0 : i32
      %dma_start3A_26 = tpu.memref_slice %arg2[%mul3A_2, %dma_start3A] : memref<2560x128xi32, #tpu.memory_space<hbm>> -> memref<80x128xi32, #tpu.memory_space<hbm>>
      %dma_start3A_27 = arith.constant 0 : i32
      %dma_start3A_28 = tpu.memref_slice %arg2[%mul3A_2, %dma_start3A_27] : memref<2560x128xi32, #tpu.memory_space<hbm>> -> memref<80x128xi32, #tpu.memory_space<hbm>>
      tpu.enqueue_dma source(%dma_start3A_28 : memref<80x128xi32, #tpu.memory_space<hbm>>) target(%arg10 : memref<80x128xi32, #tpu.memory_space<vmem>>) target_semaphore(%run_scoped3A : memref<!tpu.dma_semaphore, #tpu.memory_space<semaphore_mem>>)
      %dma_wait3A = arith.constant 0 : i32
      %dma_wait3A_29 = tpu.memref_slice %arg2[%mul3A_2, %dma_wait3A] : memref<2560x128xi32, #tpu.memory_space<hbm>> -> memref<80x128xi32, #tpu.memory_space<hbm>>
      %dma_wait3A_30 = arith.constant 0 : i32
      %dma_wait3A_31 = tpu.memref_slice %arg2[%mul3A_2, %dma_wait3A_30] : memref<2560x128xi32, #tpu.memory_space<hbm>> -> memref<80x128xi32, #tpu.memory_space<hbm>>
      tpu.wait_dma2 semaphore(%run_scoped3A : memref<!tpu.dma_semaphore, #tpu.memory_space<semaphore_mem>>) src(%dma_wait3A_31 : memref<80x128xi32, #tpu.memory_space<hbm>>) dst(%arg10 : memref<80x128xi32, #tpu.memory_space<vmem>>)
      tpu.yield
    }) : () -> ()
    %mul3A_3 = arith.constant 80 : i32
    %mul3A_4 = arith.muli %add3A, %mul3A_3 : i32
    "tpu.region"() ({
      %run_scoped3A = tpu.sem_alloc : memref<!tpu.dma_semaphore, #tpu.memory_space<semaphore_mem>>
      %dma_start3A = arith.constant 0 : i32
      %dma_start3A_26 = tpu.memref_slice %arg3[%mul3A_4, %dma_start3A] : memref<2560x128xi32, #tpu.memory_space<hbm>> -> memref<80x128xi32, #tpu.memory_space<hbm>>
      %dma_start3A_27 = arith.constant 0 : i32
      %dma_start3A_28 = tpu.memref_slice %arg3[%mul3A_4, %dma_start3A_27] : memref<2560x128xi32, #tpu.memory_space<hbm>> -> memref<80x128xi32, #tpu.memory_space<hbm>>
      tpu.enqueue_dma source(%dma_start3A_28 : memref<80x128xi32, #tpu.memory_space<hbm>>) target(%arg11 : memref<80x128xi32, #tpu.memory_space<vmem>>) target_semaphore(%run_scoped3A : memref<!tpu.dma_semaphore, #tpu.memory_space<semaphore_mem>>)
      %dma_wait3A = arith.constant 0 : i32
      %dma_wait3A_29 = tpu.memref_slice %arg3[%mul3A_4, %dma_wait3A] : memref<2560x128xi32, #tpu.memory_space<hbm>> -> memref<80x128xi32, #tpu.memory_space<hbm>>
      %dma_wait3A_30 = arith.constant 0 : i32
      %dma_wait3A_31 = tpu.memref_slice %arg3[%mul3A_4, %dma_wait3A_30] : memref<2560x128xi32, #tpu.memory_space<hbm>> -> memref<80x128xi32, #tpu.memory_space<hbm>>
      tpu.wait_dma2 semaphore(%run_scoped3A : memref<!tpu.dma_semaphore, #tpu.memory_space<semaphore_mem>>) src(%dma_wait3A_31 : memref<80x128xi32, #tpu.memory_space<hbm>>) dst(%arg11 : memref<80x128xi32, #tpu.memory_space<vmem>>)
      tpu.yield
    }) : () -> ()
    "tpu.region"() ({
      %run_scoped3A = tpu.sem_alloc : memref<!tpu.dma_semaphore, #tpu.memory_space<semaphore_mem>>
      tpu.enqueue_dma source(%arg4 : memref<128x16xf32, #tpu.memory_space<hbm>>) target(%arg12 : memref<128x16xf32, #tpu.memory_space<vmem>>) target_semaphore(%run_scoped3A : memref<!tpu.dma_semaphore, #tpu.memory_space<semaphore_mem>>)
      tpu.wait_dma2 semaphore(%run_scoped3A : memref<!tpu.dma_semaphore, #tpu.memory_space<semaphore_mem>>) src(%arg4 : memref<128x16xf32, #tpu.memory_space<hbm>>) dst(%arg12 : memref<128x16xf32, #tpu.memory_space<vmem>>)
      tpu.yield
    }) : () -> ()
    %mul3A_5 = arith.constant 632 : i32
    %mul3A_6 = arith.muli %arg1, %mul3A_5 : i32
    "tpu.region"() ({
      %run_scoped3A = tpu.sem_alloc : memref<!tpu.dma_semaphore, #tpu.memory_space<semaphore_mem>>
      %dma_start3A = arith.constant 0 : i32
      %dma_start3A_26 = tpu.memref_slice %arg8[%mul3A_6, %dma_start3A] : memref<10112x16xf32, #tpu.memory_space<vmem_shared>> -> memref<632x16xf32, #tpu.memory_space<vmem_shared>>
      tpu.enqueue_dma source(%arg5 : memref<632x16xf32, #tpu.memory_space<hbm>>) target(%dma_start3A_26 : memref<632x16xf32, #tpu.memory_space<vmem_shared>>) target_semaphore(%run_scoped3A : memref<!tpu.dma_semaphore, #tpu.memory_space<semaphore_mem>>)
      %dma_wait3A = arith.constant 0 : i32
      %dma_wait3A_27 = tpu.memref_slice %arg8[%mul3A_6, %dma_wait3A] : memref<10112x16xf32, #tpu.memory_space<vmem_shared>> -> memref<632x16xf32, #tpu.memory_space<vmem_shared>>
      tpu.wait_dma2 semaphore(%run_scoped3A : memref<!tpu.dma_semaphore, #tpu.memory_space<semaphore_mem>>) src(%arg5 : memref<632x16xf32, #tpu.memory_space<hbm>>) dst(%dma_wait3A_27 : memref<632x16xf32, #tpu.memory_space<vmem_shared>>)
      tpu.yield
    }) : () -> ()
    %mul3A_7 = arith.constant 632 : i32
    %mul3A_8 = arith.muli %arg1, %mul3A_7 : i32
    "tpu.region"() ({
      %run_scoped3A = tpu.sem_alloc : memref<!tpu.dma_semaphore, #tpu.memory_space<semaphore_mem>>
      %dma_start3A = arith.constant 0 : i32
      %dma_start3A_26 = tpu.memref_slice %arg9[%mul3A_8, %dma_start3A] : memref<10112x16xf32, #tpu.memory_space<vmem_shared>> -> memref<632x16xf32, #tpu.memory_space<vmem_shared>>
      tpu.enqueue_dma source(%arg5 : memref<632x16xf32, #tpu.memory_space<hbm>>) target(%dma_start3A_26 : memref<632x16xf32, #tpu.memory_space<vmem_shared>>) target_semaphore(%run_scoped3A : memref<!tpu.dma_semaphore, #tpu.memory_space<semaphore_mem>>)
      %dma_wait3A = arith.constant 0 : i32
      %dma_wait3A_27 = tpu.memref_slice %arg9[%mul3A_8, %dma_wait3A] : memref<10112x16xf32, #tpu.memory_space<vmem_shared>> -> memref<632x16xf32, #tpu.memory_space<vmem_shared>>
      tpu.wait_dma2 semaphore(%run_scoped3A : memref<!tpu.dma_semaphore, #tpu.memory_space<semaphore_mem>>) src(%arg5 : memref<632x16xf32, #tpu.memory_space<hbm>>) dst(%dma_wait3A_27 : memref<632x16xf32, #tpu.memory_space<vmem_shared>>)
      tpu.yield
    }) : () -> ()
    %barrier3A = arith.constant 0 : index
    tpu.barrier barrier_id(%barrier3A)
    %scan3A = arith.constant 0 : i32
    %scan3A_9 = arith.constant 0 : i32
    %scan3A_10 = arith.constant 10 : i32
    %scan3A_11 = arith.addi %scan3A_9, %scan3A_10 : i32
    %scan3A_12 = arith.constant 1 : i32
    scf.for %scan3A_26 = %scan3A_9 to %scan3A_11 step %scan3A_12  : i32 {
      %mul3A_27 = arith.constant 8 : i32
      %mul3A_28 = arith.muli %scan3A_26, %mul3A_27 : i32
      %add3A_29 = arith.constant 0 : i32
      %add3A_30 = arith.addi %mul3A_28, %add3A_29 : i32
      %dma_start3A = arith.constant 0 : i32
      %dma_start3A_31 = tpu.memref_slice %arg10[%add3A_30, %dma_start3A] : memref<80x128xi32, #tpu.memory_space<vmem>> -> memref<1x128xi32, #tpu.memory_space<vmem>>
      %dma_start3A_32 = tpu.memref_squeeze %dma_start3A_31 : memref<1x128xi32, #tpu.memory_space<vmem>> -> memref<128xi32, #tpu.memory_space<vmem>>
      %dma_start3A_33 = arith.constant 0 : i32
      %dma_start3A_34 = arith.constant 0 : i32
      %dma_start3A_35 = tpu.memref_slice %arg8[%dma_start3A_33, %dma_start3A_34] : memref<10112x16xf32, #tpu.memory_space<vmem_shared>> -> memref<10112x16xf32, #tpu.memory_space<vmem_shared>>
      tpu.enqueue_indirect_dma source(%arg12 : memref<128x16xf32, #tpu.memory_space<vmem>>) target(%dma_start3A_35 : memref<10112x16xf32, #tpu.memory_space<vmem_shared>>) offsets(%dma_start3A_32 : memref<128xi32, #tpu.memory_space<vmem>>) semaphore(%arg13 : memref<!tpu.dma_semaphore, #tpu.memory_space<semaphore_mem>>) {add = true}
      %add3A_36 = arith.constant 0 : i32
      %add3A_37 = arith.addi %mul3A_28, %add3A_36 : i32
      %dma_start3A_38 = arith.constant 0 : i32
      %dma_start3A_39 = tpu.memref_slice %arg11[%add3A_37, %dma_start3A_38] : memref<80x128xi32, #tpu.memory_space<vmem>> -> memref<1x128xi32, #tpu.memory_space<vmem>>
      %dma_start3A_40 = tpu.memref_squeeze %dma_start3A_39 : memref<1x128xi32, #tpu.memory_space<vmem>> -> memref<128xi32, #tpu.memory_space<vmem>>
      %dma_start3A_41 = arith.constant 0 : i32
      %dma_start3A_42 = arith.constant 0 : i32
      %dma_start3A_43 = tpu.memref_slice %arg9[%dma_start3A_41, %dma_start3A_42] : memref<10112x16xf32, #tpu.memory_space<vmem_shared>> -> memref<10112x16xf32, #tpu.memory_space<vmem_shared>>
      tpu.enqueue_indirect_dma source(%arg12 : memref<128x16xf32, #tpu.memory_space<vmem>>) target(%dma_start3A_43 : memref<10112x16xf32, #tpu.memory_space<vmem_shared>>) offsets(%dma_start3A_40 : memref<128xi32, #tpu.memory_space<vmem>>) semaphore(%arg13 : memref<!tpu.dma_semaphore, #tpu.memory_space<semaphore_mem>>) {add = true}
      %add3A_44 = arith.constant 1 : i32
      %add3A_45 = arith.addi %mul3A_28, %add3A_44 : i32
      %dma_start3A_46 = arith.constant 0 : i32
      %dma_start3A_47 = tpu.memref_slice %arg10[%add3A_45, %dma_start3A_46] : memref<80x128xi32, #tpu.memory_space<vmem>> -> memref<1x128xi32, #tpu.memory_space<vmem>>
      %dma_start3A_48 = tpu.memref_squeeze %dma_start3A_47 : memref<1x128xi32, #tpu.memory_space<vmem>> -> memref<128xi32, #tpu.memory_space<vmem>>
      %dma_start3A_49 = arith.constant 0 : i32
      %dma_start3A_50 = arith.constant 0 : i32
      %dma_start3A_51 = tpu.memref_slice %arg8[%dma_start3A_49, %dma_start3A_50] : memref<10112x16xf32, #tpu.memory_space<vmem_shared>> -> memref<10112x16xf32, #tpu.memory_space<vmem_shared>>
      tpu.enqueue_indirect_dma source(%arg12 : memref<128x16xf32, #tpu.memory_space<vmem>>) target(%dma_start3A_51 : memref<10112x16xf32, #tpu.memory_space<vmem_shared>>) offsets(%dma_start3A_48 : memref<128xi32, #tpu.memory_space<vmem>>) semaphore(%arg13 : memref<!tpu.dma_semaphore, #tpu.memory_space<semaphore_mem>>) {add = true}
      %add3A_52 = arith.constant 1 : i32
      %add3A_53 = arith.addi %mul3A_28, %add3A_52 : i32
      %dma_start3A_54 = arith.constant 0 : i32
      %dma_start3A_55 = tpu.memref_slice %arg11[%add3A_53, %dma_start3A_54] : memref<80x128xi32, #tpu.memory_space<vmem>> -> memref<1x128xi32, #tpu.memory_space<vmem>>
      %dma_start3A_56 = tpu.memref_squeeze %dma_start3A_55 : memref<1x128xi32, #tpu.memory_space<vmem>> -> memref<128xi32, #tpu.memory_space<vmem>>
      %dma_start3A_57 = arith.constant 0 : i32
      %dma_start3A_58 = arith.constant 0 : i32
      %dma_start3A_59 = tpu.memref_slice %arg9[%dma_start3A_57, %dma_start3A_58] : memref<10112x16xf32, #tpu.memory_space<vmem_shared>> -> memref<10112x16xf32, #tpu.memory_space<vmem_shared>>
      tpu.enqueue_indirect_dma source(%arg12 : memref<128x16xf32, #tpu.memory_space<vmem>>) target(%dma_start3A_59 : memref<10112x16xf32, #tpu.memory_space<vmem_shared>>) offsets(%dma_start3A_56 : memref<128xi32, #tpu.memory_space<vmem>>) semaphore(%arg13 : memref<!tpu.dma_semaphore, #tpu.memory_space<semaphore_mem>>) {add = true}
      %add3A_60 = arith.constant 2 : i32
      %add3A_61 = arith.addi %mul3A_28, %add3A_60 : i32
      %dma_start3A_62 = arith.constant 0 : i32
      %dma_start3A_63 = tpu.memref_slice %arg10[%add3A_61, %dma_start3A_62] : memref<80x128xi32, #tpu.memory_space<vmem>> -> memref<1x128xi32, #tpu.memory_space<vmem>>
      %dma_start3A_64 = tpu.memref_squeeze %dma_start3A_63 : memref<1x128xi32, #tpu.memory_space<vmem>> -> memref<128xi32, #tpu.memory_space<vmem>>
      %dma_start3A_65 = arith.constant 0 : i32
      %dma_start3A_66 = arith.constant 0 : i32
      %dma_start3A_67 = tpu.memref_slice %arg8[%dma_start3A_65, %dma_start3A_66] : memref<10112x16xf32, #tpu.memory_space<vmem_shared>> -> memref<10112x16xf32, #tpu.memory_space<vmem_shared>>
      tpu.enqueue_indirect_dma source(%arg12 : memref<128x16xf32, #tpu.memory_space<vmem>>) target(%dma_start3A_67 : memref<10112x16xf32, #tpu.memory_space<vmem_shared>>) offsets(%dma_start3A_64 : memref<128xi32, #tpu.memory_space<vmem>>) semaphore(%arg13 : memref<!tpu.dma_semaphore, #tpu.memory_space<semaphore_mem>>) {add = true}
      %add3A_68 = arith.constant 2 : i32
      %add3A_69 = arith.addi %mul3A_28, %add3A_68 : i32
      %dma_start3A_70 = arith.constant 0 : i32
      %dma_start3A_71 = tpu.memref_slice %arg11[%add3A_69, %dma_start3A_70] : memref<80x128xi32, #tpu.memory_space<vmem>> -> memref<1x128xi32, #tpu.memory_space<vmem>>
      %dma_start3A_72 = tpu.memref_squeeze %dma_start3A_71 : memref<1x128xi32, #tpu.memory_space<vmem>> -> memref<128xi32, #tpu.memory_space<vmem>>
      %dma_start3A_73 = arith.constant 0 : i32
      %dma_start3A_74 = arith.constant 0 : i32
      %dma_start3A_75 = tpu.memref_slice %arg9[%dma_start3A_73, %dma_start3A_74] : memref<10112x16xf32, #tpu.memory_space<vmem_shared>> -> memref<10112x16xf32, #tpu.memory_space<vmem_shared>>
      tpu.enqueue_indirect_dma source(%arg12 : memref<128x16xf32, #tpu.memory_space<vmem>>) target(%dma_start3A_75 : memref<10112x16xf32, #tpu.memory_space<vmem_shared>>) offsets(%dma_start3A_72 : memref<128xi32, #tpu.memory_space<vmem>>) semaphore(%arg13 : memref<!tpu.dma_semaphore, #tpu.memory_space<semaphore_mem>>) {add = true}
      %add3A_76 = arith.constant 3 : i32
      %add3A_77 = arith.addi %mul3A_28, %add3A_76 : i32
      %dma_start3A_78 = arith.constant 0 : i32
      %dma_start3A_79 = tpu.memref_slice %arg10[%add3A_77, %dma_start3A_78] : memref<80x128xi32, #tpu.memory_space<vmem>> -> memref<1x128xi32, #tpu.memory_space<vmem>>
      %dma_start3A_80 = tpu.memref_squeeze %dma_start3A_79 : memref<1x128xi32, #tpu.memory_space<vmem>> -> memref<128xi32, #tpu.memory_space<vmem>>
      %dma_start3A_81 = arith.constant 0 : i32
      %dma_start3A_82 = arith.constant 0 : i32
      %dma_start3A_83 = tpu.memref_slice %arg8[%dma_start3A_81, %dma_start3A_82] : memref<10112x16xf32, #tpu.memory_space<vmem_shared>> -> memref<10112x16xf32, #tpu.memory_space<vmem_shared>>
      tpu.enqueue_indirect_dma source(%arg12 : memref<128x16xf32, #tpu.memory_space<vmem>>) target(%dma_start3A_83 : memref<10112x16xf32, #tpu.memory_space<vmem_shared>>) offsets(%dma_start3A_80 : memref<128xi32, #tpu.memory_space<vmem>>) semaphore(%arg13 : memref<!tpu.dma_semaphore, #tpu.memory_space<semaphore_mem>>) {add = true}
      %add3A_84 = arith.constant 3 : i32
      %add3A_85 = arith.addi %mul3A_28, %add3A_84 : i32
      %dma_start3A_86 = arith.constant 0 : i32
      %dma_start3A_87 = tpu.memref_slice %arg11[%add3A_85, %dma_start3A_86] : memref<80x128xi32, #tpu.memory_space<vmem>> -> memref<1x128xi32, #tpu.memory_space<vmem>>
      %dma_start3A_88 = tpu.memref_squeeze %dma_start3A_87 : memref<1x128xi32, #tpu.memory_space<vmem>> -> memref<128xi32, #tpu.memory_space<vmem>>
      %dma_start3A_89 = arith.constant 0 : i32
      %dma_start3A_90 = arith.constant 0 : i32
      %dma_start3A_91 = tpu.memref_slice %arg9[%dma_start3A_89, %dma_start3A_90] : memref<10112x16xf32, #tpu.memory_space<vmem_shared>> -> memref<10112x16xf32, #tpu.memory_space<vmem_shared>>
      tpu.enqueue_indirect_dma source(%arg12 : memref<128x16xf32, #tpu.memory_space<vmem>>) target(%dma_start3A_91 : memref<10112x16xf32, #tpu.memory_space<vmem_shared>>) offsets(%dma_start3A_88 : memref<128xi32, #tpu.memory_space<vmem>>) semaphore(%arg13 : memref<!tpu.dma_semaphore, #tpu.memory_space<semaphore_mem>>) {add = true}
      %add3A_92 = arith.constant 4 : i32
      %add3A_93 = arith.addi %mul3A_28, %add3A_92 : i32
      %dma_start3A_94 = arith.constant 0 : i32
      %dma_start3A_95 = tpu.memref_slice %arg10[%add3A_93, %dma_start3A_94] : memref<80x128xi32, #tpu.memory_space<vmem>> -> memref<1x128xi32, #tpu.memory_space<vmem>>
      %dma_start3A_96 = tpu.memref_squeeze %dma_start3A_95 : memref<1x128xi32, #tpu.memory_space<vmem>> -> memref<128xi32, #tpu.memory_space<vmem>>
      %dma_start3A_97 = arith.constant 0 : i32
      %dma_start3A_98 = arith.constant 0 : i32
      %dma_start3A_99 = tpu.memref_slice %arg8[%dma_start3A_97, %dma_start3A_98] : memref<10112x16xf32, #tpu.memory_space<vmem_shared>> -> memref<10112x16xf32, #tpu.memory_space<vmem_shared>>
      tpu.enqueue_indirect_dma source(%arg12 : memref<128x16xf32, #tpu.memory_space<vmem>>) target(%dma_start3A_99 : memref<10112x16xf32, #tpu.memory_space<vmem_shared>>) offsets(%dma_start3A_96 : memref<128xi32, #tpu.memory_space<vmem>>) semaphore(%arg13 : memref<!tpu.dma_semaphore, #tpu.memory_space<semaphore_mem>>) {add = true}
      %add3A_100 = arith.constant 4 : i32
      %add3A_101 = arith.addi %mul3A_28, %add3A_100 : i32
      %dma_start3A_102 = arith.constant 0 : i32
      %dma_start3A_103 = tpu.memref_slice %arg11[%add3A_101, %dma_start3A_102] : memref<80x128xi32, #tpu.memory_space<vmem>> -> memref<1x128xi32, #tpu.memory_space<vmem>>
      %dma_start3A_104 = tpu.memref_squeeze %dma_start3A_103 : memref<1x128xi32, #tpu.memory_space<vmem>> -> memref<128xi32, #tpu.memory_space<vmem>>
      %dma_start3A_105 = arith.constant 0 : i32
      %dma_start3A_106 = arith.constant 0 : i32
      %dma_start3A_107 = tpu.memref_slice %arg9[%dma_start3A_105, %dma_start3A_106] : memref<10112x16xf32, #tpu.memory_space<vmem_shared>> -> memref<10112x16xf32, #tpu.memory_space<vmem_shared>>
      tpu.enqueue_indirect_dma source(%arg12 : memref<128x16xf32, #tpu.memory_space<vmem>>) target(%dma_start3A_107 : memref<10112x16xf32, #tpu.memory_space<vmem_shared>>) offsets(%dma_start3A_104 : memref<128xi32, #tpu.memory_space<vmem>>) semaphore(%arg13 : memref<!tpu.dma_semaphore, #tpu.memory_space<semaphore_mem>>) {add = true}
      %add3A_108 = arith.constant 5 : i32
      %add3A_109 = arith.addi %mul3A_28, %add3A_108 : i32
      %dma_start3A_110 = arith.constant 0 : i32
      %dma_start3A_111 = tpu.memref_slice %arg10[%add3A_109, %dma_start3A_110] : memref<80x128xi32, #tpu.memory_space<vmem>> -> memref<1x128xi32, #tpu.memory_space<vmem>>
      %dma_start3A_112 = tpu.memref_squeeze %dma_start3A_111 : memref<1x128xi32, #tpu.memory_space<vmem>> -> memref<128xi32, #tpu.memory_space<vmem>>
      %dma_start3A_113 = arith.constant 0 : i32
      %dma_start3A_114 = arith.constant 0 : i32
      %dma_start3A_115 = tpu.memref_slice %arg8[%dma_start3A_113, %dma_start3A_114] : memref<10112x16xf32, #tpu.memory_space<vmem_shared>> -> memref<10112x16xf32, #tpu.memory_space<vmem_shared>>
      tpu.enqueue_indirect_dma source(%arg12 : memref<128x16xf32, #tpu.memory_space<vmem>>) target(%dma_start3A_115 : memref<10112x16xf32, #tpu.memory_space<vmem_shared>>) offsets(%dma_start3A_112 : memref<128xi32, #tpu.memory_space<vmem>>) semaphore(%arg13 : memref<!tpu.dma_semaphore, #tpu.memory_space<semaphore_mem>>) {add = true}
      %add3A_116 = arith.constant 5 : i32
      %add3A_117 = arith.addi %mul3A_28, %add3A_116 : i32
      %dma_start3A_118 = arith.constant 0 : i32
      %dma_start3A_119 = tpu.memref_slice %arg11[%add3A_117, %dma_start3A_118] : memref<80x128xi32, #tpu.memory_space<vmem>> -> memref<1x128xi32, #tpu.memory_space<vmem>>
      %dma_start3A_120 = tpu.memref_squeeze %dma_start3A_119 : memref<1x128xi32, #tpu.memory_space<vmem>> -> memref<128xi32, #tpu.memory_space<vmem>>
      %dma_start3A_121 = arith.constant 0 : i32
      %dma_start3A_122 = arith.constant 0 : i32
      %dma_start3A_123 = tpu.memref_slice %arg9[%dma_start3A_121, %dma_start3A_122] : memref<10112x16xf32, #tpu.memory_space<vmem_shared>> -> memref<10112x16xf32, #tpu.memory_space<vmem_shared>>
      tpu.enqueue_indirect_dma source(%arg12 : memref<128x16xf32, #tpu.memory_space<vmem>>) target(%dma_start3A_123 : memref<10112x16xf32, #tpu.memory_space<vmem_shared>>) offsets(%dma_start3A_120 : memref<128xi32, #tpu.memory_space<vmem>>) semaphore(%arg13 : memref<!tpu.dma_semaphore, #tpu.memory_space<semaphore_mem>>) {add = true}
      %add3A_124 = arith.constant 6 : i32
      %add3A_125 = arith.addi %mul3A_28, %add3A_124 : i32
      %dma_start3A_126 = arith.constant 0 : i32
      %dma_start3A_127 = tpu.memref_slice %arg10[%add3A_125, %dma_start3A_126] : memref<80x128xi32, #tpu.memory_space<vmem>> -> memref<1x128xi32, #tpu.memory_space<vmem>>
      %dma_start3A_128 = tpu.memref_squeeze %dma_start3A_127 : memref<1x128xi32, #tpu.memory_space<vmem>> -> memref<128xi32, #tpu.memory_space<vmem>>
      %dma_start3A_129 = arith.constant 0 : i32
      %dma_start3A_130 = arith.constant 0 : i32
      %dma_start3A_131 = tpu.memref_slice %arg8[%dma_start3A_129, %dma_start3A_130] : memref<10112x16xf32, #tpu.memory_space<vmem_shared>> -> memref<10112x16xf32, #tpu.memory_space<vmem_shared>>
      tpu.enqueue_indirect_dma source(%arg12 : memref<128x16xf32, #tpu.memory_space<vmem>>) target(%dma_start3A_131 : memref<10112x16xf32, #tpu.memory_space<vmem_shared>>) offsets(%dma_start3A_128 : memref<128xi32, #tpu.memory_space<vmem>>) semaphore(%arg13 : memref<!tpu.dma_semaphore, #tpu.memory_space<semaphore_mem>>) {add = true}
      %add3A_132 = arith.constant 6 : i32
      %add3A_133 = arith.addi %mul3A_28, %add3A_132 : i32
      %dma_start3A_134 = arith.constant 0 : i32
      %dma_start3A_135 = tpu.memref_slice %arg11[%add3A_133, %dma_start3A_134] : memref<80x128xi32, #tpu.memory_space<vmem>> -> memref<1x128xi32, #tpu.memory_space<vmem>>
      %dma_start3A_136 = tpu.memref_squeeze %dma_start3A_135 : memref<1x128xi32, #tpu.memory_space<vmem>> -> memref<128xi32, #tpu.memory_space<vmem>>
      %dma_start3A_137 = arith.constant 0 : i32
      %dma_start3A_138 = arith.constant 0 : i32
      %dma_start3A_139 = tpu.memref_slice %arg9[%dma_start3A_137, %dma_start3A_138] : memref<10112x16xf32, #tpu.memory_space<vmem_shared>> -> memref<10112x16xf32, #tpu.memory_space<vmem_shared>>
      tpu.enqueue_indirect_dma source(%arg12 : memref<128x16xf32, #tpu.memory_space<vmem>>) target(%dma_start3A_139 : memref<10112x16xf32, #tpu.memory_space<vmem_shared>>) offsets(%dma_start3A_136 : memref<128xi32, #tpu.memory_space<vmem>>) semaphore(%arg13 : memref<!tpu.dma_semaphore, #tpu.memory_space<semaphore_mem>>) {add = true}
      %add3A_140 = arith.constant 7 : i32
      %add3A_141 = arith.addi %mul3A_28, %add3A_140 : i32
      %dma_start3A_142 = arith.constant 0 : i32
      %dma_start3A_143 = tpu.memref_slice %arg10[%add3A_141, %dma_start3A_142] : memref<80x128xi32, #tpu.memory_space<vmem>> -> memref<1x128xi32, #tpu.memory_space<vmem>>
      %dma_start3A_144 = tpu.memref_squeeze %dma_start3A_143 : memref<1x128xi32, #tpu.memory_space<vmem>> -> memref<128xi32, #tpu.memory_space<vmem>>
      %dma_start3A_145 = arith.constant 0 : i32
      %dma_start3A_146 = arith.constant 0 : i32
      %dma_start3A_147 = tpu.memref_slice %arg8[%dma_start3A_145, %dma_start3A_146] : memref<10112x16xf32, #tpu.memory_space<vmem_shared>> -> memref<10112x16xf32, #tpu.memory_space<vmem_shared>>
      tpu.enqueue_indirect_dma source(%arg12 : memref<128x16xf32, #tpu.memory_space<vmem>>) target(%dma_start3A_147 : memref<10112x16xf32, #tpu.memory_space<vmem_shared>>) offsets(%dma_start3A_144 : memref<128xi32, #tpu.memory_space<vmem>>) semaphore(%arg13 : memref<!tpu.dma_semaphore, #tpu.memory_space<semaphore_mem>>) {add = true}
      %add3A_148 = arith.constant 7 : i32
      %add3A_149 = arith.addi %mul3A_28, %add3A_148 : i32
      %dma_start3A_150 = arith.constant 0 : i32
      %dma_start3A_151 = tpu.memref_slice %arg11[%add3A_149, %dma_start3A_150] : memref<80x128xi32, #tpu.memory_space<vmem>> -> memref<1x128xi32, #tpu.memory_space<vmem>>
      %dma_start3A_152 = tpu.memref_squeeze %dma_start3A_151 : memref<1x128xi32, #tpu.memory_space<vmem>> -> memref<128xi32, #tpu.memory_space<vmem>>
      %dma_start3A_153 = arith.constant 0 : i32
      %dma_start3A_154 = arith.constant 0 : i32
      %dma_start3A_155 = tpu.memref_slice %arg9[%dma_start3A_153, %dma_start3A_154] : memref<10112x16xf32, #tpu.memory_space<vmem_shared>> -> memref<10112x16xf32, #tpu.memory_space<vmem_shared>>
      tpu.enqueue_indirect_dma source(%arg12 : memref<128x16xf32, #tpu.memory_space<vmem>>) target(%dma_start3A_155 : memref<10112x16xf32, #tpu.memory_space<vmem_shared>>) offsets(%dma_start3A_152 : memref<128xi32, #tpu.memory_space<vmem>>) semaphore(%arg13 : memref<!tpu.dma_semaphore, #tpu.memory_space<semaphore_mem>>) {add = true}
      %dma_wait3A = arith.constant 0 : i32
      %dma_wait3A_156 = tpu.memref_slice %arg10[%add3A_30, %dma_wait3A] : memref<80x128xi32, #tpu.memory_space<vmem>> -> memref<1x128xi32, #tpu.memory_space<vmem>>
      %dma_wait3A_157 = tpu.memref_squeeze %dma_wait3A_156 : memref<1x128xi32, #tpu.memory_space<vmem>> -> memref<128xi32, #tpu.memory_space<vmem>>
      %dma_wait3A_158 = arith.constant 0 : i32
      %dma_wait3A_159 = arith.constant 0 : i32
      %dma_wait3A_160 = tpu.memref_slice %arg8[%dma_wait3A_158, %dma_wait3A_159] : memref<10112x16xf32, #tpu.memory_space<vmem_shared>> -> memref<10112x16xf32, #tpu.memory_space<vmem_shared>>
      tpu.wait_indirect_dma semaphore(%arg13 : memref<!tpu.dma_semaphore, #tpu.memory_space<semaphore_mem>>) src(%arg12 : memref<128x16xf32, #tpu.memory_space<vmem>>) dst(%dma_wait3A_160 : memref<10112x16xf32, #tpu.memory_space<vmem_shared>>)
      %dma_wait3A_161 = arith.constant 0 : i32
      %dma_wait3A_162 = tpu.memref_slice %arg11[%add3A_37, %dma_wait3A_161] : memref<80x128xi32, #tpu.memory_space<vmem>> -> memref<1x128xi32, #tpu.memory_space<vmem>>
      %dma_wait3A_163 = tpu.memref_squeeze %dma_wait3A_162 : memref<1x128xi32, #tpu.memory_space<vmem>> -> memref<128xi32, #tpu.memory_space<vmem>>
      %dma_wait3A_164 = arith.constant 0 : i32
      %dma_wait3A_165 = arith.constant 0 : i32
      %dma_wait3A_166 = tpu.memref_slice %arg9[%dma_wait3A_164, %dma_wait3A_165] : memref<10112x16xf32, #tpu.memory_space<vmem_shared>> -> memref<10112x16xf32, #tpu.memory_space<vmem_shared>>
      tpu.wait_indirect_dma semaphore(%arg13 : memref<!tpu.dma_semaphore, #tpu.memory_space<semaphore_mem>>) src(%arg12 : memref<128x16xf32, #tpu.memory_space<vmem>>) dst(%dma_wait3A_166 : memref<10112x16xf32, #tpu.memory_space<vmem_shared>>)
      %dma_wait3A_167 = arith.constant 0 : i32
      %dma_wait3A_168 = tpu.memref_slice %arg10[%add3A_45, %dma_wait3A_167] : memref<80x128xi32, #tpu.memory_space<vmem>> -> memref<1x128xi32, #tpu.memory_space<vmem>>
      %dma_wait3A_169 = tpu.memref_squeeze %dma_wait3A_168 : memref<1x128xi32, #tpu.memory_space<vmem>> -> memref<128xi32, #tpu.memory_space<vmem>>
      %dma_wait3A_170 = arith.constant 0 : i32
      %dma_wait3A_171 = arith.constant 0 : i32
      %dma_wait3A_172 = tpu.memref_slice %arg8[%dma_wait3A_170, %dma_wait3A_171] : memref<10112x16xf32, #tpu.memory_space<vmem_shared>> -> memref<10112x16xf32, #tpu.memory_space<vmem_shared>>
      tpu.wait_indirect_dma semaphore(%arg13 : memref<!tpu.dma_semaphore, #tpu.memory_space<semaphore_mem>>) src(%arg12 : memref<128x16xf32, #tpu.memory_space<vmem>>) dst(%dma_wait3A_172 : memref<10112x16xf32, #tpu.memory_space<vmem_shared>>)
      %dma_wait3A_173 = arith.constant 0 : i32
      %dma_wait3A_174 = tpu.memref_slice %arg11[%add3A_53, %dma_wait3A_173] : memref<80x128xi32, #tpu.memory_space<vmem>> -> memref<1x128xi32, #tpu.memory_space<vmem>>
      %dma_wait3A_175 = tpu.memref_squeeze %dma_wait3A_174 : memref<1x128xi32, #tpu.memory_space<vmem>> -> memref<128xi32, #tpu.memory_space<vmem>>
      %dma_wait3A_176 = arith.constant 0 : i32
      %dma_wait3A_177 = arith.constant 0 : i32
      %dma_wait3A_178 = tpu.memref_slice %arg9[%dma_wait3A_176, %dma_wait3A_177] : memref<10112x16xf32, #tpu.memory_space<vmem_shared>> -> memref<10112x16xf32, #tpu.memory_space<vmem_shared>>
      tpu.wait_indirect_dma semaphore(%arg13 : memref<!tpu.dma_semaphore, #tpu.memory_space<semaphore_mem>>) src(%arg12 : memref<128x16xf32, #tpu.memory_space<vmem>>) dst(%dma_wait3A_178 : memref<10112x16xf32, #tpu.memory_space<vmem_shared>>)
      %dma_wait3A_179 = arith.constant 0 : i32
      %dma_wait3A_180 = tpu.memref_slice %arg10[%add3A_61, %dma_wait3A_179] : memref<80x128xi32, #tpu.memory_space<vmem>> -> memref<1x128xi32, #tpu.memory_space<vmem>>
      %dma_wait3A_181 = tpu.memref_squeeze %dma_wait3A_180 : memref<1x128xi32, #tpu.memory_space<vmem>> -> memref<128xi32, #tpu.memory_space<vmem>>
      %dma_wait3A_182 = arith.constant 0 : i32
      %dma_wait3A_183 = arith.constant 0 : i32
      %dma_wait3A_184 = tpu.memref_slice %arg8[%dma_wait3A_182, %dma_wait3A_183] : memref<10112x16xf32, #tpu.memory_space<vmem_shared>> -> memref<10112x16xf32, #tpu.memory_space<vmem_shared>>
      tpu.wait_indirect_dma semaphore(%arg13 : memref<!tpu.dma_semaphore, #tpu.memory_space<semaphore_mem>>) src(%arg12 : memref<128x16xf32, #tpu.memory_space<vmem>>) dst(%dma_wait3A_184 : memref<10112x16xf32, #tpu.memory_space<vmem_shared>>)
      %dma_wait3A_185 = arith.constant 0 : i32
      %dma_wait3A_186 = tpu.memref_slice %arg11[%add3A_69, %dma_wait3A_185] : memref<80x128xi32, #tpu.memory_space<vmem>> -> memref<1x128xi32, #tpu.memory_space<vmem>>
      %dma_wait3A_187 = tpu.memref_squeeze %dma_wait3A_186 : memref<1x128xi32, #tpu.memory_space<vmem>> -> memref<128xi32, #tpu.memory_space<vmem>>
      %dma_wait3A_188 = arith.constant 0 : i32
      %dma_wait3A_189 = arith.constant 0 : i32
      %dma_wait3A_190 = tpu.memref_slice %arg9[%dma_wait3A_188, %dma_wait3A_189] : memref<10112x16xf32, #tpu.memory_space<vmem_shared>> -> memref<10112x16xf32, #tpu.memory_space<vmem_shared>>
      tpu.wait_indirect_dma semaphore(%arg13 : memref<!tpu.dma_semaphore, #tpu.memory_space<semaphore_mem>>) src(%arg12 : memref<128x16xf32, #tpu.memory_space<vmem>>) dst(%dma_wait3A_190 : memref<10112x16xf32, #tpu.memory_space<vmem_shared>>)
      %dma_wait3A_191 = arith.constant 0 : i32
      %dma_wait3A_192 = tpu.memref_slice %arg10[%add3A_77, %dma_wait3A_191] : memref<80x128xi32, #tpu.memory_space<vmem>> -> memref<1x128xi32, #tpu.memory_space<vmem>>
      %dma_wait3A_193 = tpu.memref_squeeze %dma_wait3A_192 : memref<1x128xi32, #tpu.memory_space<vmem>> -> memref<128xi32, #tpu.memory_space<vmem>>
      %dma_wait3A_194 = arith.constant 0 : i32
      %dma_wait3A_195 = arith.constant 0 : i32
      %dma_wait3A_196 = tpu.memref_slice %arg8[%dma_wait3A_194, %dma_wait3A_195] : memref<10112x16xf32, #tpu.memory_space<vmem_shared>> -> memref<10112x16xf32, #tpu.memory_space<vmem_shared>>
      tpu.wait_indirect_dma semaphore(%arg13 : memref<!tpu.dma_semaphore, #tpu.memory_space<semaphore_mem>>) src(%arg12 : memref<128x16xf32, #tpu.memory_space<vmem>>) dst(%dma_wait3A_196 : memref<10112x16xf32, #tpu.memory_space<vmem_shared>>)
      %dma_wait3A_197 = arith.constant 0 : i32
      %dma_wait3A_198 = tpu.memref_slice %arg11[%add3A_85, %dma_wait3A_197] : memref<80x128xi32, #tpu.memory_space<vmem>> -> memref<1x128xi32, #tpu.memory_space<vmem>>
      %dma_wait3A_199 = tpu.memref_squeeze %dma_wait3A_198 : memref<1x128xi32, #tpu.memory_space<vmem>> -> memref<128xi32, #tpu.memory_space<vmem>>
      %dma_wait3A_200 = arith.constant 0 : i32
      %dma_wait3A_201 = arith.constant 0 : i32
      %dma_wait3A_202 = tpu.memref_slice %arg9[%dma_wait3A_200, %dma_wait3A_201] : memref<10112x16xf32, #tpu.memory_space<vmem_shared>> -> memref<10112x16xf32, #tpu.memory_space<vmem_shared>>
      tpu.wait_indirect_dma semaphore(%arg13 : memref<!tpu.dma_semaphore, #tpu.memory_space<semaphore_mem>>) src(%arg12 : memref<128x16xf32, #tpu.memory_space<vmem>>) dst(%dma_wait3A_202 : memref<10112x16xf32, #tpu.memory_space<vmem_shared>>)
      %dma_wait3A_203 = arith.constant 0 : i32
      %dma_wait3A_204 = tpu.memref_slice %arg10[%add3A_93, %dma_wait3A_203] : memref<80x128xi32, #tpu.memory_space<vmem>> -> memref<1x128xi32, #tpu.memory_space<vmem>>
      %dma_wait3A_205 = tpu.memref_squeeze %dma_wait3A_204 : memref<1x128xi32, #tpu.memory_space<vmem>> -> memref<128xi32, #tpu.memory_space<vmem>>
      %dma_wait3A_206 = arith.constant 0 : i32
      %dma_wait3A_207 = arith.constant 0 : i32
      %dma_wait3A_208 = tpu.memref_slice %arg8[%dma_wait3A_206, %dma_wait3A_207] : memref<10112x16xf32, #tpu.memory_space<vmem_shared>> -> memref<10112x16xf32, #tpu.memory_space<vmem_shared>>
      tpu.wait_indirect_dma semaphore(%arg13 : memref<!tpu.dma_semaphore, #tpu.memory_space<semaphore_mem>>) src(%arg12 : memref<128x16xf32, #tpu.memory_space<vmem>>) dst(%dma_wait3A_208 : memref<10112x16xf32, #tpu.memory_space<vmem_shared>>)
      %dma_wait3A_209 = arith.constant 0 : i32
      %dma_wait3A_210 = tpu.memref_slice %arg11[%add3A_101, %dma_wait3A_209] : memref<80x128xi32, #tpu.memory_space<vmem>> -> memref<1x128xi32, #tpu.memory_space<vmem>>
      %dma_wait3A_211 = tpu.memref_squeeze %dma_wait3A_210 : memref<1x128xi32, #tpu.memory_space<vmem>> -> memref<128xi32, #tpu.memory_space<vmem>>
      %dma_wait3A_212 = arith.constant 0 : i32
      %dma_wait3A_213 = arith.constant 0 : i32
      %dma_wait3A_214 = tpu.memref_slice %arg9[%dma_wait3A_212, %dma_wait3A_213] : memref<10112x16xf32, #tpu.memory_space<vmem_shared>> -> memref<10112x16xf32, #tpu.memory_space<vmem_shared>>
      tpu.wait_indirect_dma semaphore(%arg13 : memref<!tpu.dma_semaphore, #tpu.memory_space<semaphore_mem>>) src(%arg12 : memref<128x16xf32, #tpu.memory_space<vmem>>) dst(%dma_wait3A_214 : memref<10112x16xf32, #tpu.memory_space<vmem_shared>>)
      %dma_wait3A_215 = arith.constant 0 : i32
      %dma_wait3A_216 = tpu.memref_slice %arg10[%add3A_109, %dma_wait3A_215] : memref<80x128xi32, #tpu.memory_space<vmem>> -> memref<1x128xi32, #tpu.memory_space<vmem>>
      %dma_wait3A_217 = tpu.memref_squeeze %dma_wait3A_216 : memref<1x128xi32, #tpu.memory_space<vmem>> -> memref<128xi32, #tpu.memory_space<vmem>>
      %dma_wait3A_218 = arith.constant 0 : i32
      %dma_wait3A_219 = arith.constant 0 : i32
      %dma_wait3A_220 = tpu.memref_slice %arg8[%dma_wait3A_218, %dma_wait3A_219] : memref<10112x16xf32, #tpu.memory_space<vmem_shared>> -> memref<10112x16xf32, #tpu.memory_space<vmem_shared>>
      tpu.wait_indirect_dma semaphore(%arg13 : memref<!tpu.dma_semaphore, #tpu.memory_space<semaphore_mem>>) src(%arg12 : memref<128x16xf32, #tpu.memory_space<vmem>>) dst(%dma_wait3A_220 : memref<10112x16xf32, #tpu.memory_space<vmem_shared>>)
      %dma_wait3A_221 = arith.constant 0 : i32
      %dma_wait3A_222 = tpu.memref_slice %arg11[%add3A_117, %dma_wait3A_221] : memref<80x128xi32, #tpu.memory_space<vmem>> -> memref<1x128xi32, #tpu.memory_space<vmem>>
      %dma_wait3A_223 = tpu.memref_squeeze %dma_wait3A_222 : memref<1x128xi32, #tpu.memory_space<vmem>> -> memref<128xi32, #tpu.memory_space<vmem>>
      %dma_wait3A_224 = arith.constant 0 : i32
      %dma_wait3A_225 = arith.constant 0 : i32
      %dma_wait3A_226 = tpu.memref_slice %arg9[%dma_wait3A_224, %dma_wait3A_225] : memref<10112x16xf32, #tpu.memory_space<vmem_shared>> -> memref<10112x16xf32, #tpu.memory_space<vmem_shared>>
      tpu.wait_indirect_dma semaphore(%arg13 : memref<!tpu.dma_semaphore, #tpu.memory_space<semaphore_mem>>) src(%arg12 : memref<128x16xf32, #tpu.memory_space<vmem>>) dst(%dma_wait3A_226 : memref<10112x16xf32, #tpu.memory_space<vmem_shared>>)
      %dma_wait3A_227 = arith.constant 0 : i32
      %dma_wait3A_228 = tpu.memref_slice %arg10[%add3A_125, %dma_wait3A_227] : memref<80x128xi32, #tpu.memory_space<vmem>> -> memref<1x128xi32, #tpu.memory_space<vmem>>
      %dma_wait3A_229 = tpu.memref_squeeze %dma_wait3A_228 : memref<1x128xi32, #tpu.memory_space<vmem>> -> memref<128xi32, #tpu.memory_space<vmem>>
      %dma_wait3A_230 = arith.constant 0 : i32
      %dma_wait3A_231 = arith.constant 0 : i32
      %dma_wait3A_232 = tpu.memref_slice %arg8[%dma_wait3A_230, %dma_wait3A_231] : memref<10112x16xf32, #tpu.memory_space<vmem_shared>> -> memref<10112x16xf32, #tpu.memory_space<vmem_shared>>
      tpu.wait_indirect_dma semaphore(%arg13 : memref<!tpu.dma_semaphore, #tpu.memory_space<semaphore_mem>>) src(%arg12 : memref<128x16xf32, #tpu.memory_space<vmem>>) dst(%dma_wait3A_232 : memref<10112x16xf32, #tpu.memory_space<vmem_shared>>)
      %dma_wait3A_233 = arith.constant 0 : i32
      %dma_wait3A_234 = tpu.memref_slice %arg11[%add3A_133, %dma_wait3A_233] : memref<80x128xi32, #tpu.memory_space<vmem>> -> memref<1x128xi32, #tpu.memory_space<vmem>>
      %dma_wait3A_235 = tpu.memref_squeeze %dma_wait3A_234 : memref<1x128xi32, #tpu.memory_space<vmem>> -> memref<128xi32, #tpu.memory_space<vmem>>
      %dma_wait3A_236 = arith.constant 0 : i32
      %dma_wait3A_237 = arith.constant 0 : i32
      %dma_wait3A_238 = tpu.memref_slice %arg9[%dma_wait3A_236, %dma_wait3A_237] : memref<10112x16xf32, #tpu.memory_space<vmem_shared>> -> memref<10112x16xf32, #tpu.memory_space<vmem_shared>>
      tpu.wait_indirect_dma semaphore(%arg13 : memref<!tpu.dma_semaphore, #tpu.memory_space<semaphore_mem>>) src(%arg12 : memref<128x16xf32, #tpu.memory_space<vmem>>) dst(%dma_wait3A_238 : memref<10112x16xf32, #tpu.memory_space<vmem_shared>>)
      %dma_wait3A_239 = arith.constant 0 : i32
      %dma_wait3A_240 = tpu.memref_slice %arg10[%add3A_141, %dma_wait3A_239] : memref<80x128xi32, #tpu.memory_space<vmem>> -> memref<1x128xi32, #tpu.memory_space<vmem>>
      %dma_wait3A_241 = tpu.memref_squeeze %dma_wait3A_240 : memref<1x128xi32, #tpu.memory_space<vmem>> -> memref<128xi32, #tpu.memory_space<vmem>>
      %dma_wait3A_242 = arith.constant 0 : i32
      %dma_wait3A_243 = arith.constant 0 : i32
      %dma_wait3A_244 = tpu.memref_slice %arg8[%dma_wait3A_242, %dma_wait3A_243] : memref<10112x16xf32, #tpu.memory_space<vmem_shared>> -> memref<10112x16xf32, #tpu.memory_space<vmem_shared>>
      tpu.wait_indirect_dma semaphore(%arg13 : memref<!tpu.dma_semaphore, #tpu.memory_space<semaphore_mem>>) src(%arg12 : memref<128x16xf32, #tpu.memory_space<vmem>>) dst(%dma_wait3A_244 : memref<10112x16xf32, #tpu.memory_space<vmem_shared>>)
      %dma_wait3A_245 = arith.constant 0 : i32
      %dma_wait3A_246 = tpu.memref_slice %arg11[%add3A_149, %dma_wait3A_245] : memref<80x128xi32, #tpu.memory_space<vmem>> -> memref<1x128xi32, #tpu.memory_space<vmem>>
      %dma_wait3A_247 = tpu.memref_squeeze %dma_wait3A_246 : memref<1x128xi32, #tpu.memory_space<vmem>> -> memref<128xi32, #tpu.memory_space<vmem>>
      %dma_wait3A_248 = arith.constant 0 : i32
      %dma_wait3A_249 = arith.constant 0 : i32
      %dma_wait3A_250 = tpu.memref_slice %arg9[%dma_wait3A_248, %dma_wait3A_249] : memref<10112x16xf32, #tpu.memory_space<vmem_shared>> -> memref<10112x16xf32, #tpu.memory_space<vmem_shared>>
      tpu.wait_indirect_dma semaphore(%arg13 : memref<!tpu.dma_semaphore, #tpu.memory_space<semaphore_mem>>) src(%arg12 : memref<128x16xf32, #tpu.memory_space<vmem>>) dst(%dma_wait3A_250 : memref<10112x16xf32, #tpu.memory_space<vmem_shared>>)
    }
    %scan3A_13 = arith.constant 10 : i32
    %barrier3A_14 = arith.constant 0 : index
    tpu.barrier barrier_id(%barrier3A_14)
    %mul3A_15 = arith.constant 624 : i32
    %mul3A_16 = arith.muli %arg1, %mul3A_15 : i32
    "tpu.region"() ({
      %run_scoped3A = tpu.sem_alloc : memref<!tpu.dma_semaphore, #tpu.memory_space<semaphore_mem>>
      %dma_start3A = arith.constant 0 : i32
      %dma_start3A_26 = tpu.memref_slice %arg6[%arg0, %mul3A_16, %dma_start3A] : memref<2x10000x16xf32, #tpu.memory_space<hbm>> -> memref<1x624x16xf32, #tpu.memory_space<hbm>>
      %dma_start3A_27 = tpu.memref_squeeze %dma_start3A_26 : memref<1x624x16xf32, #tpu.memory_space<hbm>> -> memref<624x16xf32, #tpu.memory_space<hbm>>
      %dma_start3A_28 = arith.constant 0 : i32
      %dma_start3A_29 = tpu.memref_slice %arg8[%mul3A_16, %dma_start3A_28] : memref<10112x16xf32, #tpu.memory_space<vmem_shared>> -> memref<624x16xf32, #tpu.memory_space<vmem_shared>>
      tpu.enqueue_dma source(%dma_start3A_29 : memref<624x16xf32, #tpu.memory_space<vmem_shared>>) target(%dma_start3A_27 : memref<624x16xf32, #tpu.memory_space<hbm>>) target_semaphore(%run_scoped3A : memref<!tpu.dma_semaphore, #tpu.memory_space<semaphore_mem>>)
      %dma_wait3A = arith.constant 0 : i32
      %dma_wait3A_30 = tpu.memref_slice %arg6[%arg0, %mul3A_16, %dma_wait3A] : memref<2x10000x16xf32, #tpu.memory_space<hbm>> -> memref<1x624x16xf32, #tpu.memory_space<hbm>>
      %dma_wait3A_31 = tpu.memref_squeeze %dma_wait3A_30 : memref<1x624x16xf32, #tpu.memory_space<hbm>> -> memref<624x16xf32, #tpu.memory_space<hbm>>
      %dma_wait3A_32 = arith.constant 0 : i32
      %dma_wait3A_33 = tpu.memref_slice %arg8[%mul3A_16, %dma_wait3A_32] : memref<10112x16xf32, #tpu.memory_space<vmem_shared>> -> memref<624x16xf32, #tpu.memory_space<vmem_shared>>
      tpu.wait_dma2 semaphore(%run_scoped3A : memref<!tpu.dma_semaphore, #tpu.memory_space<semaphore_mem>>) src(%dma_wait3A_33 : memref<624x16xf32, #tpu.memory_space<vmem_shared>>) dst(%dma_wait3A_31 : memref<624x16xf32, #tpu.memory_space<hbm>>)
      tpu.yield
    }) : () -> ()
    %eq3A = arith.constant 15 : i32
    %eq3A_17 = arith.cmpi eq, %arg1, %eq3A : i32
    %convert_element_type3A = arith.extui %eq3A_17 : i1 to i32
    %cond3A = arith.constant 0 : i32
    %cond3A_18 = arith.cmpi ne, %convert_element_type3A, %cond3A : i32
    scf.if %cond3A_18 {
      "tpu.region"() ({
        %run_scoped3A = tpu.sem_alloc : memref<!tpu.dma_semaphore, #tpu.memory_space<semaphore_mem>>
        %dma_start3A = arith.constant 9984 : i32
        %dma_start3A_26 = arith.constant 0 : i32
        %dma_start3A_27 = tpu.memref_slice %arg6[%arg0, %dma_start3A, %dma_start3A_26] : memref<2x10000x16xf32, #tpu.memory_space<hbm>> -> memref<1x16x16xf32, #tpu.memory_space<hbm>>
        %dma_start3A_28 = tpu.memref_squeeze %dma_start3A_27 : memref<1x16x16xf32, #tpu.memory_space<hbm>> -> memref<16x16xf32, #tpu.memory_space<hbm>>
        %dma_start3A_29 = arith.constant 9984 : i32
        %dma_start3A_30 = arith.constant 0 : i32
        %dma_start3A_31 = tpu.memref_slice %arg8[%dma_start3A_29, %dma_start3A_30] : memref<10112x16xf32, #tpu.memory_space<vmem_shared>> -> memref<16x16xf32, #tpu.memory_space<vmem_shared>>
        tpu.enqueue_dma source(%dma_start3A_31 : memref<16x16xf32, #tpu.memory_space<vmem_shared>>) target(%dma_start3A_28 : memref<16x16xf32, #tpu.memory_space<hbm>>) target_semaphore(%run_scoped3A : memref<!tpu.dma_semaphore, #tpu.memory_space<semaphore_mem>>)
        %dma_wait3A = arith.constant 9984 : i32
        %dma_wait3A_32 = arith.constant 0 : i32
        %dma_wait3A_33 = tpu.memref_slice %arg6[%arg0, %dma_wait3A, %dma_wait3A_32] : memref<2x10000x16xf32, #tpu.memory_space<hbm>> -> memref<1x16x16xf32, #tpu.memory_space<hbm>>
        %dma_wait3A_34 = tpu.memref_squeeze %dma_wait3A_33 : memref<1x16x16xf32, #tpu.memory_space<hbm>> -> memref<16x16xf32, #tpu.memory_space<hbm>>
        %dma_wait3A_35 = arith.constant 9984 : i32
        %dma_wait3A_36 = arith.constant 0 : i32
        %dma_wait3A_37 = tpu.memref_slice %arg8[%dma_wait3A_35, %dma_wait3A_36] : memref<10112x16xf32, #tpu.memory_space<vmem_shared>> -> memref<16x16xf32, #tpu.memory_space<vmem_shared>>
        tpu.wait_dma2 semaphore(%run_scoped3A : memref<!tpu.dma_semaphore, #tpu.memory_space<semaphore_mem>>) src(%dma_wait3A_37 : memref<16x16xf32, #tpu.memory_space<vmem_shared>>) dst(%dma_wait3A_34 : memref<16x16xf32, #tpu.memory_space<hbm>>)
        tpu.yield
      }) : () -> ()
    } else {
    }
    %mul3A_19 = arith.constant 624 : i32
    %mul3A_20 = arith.muli %arg1, %mul3A_19 : i32
    "tpu.region"() ({
      %run_scoped3A = tpu.sem_alloc : memref<!tpu.dma_semaphore, #tpu.memory_space<semaphore_mem>>
      %dma_start3A = arith.constant 0 : i32
      %dma_start3A_26 = tpu.memref_slice %arg7[%arg0, %mul3A_20, %dma_start3A] : memref<2x10000x16xf32, #tpu.memory_space<hbm>> -> memref<1x624x16xf32, #tpu.memory_space<hbm>>
      %dma_start3A_27 = tpu.memref_squeeze %dma_start3A_26 : memref<1x624x16xf32, #tpu.memory_space<hbm>> -> memref<624x16xf32, #tpu.memory_space<hbm>>
      %dma_start3A_28 = arith.constant 0 : i32
      %dma_start3A_29 = tpu.memref_slice %arg9[%mul3A_20, %dma_start3A_28] : memref<10112x16xf32, #tpu.memory_space<vmem_shared>> -> memref<624x16xf32, #tpu.memory_space<vmem_shared>>
      tpu.enqueue_dma source(%dma_start3A_29 : memref<624x16xf32, #tpu.memory_space<vmem_shared>>) target(%dma_start3A_27 : memref<624x16xf32, #tpu.memory_space<hbm>>) target_semaphore(%run_scoped3A : memref<!tpu.dma_semaphore, #tpu.memory_space<semaphore_mem>>)
      %dma_wait3A = arith.constant 0 : i32
      %dma_wait3A_30 = tpu.memref_slice %arg7[%arg0, %mul3A_20, %dma_wait3A] : memref<2x10000x16xf32, #tpu.memory_space<hbm>> -> memref<1x624x16xf32, #tpu.memory_space<hbm>>
      %dma_wait3A_31 = tpu.memref_squeeze %dma_wait3A_30 : memref<1x624x16xf32, #tpu.memory_space<hbm>> -> memref<624x16xf32, #tpu.memory_space<hbm>>
      %dma_wait3A_32 = arith.constant 0 : i32
      %dma_wait3A_33 = tpu.memref_slice %arg9[%mul3A_20, %dma_wait3A_32] : memref<10112x16xf32, #tpu.memory_space<vmem_shared>> -> memref<624x16xf32, #tpu.memory_space<vmem_shared>>
      tpu.wait_dma2 semaphore(%run_scoped3A : memref<!tpu.dma_semaphore, #tpu.memory_space<semaphore_mem>>) src(%dma_wait3A_33 : memref<624x16xf32, #tpu.memory_space<vmem_shared>>) dst(%dma_wait3A_31 : memref<624x16xf32, #tpu.memory_space<hbm>>)
      tpu.yield
    }) : () -> ()
    %eq3A_21 = arith.constant 15 : i32
    %eq3A_22 = arith.cmpi eq, %arg1, %eq3A_21 : i32
    %convert_element_type3A_23 = arith.extui %eq3A_22 : i1 to i32
    %cond3A_24 = arith.constant 0 : i32
    %cond3A_25 = arith.cmpi ne, %convert_element_type3A_23, %cond3A_24 : i32
    scf.if %cond3A_25 {
      "tpu.region"() ({
        %run_scoped3A = tpu.sem_alloc : memref<!tpu.dma_semaphore, #tpu.memory_space<semaphore_mem>>
        %dma_start3A = arith.constant 9984 : i32
        %dma_start3A_26 = arith.constant 0 : i32
        %dma_start3A_27 = tpu.memref_slice %arg7[%arg0, %dma_start3A, %dma_start3A_26] : memref<2x10000x16xf32, #tpu.memory_space<hbm>> -> memref<1x16x16xf32, #tpu.memory_space<hbm>>
        %dma_start3A_28 = tpu.memref_squeeze %dma_start3A_27 : memref<1x16x16xf32, #tpu.memory_space<hbm>> -> memref<16x16xf32, #tpu.memory_space<hbm>>
        %dma_start3A_29 = arith.constant 9984 : i32
        %dma_start3A_30 = arith.constant 0 : i32
        %dma_start3A_31 = tpu.memref_slice %arg9[%dma_start3A_29, %dma_start3A_30] : memref<10112x16xf32, #tpu.memory_space<vmem_shared>> -> memref<16x16xf32, #tpu.memory_space<vmem_shared>>
        tpu.enqueue_dma source(%dma_start3A_31 : memref<16x16xf32, #tpu.memory_space<vmem_shared>>) target(%dma_start3A_28 : memref<16x16xf32, #tpu.memory_space<hbm>>) target_semaphore(%run_scoped3A : memref<!tpu.dma_semaphore, #tpu.memory_space<semaphore_mem>>)
        %dma_wait3A = arith.constant 9984 : i32
        %dma_wait3A_32 = arith.constant 0 : i32
        %dma_wait3A_33 = tpu.memref_slice %arg7[%arg0, %dma_wait3A, %dma_wait3A_32] : memref<2x10000x16xf32, #tpu.memory_space<hbm>> -> memref<1x16x16xf32, #tpu.memory_space<hbm>>
        %dma_wait3A_34 = tpu.memref_squeeze %dma_wait3A_33 : memref<1x16x16xf32, #tpu.memory_space<hbm>> -> memref<16x16xf32, #tpu.memory_space<hbm>>
        %dma_wait3A_35 = arith.constant 9984 : i32
        %dma_wait3A_36 = arith.constant 0 : i32
        %dma_wait3A_37 = tpu.memref_slice %arg9[%dma_wait3A_35, %dma_wait3A_36] : memref<10112x16xf32, #tpu.memory_space<vmem_shared>> -> memref<16x16xf32, #tpu.memory_space<vmem_shared>>
        tpu.wait_dma2 semaphore(%run_scoped3A : memref<!tpu.dma_semaphore, #tpu.memory_space<semaphore_mem>>) src(%dma_wait3A_37 : memref<16x16xf32, #tpu.memory_space<vmem_shared>>) dst(%dma_wait3A_34 : memref<16x16xf32, #tpu.memory_space<hbm>>)
        tpu.yield
      }) : () -> ()
    } else {
    }
    return
  }
}

#map = affine_map<(d0, d1) -> (0, 0)>
#map1 = affine_map<(d0, d1) -> (0, 0, 0)>
module attributes {stable_mosaic.version = 14 : i64} {
  func.func @agg_kernel(%arg0: i32, %arg1: i32, %arg2: memref<10000x128xf32, #tpu.memory_space<hbm>>, %arg3: memref<2568x128xi32, #tpu.memory_space<hbm>>, %arg4: memref<2568x128xi32, #tpu.memory_space<hbm>>, %arg5: memref<8x128xi32, #tpu.memory_space<hbm>>, %arg6: memref<632x128xf32, #tpu.memory_space<hbm>>, %arg7: memref<2x10000x128xf32, #tpu.memory_space<hbm>>, %arg8: memref<10112x128xf32, #tpu.memory_space<vmem_shared>>, %arg9: memref<128xi32, #tpu.memory_space<vmem>>, %arg10: memref<128xi32, #tpu.memory_space<vmem>>, %arg11: memref<8x128xi32, #tpu.memory_space<vmem>>, %arg12: memref<128x128xf32, #tpu.memory_space<vmem>>, %arg13: memref<128x128xf32, #tpu.memory_space<vmem>>, %arg14: memref<!tpu.dma_semaphore, #tpu.memory_space<semaphore_mem>>, %arg15: memref<!tpu.dma_semaphore, #tpu.memory_space<semaphore_mem>>, %arg16: memref<!tpu.dma_semaphore, #tpu.memory_space<semaphore_mem>>, %arg17: memref<!tpu.dma_semaphore, #tpu.memory_space<semaphore_mem>>) attributes {dimension_semantics = [#tpu.dimension_semantics<core_parallel>, #tpu.dimension_semantics<subcore_parallel>], iteration_bounds = array<i64: 2, 16>, scalar_prefetch = 0 : i64, scratch_operands = 10 : i64, tpu.core_type = #tpu.core_type<sc_vector_subcore>, window_params = [{transform_indices = #map}, {transform_indices = #map}, {transform_indices = #map}, {transform_indices = #map}, {transform_indices = #map}, {transform_indices = #map1}]} {
    %mul3A = arith.constant 16 : i32
    %mul3A_0 = arith.muli %arg0, %mul3A : i32
    %add3A = arith.addi %mul3A_0, %arg1 : i32
    %mul3A_1 = arith.constant 80 : i32
    %mul3A_2 = arith.muli %add3A, %mul3A_1 : i32
    "tpu.region"() ({
      %run_scoped3A = tpu.sem_alloc : memref<!tpu.dma_semaphore, #tpu.memory_space<semaphore_mem>>
      tpu.enqueue_dma source(%arg5 : memref<8x128xi32, #tpu.memory_space<hbm>>) target(%arg11 : memref<8x128xi32, #tpu.memory_space<vmem>>) target_semaphore(%run_scoped3A : memref<!tpu.dma_semaphore, #tpu.memory_space<semaphore_mem>>)
      tpu.wait_dma2 semaphore(%run_scoped3A : memref<!tpu.dma_semaphore, #tpu.memory_space<semaphore_mem>>) src(%arg5 : memref<8x128xi32, #tpu.memory_space<hbm>>) dst(%arg11 : memref<8x128xi32, #tpu.memory_space<vmem>>)
      tpu.yield
    }) : () -> ()
    %mul3A_3 = arith.constant 632 : i32
    %mul3A_4 = arith.muli %arg1, %mul3A_3 : i32
    "tpu.region"() ({
      %run_scoped3A = tpu.sem_alloc : memref<!tpu.dma_semaphore, #tpu.memory_space<semaphore_mem>>
      %dma_start3A = arith.constant 0 : i32
      %dma_start3A_15 = tpu.memref_slice %arg8[%mul3A_4, %dma_start3A] : memref<10112x128xf32, #tpu.memory_space<vmem_shared>> -> memref<632x128xf32, #tpu.memory_space<vmem_shared>>
      tpu.enqueue_dma source(%arg6 : memref<632x128xf32, #tpu.memory_space<hbm>>) target(%dma_start3A_15 : memref<632x128xf32, #tpu.memory_space<vmem_shared>>) target_semaphore(%run_scoped3A : memref<!tpu.dma_semaphore, #tpu.memory_space<semaphore_mem>>)
      %dma_wait3A = arith.constant 0 : i32
      %dma_wait3A_16 = tpu.memref_slice %arg8[%mul3A_4, %dma_wait3A] : memref<10112x128xf32, #tpu.memory_space<vmem_shared>> -> memref<632x128xf32, #tpu.memory_space<vmem_shared>>
      tpu.wait_dma2 semaphore(%run_scoped3A : memref<!tpu.dma_semaphore, #tpu.memory_space<semaphore_mem>>) src(%arg6 : memref<632x128xf32, #tpu.memory_space<hbm>>) dst(%dma_wait3A_16 : memref<632x128xf32, #tpu.memory_space<vmem_shared>>)
      tpu.yield
    }) : () -> ()
    %barrier3A = arith.constant 0 : index
    tpu.barrier barrier_id(%barrier3A)
    %scan3A = arith.constant 0 : i32
    %scan3A_5 = arith.constant 0 : i32
    %scan3A_6 = arith.constant 80 : i32
    %scan3A_7 = arith.addi %scan3A_5, %scan3A_6 : i32
    %scan3A_8 = arith.constant 1 : i32
    scf.for %scan3A_15 = %scan3A_5 to %scan3A_7 step %scan3A_8  : i32 {
      %add3A_16 = arith.addi %mul3A_2, %scan3A_15 : i32
      "tpu.region"() ({
        %run_scoped3A = tpu.sem_alloc : memref<!tpu.dma_semaphore, #tpu.memory_space<semaphore_mem>>
        %dma_start3A_28 = arith.constant 0 : i32
        %dma_start3A_29 = tpu.memref_slice %arg3[%add3A_16, %dma_start3A_28] : memref<2568x128xi32, #tpu.memory_space<hbm>> -> memref<1x128xi32, #tpu.memory_space<hbm>>
        %dma_start3A_30 = tpu.memref_squeeze %dma_start3A_29 : memref<1x128xi32, #tpu.memory_space<hbm>> -> memref<128xi32, #tpu.memory_space<hbm>>
        %dma_start3A_31 = arith.constant 0 : i32
        %dma_start3A_32 = tpu.memref_slice %arg3[%add3A_16, %dma_start3A_31] : memref<2568x128xi32, #tpu.memory_space<hbm>> -> memref<1x128xi32, #tpu.memory_space<hbm>>
        %dma_start3A_33 = tpu.memref_squeeze %dma_start3A_32 : memref<1x128xi32, #tpu.memory_space<hbm>> -> memref<128xi32, #tpu.memory_space<hbm>>
        tpu.enqueue_dma source(%dma_start3A_33 : memref<128xi32, #tpu.memory_space<hbm>>) target(%arg9 : memref<128xi32, #tpu.memory_space<vmem>>) target_semaphore(%run_scoped3A : memref<!tpu.dma_semaphore, #tpu.memory_space<semaphore_mem>>)
        %dma_wait3A_34 = arith.constant 0 : i32
        %dma_wait3A_35 = tpu.memref_slice %arg3[%add3A_16, %dma_wait3A_34] : memref<2568x128xi32, #tpu.memory_space<hbm>> -> memref<1x128xi32, #tpu.memory_space<hbm>>
        %dma_wait3A_36 = tpu.memref_squeeze %dma_wait3A_35 : memref<1x128xi32, #tpu.memory_space<hbm>> -> memref<128xi32, #tpu.memory_space<hbm>>
        %dma_wait3A_37 = arith.constant 0 : i32
        %dma_wait3A_38 = tpu.memref_slice %arg3[%add3A_16, %dma_wait3A_37] : memref<2568x128xi32, #tpu.memory_space<hbm>> -> memref<1x128xi32, #tpu.memory_space<hbm>>
        %dma_wait3A_39 = tpu.memref_squeeze %dma_wait3A_38 : memref<1x128xi32, #tpu.memory_space<hbm>> -> memref<128xi32, #tpu.memory_space<hbm>>
        tpu.wait_dma2 semaphore(%run_scoped3A : memref<!tpu.dma_semaphore, #tpu.memory_space<semaphore_mem>>) src(%dma_wait3A_39 : memref<128xi32, #tpu.memory_space<hbm>>) dst(%arg9 : memref<128xi32, #tpu.memory_space<vmem>>)
        tpu.yield
      }) : () -> ()
      %add3A_17 = arith.addi %mul3A_2, %scan3A_15 : i32
      "tpu.region"() ({
        %run_scoped3A = tpu.sem_alloc : memref<!tpu.dma_semaphore, #tpu.memory_space<semaphore_mem>>
        %dma_start3A_28 = arith.constant 0 : i32
        %dma_start3A_29 = tpu.memref_slice %arg4[%add3A_17, %dma_start3A_28] : memref<2568x128xi32, #tpu.memory_space<hbm>> -> memref<1x128xi32, #tpu.memory_space<hbm>>
        %dma_start3A_30 = tpu.memref_squeeze %dma_start3A_29 : memref<1x128xi32, #tpu.memory_space<hbm>> -> memref<128xi32, #tpu.memory_space<hbm>>
        %dma_start3A_31 = arith.constant 0 : i32
        %dma_start3A_32 = tpu.memref_slice %arg4[%add3A_17, %dma_start3A_31] : memref<2568x128xi32, #tpu.memory_space<hbm>> -> memref<1x128xi32, #tpu.memory_space<hbm>>
        %dma_start3A_33 = tpu.memref_squeeze %dma_start3A_32 : memref<1x128xi32, #tpu.memory_space<hbm>> -> memref<128xi32, #tpu.memory_space<hbm>>
        tpu.enqueue_dma source(%dma_start3A_33 : memref<128xi32, #tpu.memory_space<hbm>>) target(%arg10 : memref<128xi32, #tpu.memory_space<vmem>>) target_semaphore(%run_scoped3A : memref<!tpu.dma_semaphore, #tpu.memory_space<semaphore_mem>>)
        %dma_wait3A_34 = arith.constant 0 : i32
        %dma_wait3A_35 = tpu.memref_slice %arg4[%add3A_17, %dma_wait3A_34] : memref<2568x128xi32, #tpu.memory_space<hbm>> -> memref<1x128xi32, #tpu.memory_space<hbm>>
        %dma_wait3A_36 = tpu.memref_squeeze %dma_wait3A_35 : memref<1x128xi32, #tpu.memory_space<hbm>> -> memref<128xi32, #tpu.memory_space<hbm>>
        %dma_wait3A_37 = arith.constant 0 : i32
        %dma_wait3A_38 = tpu.memref_slice %arg4[%add3A_17, %dma_wait3A_37] : memref<2568x128xi32, #tpu.memory_space<hbm>> -> memref<1x128xi32, #tpu.memory_space<hbm>>
        %dma_wait3A_39 = tpu.memref_squeeze %dma_wait3A_38 : memref<1x128xi32, #tpu.memory_space<hbm>> -> memref<128xi32, #tpu.memory_space<hbm>>
        tpu.wait_dma2 semaphore(%run_scoped3A : memref<!tpu.dma_semaphore, #tpu.memory_space<semaphore_mem>>) src(%dma_wait3A_39 : memref<128xi32, #tpu.memory_space<hbm>>) dst(%arg10 : memref<128xi32, #tpu.memory_space<vmem>>)
        tpu.yield
      }) : () -> ()
      %dma_start3A = arith.constant 0 : i32
      %dma_start3A_18 = arith.constant 0 : i32
      %dma_start3A_19 = tpu.memref_slice %arg2[%dma_start3A, %dma_start3A_18] : memref<10000x128xf32, #tpu.memory_space<hbm>> -> memref<10000x128xf32, #tpu.memory_space<hbm>>
      tpu.enqueue_indirect_dma source(%dma_start3A_19 : memref<10000x128xf32, #tpu.memory_space<hbm>>) target(%arg12 : memref<128x128xf32, #tpu.memory_space<vmem>>) offsets(%arg9 : memref<128xi32, #tpu.memory_space<vmem>>) semaphore(%arg14 : memref<!tpu.dma_semaphore, #tpu.memory_space<semaphore_mem>>)
      %dma_wait3A = arith.constant 0 : i32
      %dma_wait3A_20 = arith.constant 0 : i32
      %dma_wait3A_21 = tpu.memref_slice %arg2[%dma_wait3A, %dma_wait3A_20] : memref<10000x128xf32, #tpu.memory_space<hbm>> -> memref<10000x128xf32, #tpu.memory_space<hbm>>
      tpu.wait_indirect_dma semaphore(%arg14 : memref<!tpu.dma_semaphore, #tpu.memory_space<semaphore_mem>>) src(%dma_wait3A_21 : memref<10000x128xf32, #tpu.memory_space<hbm>>) dst(%arg12 : memref<128x128xf32, #tpu.memory_space<vmem>>)
      %dma_start3A_22 = arith.constant 0 : i32
      %dma_start3A_23 = arith.constant 0 : i32
      %dma_start3A_24 = tpu.memref_slice %arg8[%dma_start3A_22, %dma_start3A_23] : memref<10112x128xf32, #tpu.memory_space<vmem_shared>> -> memref<10112x128xf32, #tpu.memory_space<vmem_shared>>
      tpu.enqueue_indirect_dma source(%arg12 : memref<128x128xf32, #tpu.memory_space<vmem>>) target(%dma_start3A_24 : memref<10112x128xf32, #tpu.memory_space<vmem_shared>>) offsets(%arg10 : memref<128xi32, #tpu.memory_space<vmem>>) semaphore(%arg16 : memref<!tpu.dma_semaphore, #tpu.memory_space<semaphore_mem>>) {add = true}
      %dma_wait3A_25 = arith.constant 0 : i32
      %dma_wait3A_26 = arith.constant 0 : i32
      %dma_wait3A_27 = tpu.memref_slice %arg8[%dma_wait3A_25, %dma_wait3A_26] : memref<10112x128xf32, #tpu.memory_space<vmem_shared>> -> memref<10112x128xf32, #tpu.memory_space<vmem_shared>>
      tpu.wait_indirect_dma semaphore(%arg16 : memref<!tpu.dma_semaphore, #tpu.memory_space<semaphore_mem>>) src(%arg12 : memref<128x128xf32, #tpu.memory_space<vmem>>) dst(%dma_wait3A_27 : memref<10112x128xf32, #tpu.memory_space<vmem_shared>>)
    }
    %scan3A_9 = arith.constant 80 : i32
    %barrier3A_10 = arith.constant 0 : index
    tpu.barrier barrier_id(%barrier3A_10)
    %mul3A_11 = arith.constant 624 : i32
    %mul3A_12 = arith.muli %arg1, %mul3A_11 : i32
    "tpu.region"() ({
      %run_scoped3A = tpu.sem_alloc : memref<!tpu.dma_semaphore, #tpu.memory_space<semaphore_mem>>
      %dma_start3A = arith.constant 0 : i32
      %dma_start3A_15 = tpu.memref_slice %arg7[%arg0, %mul3A_12, %dma_start3A] : memref<2x10000x128xf32, #tpu.memory_space<hbm>> -> memref<1x624x128xf32, #tpu.memory_space<hbm>>
      %dma_start3A_16 = tpu.memref_squeeze %dma_start3A_15 : memref<1x624x128xf32, #tpu.memory_space<hbm>> -> memref<624x128xf32, #tpu.memory_space<hbm>>
      %dma_start3A_17 = arith.constant 0 : i32
      %dma_start3A_18 = tpu.memref_slice %arg8[%mul3A_12, %dma_start3A_17] : memref<10112x128xf32, #tpu.memory_space<vmem_shared>> -> memref<624x128xf32, #tpu.memory_space<vmem_shared>>
      tpu.enqueue_dma source(%dma_start3A_18 : memref<624x128xf32, #tpu.memory_space<vmem_shared>>) target(%dma_start3A_16 : memref<624x128xf32, #tpu.memory_space<hbm>>) target_semaphore(%run_scoped3A : memref<!tpu.dma_semaphore, #tpu.memory_space<semaphore_mem>>)
      %dma_wait3A = arith.constant 0 : i32
      %dma_wait3A_19 = tpu.memref_slice %arg7[%arg0, %mul3A_12, %dma_wait3A] : memref<2x10000x128xf32, #tpu.memory_space<hbm>> -> memref<1x624x128xf32, #tpu.memory_space<hbm>>
      %dma_wait3A_20 = tpu.memref_squeeze %dma_wait3A_19 : memref<1x624x128xf32, #tpu.memory_space<hbm>> -> memref<624x128xf32, #tpu.memory_space<hbm>>
      %dma_wait3A_21 = arith.constant 0 : i32
      %dma_wait3A_22 = tpu.memref_slice %arg8[%mul3A_12, %dma_wait3A_21] : memref<10112x128xf32, #tpu.memory_space<vmem_shared>> -> memref<624x128xf32, #tpu.memory_space<vmem_shared>>
      tpu.wait_dma2 semaphore(%run_scoped3A : memref<!tpu.dma_semaphore, #tpu.memory_space<semaphore_mem>>) src(%dma_wait3A_22 : memref<624x128xf32, #tpu.memory_space<vmem_shared>>) dst(%dma_wait3A_20 : memref<624x128xf32, #tpu.memory_space<hbm>>)
      tpu.yield
    }) : () -> ()
    %eq3A = arith.constant 15 : i32
    %eq3A_13 = arith.cmpi eq, %arg1, %eq3A : i32
    %convert_element_type3A = arith.extui %eq3A_13 : i1 to i32
    %cond3A = arith.constant 0 : i32
    %cond3A_14 = arith.cmpi ne, %convert_element_type3A, %cond3A : i32
    scf.if %cond3A_14 {
      "tpu.region"() ({
        %run_scoped3A = tpu.sem_alloc : memref<!tpu.dma_semaphore, #tpu.memory_space<semaphore_mem>>
        %dma_start3A = arith.constant 9984 : i32
        %dma_start3A_15 = arith.constant 0 : i32
        %dma_start3A_16 = tpu.memref_slice %arg7[%arg0, %dma_start3A, %dma_start3A_15] : memref<2x10000x128xf32, #tpu.memory_space<hbm>> -> memref<1x16x128xf32, #tpu.memory_space<hbm>>
        %dma_start3A_17 = tpu.memref_squeeze %dma_start3A_16 : memref<1x16x128xf32, #tpu.memory_space<hbm>> -> memref<16x128xf32, #tpu.memory_space<hbm>>
        %dma_start3A_18 = arith.constant 9984 : i32
        %dma_start3A_19 = arith.constant 0 : i32
        %dma_start3A_20 = tpu.memref_slice %arg8[%dma_start3A_18, %dma_start3A_19] : memref<10112x128xf32, #tpu.memory_space<vmem_shared>> -> memref<16x128xf32, #tpu.memory_space<vmem_shared>>
        tpu.enqueue_dma source(%dma_start3A_20 : memref<16x128xf32, #tpu.memory_space<vmem_shared>>) target(%dma_start3A_17 : memref<16x128xf32, #tpu.memory_space<hbm>>) target_semaphore(%run_scoped3A : memref<!tpu.dma_semaphore, #tpu.memory_space<semaphore_mem>>)
        %dma_wait3A = arith.constant 9984 : i32
        %dma_wait3A_21 = arith.constant 0 : i32
        %dma_wait3A_22 = tpu.memref_slice %arg7[%arg0, %dma_wait3A, %dma_wait3A_21] : memref<2x10000x128xf32, #tpu.memory_space<hbm>> -> memref<1x16x128xf32, #tpu.memory_space<hbm>>
        %dma_wait3A_23 = tpu.memref_squeeze %dma_wait3A_22 : memref<1x16x128xf32, #tpu.memory_space<hbm>> -> memref<16x128xf32, #tpu.memory_space<hbm>>
        %dma_wait3A_24 = arith.constant 9984 : i32
        %dma_wait3A_25 = arith.constant 0 : i32
        %dma_wait3A_26 = tpu.memref_slice %arg8[%dma_wait3A_24, %dma_wait3A_25] : memref<10112x128xf32, #tpu.memory_space<vmem_shared>> -> memref<16x128xf32, #tpu.memory_space<vmem_shared>>
        tpu.wait_dma2 semaphore(%run_scoped3A : memref<!tpu.dma_semaphore, #tpu.memory_space<semaphore_mem>>) src(%dma_wait3A_26 : memref<16x128xf32, #tpu.memory_space<vmem_shared>>) dst(%dma_wait3A_23 : memref<16x128xf32, #tpu.memory_space<hbm>>)
        tpu.yield
      }) : () -> ()
    } else {
    }
    return
  }
}

#map = affine_map<(d0, d1) -> (0, 0)>
#map1 = affine_map<(d0, d1) -> (0, 0, 0)>
module attributes {stable_mosaic.version = 14 : i64} {
  func.func @agg_kernel(%arg0: i32, %arg1: i32, %arg2: memref<10000x128xf32, #tpu.memory_space<hbm>>, %arg3: memref<2568x128xi32, #tpu.memory_space<hbm>>, %arg4: memref<2568x128xi32, #tpu.memory_space<hbm>>, %arg5: memref<8x128xi32, #tpu.memory_space<hbm>>, %arg6: memref<632x128xf32, #tpu.memory_space<hbm>>, %arg7: memref<2x10000x128xf32, #tpu.memory_space<hbm>>, %arg8: memref<10112x128xf32, #tpu.memory_space<vmem_shared>>, %arg9: memref<128xi32, #tpu.memory_space<vmem>>, %arg10: memref<128xi32, #tpu.memory_space<vmem>>, %arg11: memref<8x128xi32, #tpu.memory_space<vmem>>, %arg12: memref<128x128xf32, #tpu.memory_space<vmem>>, %arg13: memref<128x128xf32, #tpu.memory_space<vmem>>, %arg14: memref<!tpu.dma_semaphore, #tpu.memory_space<semaphore_mem>>, %arg15: memref<!tpu.dma_semaphore, #tpu.memory_space<semaphore_mem>>, %arg16: memref<!tpu.dma_semaphore, #tpu.memory_space<semaphore_mem>>, %arg17: memref<!tpu.dma_semaphore, #tpu.memory_space<semaphore_mem>>) attributes {dimension_semantics = [#tpu.dimension_semantics<core_parallel>, #tpu.dimension_semantics<subcore_parallel>], iteration_bounds = array<i64: 2, 16>, scalar_prefetch = 0 : i64, scratch_operands = 10 : i64, tpu.core_type = #tpu.core_type<sc_vector_subcore>, window_params = [{transform_indices = #map}, {transform_indices = #map}, {transform_indices = #map}, {transform_indices = #map}, {transform_indices = #map}, {transform_indices = #map1}]} {
    %mul3A = arith.constant 16 : i32
    %mul3A_0 = arith.muli %arg0, %mul3A : i32
    %add3A = arith.addi %mul3A_0, %arg1 : i32
    %mul3A_1 = arith.constant 80 : i32
    %mul3A_2 = arith.muli %add3A, %mul3A_1 : i32
    "tpu.region"() ({
      %run_scoped3A = tpu.sem_alloc : memref<!tpu.dma_semaphore, #tpu.memory_space<semaphore_mem>>
      tpu.enqueue_dma source(%arg5 : memref<8x128xi32, #tpu.memory_space<hbm>>) target(%arg11 : memref<8x128xi32, #tpu.memory_space<vmem>>) target_semaphore(%run_scoped3A : memref<!tpu.dma_semaphore, #tpu.memory_space<semaphore_mem>>)
      tpu.wait_dma2 semaphore(%run_scoped3A : memref<!tpu.dma_semaphore, #tpu.memory_space<semaphore_mem>>) src(%arg5 : memref<8x128xi32, #tpu.memory_space<hbm>>) dst(%arg11 : memref<8x128xi32, #tpu.memory_space<vmem>>)
      tpu.yield
    }) : () -> ()
    %mul3A_3 = arith.constant 632 : i32
    %mul3A_4 = arith.muli %arg1, %mul3A_3 : i32
    "tpu.region"() ({
      %run_scoped3A = tpu.sem_alloc : memref<!tpu.dma_semaphore, #tpu.memory_space<semaphore_mem>>
      %dma_start3A = arith.constant 0 : i32
      %dma_start3A_15 = tpu.memref_slice %arg8[%mul3A_4, %dma_start3A] : memref<10112x128xf32, #tpu.memory_space<vmem_shared>> -> memref<632x128xf32, #tpu.memory_space<vmem_shared>>
      tpu.enqueue_dma source(%arg6 : memref<632x128xf32, #tpu.memory_space<hbm>>) target(%dma_start3A_15 : memref<632x128xf32, #tpu.memory_space<vmem_shared>>) target_semaphore(%run_scoped3A : memref<!tpu.dma_semaphore, #tpu.memory_space<semaphore_mem>>)
      %dma_wait3A = arith.constant 0 : i32
      %dma_wait3A_16 = tpu.memref_slice %arg8[%mul3A_4, %dma_wait3A] : memref<10112x128xf32, #tpu.memory_space<vmem_shared>> -> memref<632x128xf32, #tpu.memory_space<vmem_shared>>
      tpu.wait_dma2 semaphore(%run_scoped3A : memref<!tpu.dma_semaphore, #tpu.memory_space<semaphore_mem>>) src(%arg6 : memref<632x128xf32, #tpu.memory_space<hbm>>) dst(%dma_wait3A_16 : memref<632x128xf32, #tpu.memory_space<vmem_shared>>)
      tpu.yield
    }) : () -> ()
    %barrier3A = arith.constant 0 : index
    tpu.barrier barrier_id(%barrier3A)
    %scan3A = arith.constant 0 : i32
    %scan3A_5 = arith.constant 0 : i32
    %scan3A_6 = arith.constant 80 : i32
    %scan3A_7 = arith.addi %scan3A_5, %scan3A_6 : i32
    %scan3A_8 = arith.constant 1 : i32
    scf.for %scan3A_15 = %scan3A_5 to %scan3A_7 step %scan3A_8  : i32 {
      %add3A_16 = arith.addi %mul3A_2, %scan3A_15 : i32
      "tpu.region"() ({
        %run_scoped3A = tpu.sem_alloc : memref<!tpu.dma_semaphore, #tpu.memory_space<semaphore_mem>>
        %dma_start3A_28 = arith.constant 0 : i32
        %dma_start3A_29 = tpu.memref_slice %arg3[%add3A_16, %dma_start3A_28] : memref<2568x128xi32, #tpu.memory_space<hbm>> -> memref<1x128xi32, #tpu.memory_space<hbm>>
        %dma_start3A_30 = tpu.memref_squeeze %dma_start3A_29 : memref<1x128xi32, #tpu.memory_space<hbm>> -> memref<128xi32, #tpu.memory_space<hbm>>
        %dma_start3A_31 = arith.constant 0 : i32
        %dma_start3A_32 = tpu.memref_slice %arg3[%add3A_16, %dma_start3A_31] : memref<2568x128xi32, #tpu.memory_space<hbm>> -> memref<1x128xi32, #tpu.memory_space<hbm>>
        %dma_start3A_33 = tpu.memref_squeeze %dma_start3A_32 : memref<1x128xi32, #tpu.memory_space<hbm>> -> memref<128xi32, #tpu.memory_space<hbm>>
        tpu.enqueue_dma source(%dma_start3A_33 : memref<128xi32, #tpu.memory_space<hbm>>) target(%arg9 : memref<128xi32, #tpu.memory_space<vmem>>) target_semaphore(%run_scoped3A : memref<!tpu.dma_semaphore, #tpu.memory_space<semaphore_mem>>)
        %dma_wait3A_34 = arith.constant 0 : i32
        %dma_wait3A_35 = tpu.memref_slice %arg3[%add3A_16, %dma_wait3A_34] : memref<2568x128xi32, #tpu.memory_space<hbm>> -> memref<1x128xi32, #tpu.memory_space<hbm>>
        %dma_wait3A_36 = tpu.memref_squeeze %dma_wait3A_35 : memref<1x128xi32, #tpu.memory_space<hbm>> -> memref<128xi32, #tpu.memory_space<hbm>>
        %dma_wait3A_37 = arith.constant 0 : i32
        %dma_wait3A_38 = tpu.memref_slice %arg3[%add3A_16, %dma_wait3A_37] : memref<2568x128xi32, #tpu.memory_space<hbm>> -> memref<1x128xi32, #tpu.memory_space<hbm>>
        %dma_wait3A_39 = tpu.memref_squeeze %dma_wait3A_38 : memref<1x128xi32, #tpu.memory_space<hbm>> -> memref<128xi32, #tpu.memory_space<hbm>>
        tpu.wait_dma2 semaphore(%run_scoped3A : memref<!tpu.dma_semaphore, #tpu.memory_space<semaphore_mem>>) src(%dma_wait3A_39 : memref<128xi32, #tpu.memory_space<hbm>>) dst(%arg9 : memref<128xi32, #tpu.memory_space<vmem>>)
        tpu.yield
      }) : () -> ()
      %add3A_17 = arith.addi %mul3A_2, %scan3A_15 : i32
      "tpu.region"() ({
        %run_scoped3A = tpu.sem_alloc : memref<!tpu.dma_semaphore, #tpu.memory_space<semaphore_mem>>
        %dma_start3A_28 = arith.constant 0 : i32
        %dma_start3A_29 = tpu.memref_slice %arg4[%add3A_17, %dma_start3A_28] : memref<2568x128xi32, #tpu.memory_space<hbm>> -> memref<1x128xi32, #tpu.memory_space<hbm>>
        %dma_start3A_30 = tpu.memref_squeeze %dma_start3A_29 : memref<1x128xi32, #tpu.memory_space<hbm>> -> memref<128xi32, #tpu.memory_space<hbm>>
        %dma_start3A_31 = arith.constant 0 : i32
        %dma_start3A_32 = tpu.memref_slice %arg4[%add3A_17, %dma_start3A_31] : memref<2568x128xi32, #tpu.memory_space<hbm>> -> memref<1x128xi32, #tpu.memory_space<hbm>>
        %dma_start3A_33 = tpu.memref_squeeze %dma_start3A_32 : memref<1x128xi32, #tpu.memory_space<hbm>> -> memref<128xi32, #tpu.memory_space<hbm>>
        tpu.enqueue_dma source(%dma_start3A_33 : memref<128xi32, #tpu.memory_space<hbm>>) target(%arg10 : memref<128xi32, #tpu.memory_space<vmem>>) target_semaphore(%run_scoped3A : memref<!tpu.dma_semaphore, #tpu.memory_space<semaphore_mem>>)
        %dma_wait3A_34 = arith.constant 0 : i32
        %dma_wait3A_35 = tpu.memref_slice %arg4[%add3A_17, %dma_wait3A_34] : memref<2568x128xi32, #tpu.memory_space<hbm>> -> memref<1x128xi32, #tpu.memory_space<hbm>>
        %dma_wait3A_36 = tpu.memref_squeeze %dma_wait3A_35 : memref<1x128xi32, #tpu.memory_space<hbm>> -> memref<128xi32, #tpu.memory_space<hbm>>
        %dma_wait3A_37 = arith.constant 0 : i32
        %dma_wait3A_38 = tpu.memref_slice %arg4[%add3A_17, %dma_wait3A_37] : memref<2568x128xi32, #tpu.memory_space<hbm>> -> memref<1x128xi32, #tpu.memory_space<hbm>>
        %dma_wait3A_39 = tpu.memref_squeeze %dma_wait3A_38 : memref<1x128xi32, #tpu.memory_space<hbm>> -> memref<128xi32, #tpu.memory_space<hbm>>
        tpu.wait_dma2 semaphore(%run_scoped3A : memref<!tpu.dma_semaphore, #tpu.memory_space<semaphore_mem>>) src(%dma_wait3A_39 : memref<128xi32, #tpu.memory_space<hbm>>) dst(%arg10 : memref<128xi32, #tpu.memory_space<vmem>>)
        tpu.yield
      }) : () -> ()
      %dma_start3A = arith.constant 0 : i32
      %dma_start3A_18 = arith.constant 0 : i32
      %dma_start3A_19 = tpu.memref_slice %arg2[%dma_start3A, %dma_start3A_18] : memref<10000x128xf32, #tpu.memory_space<hbm>> -> memref<10000x128xf32, #tpu.memory_space<hbm>>
      tpu.enqueue_indirect_dma source(%dma_start3A_19 : memref<10000x128xf32, #tpu.memory_space<hbm>>) target(%arg12 : memref<128x128xf32, #tpu.memory_space<vmem>>) offsets(%arg9 : memref<128xi32, #tpu.memory_space<vmem>>) semaphore(%arg14 : memref<!tpu.dma_semaphore, #tpu.memory_space<semaphore_mem>>)
      %dma_wait3A = arith.constant 0 : i32
      %dma_wait3A_20 = arith.constant 0 : i32
      %dma_wait3A_21 = tpu.memref_slice %arg2[%dma_wait3A, %dma_wait3A_20] : memref<10000x128xf32, #tpu.memory_space<hbm>> -> memref<10000x128xf32, #tpu.memory_space<hbm>>
      tpu.wait_indirect_dma semaphore(%arg14 : memref<!tpu.dma_semaphore, #tpu.memory_space<semaphore_mem>>) src(%dma_wait3A_21 : memref<10000x128xf32, #tpu.memory_space<hbm>>) dst(%arg12 : memref<128x128xf32, #tpu.memory_space<vmem>>)
      %dma_start3A_22 = arith.constant 0 : i32
      %dma_start3A_23 = arith.constant 0 : i32
      %dma_start3A_24 = tpu.memref_slice %arg8[%dma_start3A_22, %dma_start3A_23] : memref<10112x128xf32, #tpu.memory_space<vmem_shared>> -> memref<10112x128xf32, #tpu.memory_space<vmem_shared>>
      tpu.enqueue_indirect_dma source(%arg12 : memref<128x128xf32, #tpu.memory_space<vmem>>) target(%dma_start3A_24 : memref<10112x128xf32, #tpu.memory_space<vmem_shared>>) offsets(%arg10 : memref<128xi32, #tpu.memory_space<vmem>>) semaphore(%arg16 : memref<!tpu.dma_semaphore, #tpu.memory_space<semaphore_mem>>) {add = true}
      %dma_wait3A_25 = arith.constant 0 : i32
      %dma_wait3A_26 = arith.constant 0 : i32
      %dma_wait3A_27 = tpu.memref_slice %arg8[%dma_wait3A_25, %dma_wait3A_26] : memref<10112x128xf32, #tpu.memory_space<vmem_shared>> -> memref<10112x128xf32, #tpu.memory_space<vmem_shared>>
      tpu.wait_indirect_dma semaphore(%arg16 : memref<!tpu.dma_semaphore, #tpu.memory_space<semaphore_mem>>) src(%arg12 : memref<128x128xf32, #tpu.memory_space<vmem>>) dst(%dma_wait3A_27 : memref<10112x128xf32, #tpu.memory_space<vmem_shared>>)
    }
    %scan3A_9 = arith.constant 80 : i32
    %barrier3A_10 = arith.constant 0 : index
    tpu.barrier barrier_id(%barrier3A_10)
    %mul3A_11 = arith.constant 624 : i32
    %mul3A_12 = arith.muli %arg1, %mul3A_11 : i32
    "tpu.region"() ({
      %run_scoped3A = tpu.sem_alloc : memref<!tpu.dma_semaphore, #tpu.memory_space<semaphore_mem>>
      %dma_start3A = arith.constant 0 : i32
      %dma_start3A_15 = tpu.memref_slice %arg7[%arg0, %mul3A_12, %dma_start3A] : memref<2x10000x128xf32, #tpu.memory_space<hbm>> -> memref<1x624x128xf32, #tpu.memory_space<hbm>>
      %dma_start3A_16 = tpu.memref_squeeze %dma_start3A_15 : memref<1x624x128xf32, #tpu.memory_space<hbm>> -> memref<624x128xf32, #tpu.memory_space<hbm>>
      %dma_start3A_17 = arith.constant 0 : i32
      %dma_start3A_18 = tpu.memref_slice %arg8[%mul3A_12, %dma_start3A_17] : memref<10112x128xf32, #tpu.memory_space<vmem_shared>> -> memref<624x128xf32, #tpu.memory_space<vmem_shared>>
      tpu.enqueue_dma source(%dma_start3A_18 : memref<624x128xf32, #tpu.memory_space<vmem_shared>>) target(%dma_start3A_16 : memref<624x128xf32, #tpu.memory_space<hbm>>) target_semaphore(%run_scoped3A : memref<!tpu.dma_semaphore, #tpu.memory_space<semaphore_mem>>)
      %dma_wait3A = arith.constant 0 : i32
      %dma_wait3A_19 = tpu.memref_slice %arg7[%arg0, %mul3A_12, %dma_wait3A] : memref<2x10000x128xf32, #tpu.memory_space<hbm>> -> memref<1x624x128xf32, #tpu.memory_space<hbm>>
      %dma_wait3A_20 = tpu.memref_squeeze %dma_wait3A_19 : memref<1x624x128xf32, #tpu.memory_space<hbm>> -> memref<624x128xf32, #tpu.memory_space<hbm>>
      %dma_wait3A_21 = arith.constant 0 : i32
      %dma_wait3A_22 = tpu.memref_slice %arg8[%mul3A_12, %dma_wait3A_21] : memref<10112x128xf32, #tpu.memory_space<vmem_shared>> -> memref<624x128xf32, #tpu.memory_space<vmem_shared>>
      tpu.wait_dma2 semaphore(%run_scoped3A : memref<!tpu.dma_semaphore, #tpu.memory_space<semaphore_mem>>) src(%dma_wait3A_22 : memref<624x128xf32, #tpu.memory_space<vmem_shared>>) dst(%dma_wait3A_20 : memref<624x128xf32, #tpu.memory_space<hbm>>)
      tpu.yield
    }) : () -> ()
    %eq3A = arith.constant 15 : i32
    %eq3A_13 = arith.cmpi eq, %arg1, %eq3A : i32
    %convert_element_type3A = arith.extui %eq3A_13 : i1 to i32
    %cond3A = arith.constant 0 : i32
    %cond3A_14 = arith.cmpi ne, %convert_element_type3A, %cond3A : i32
    scf.if %cond3A_14 {
      "tpu.region"() ({
        %run_scoped3A = tpu.sem_alloc : memref<!tpu.dma_semaphore, #tpu.memory_space<semaphore_mem>>
        %dma_start3A = arith.constant 9984 : i32
        %dma_start3A_15 = arith.constant 0 : i32
        %dma_start3A_16 = tpu.memref_slice %arg7[%arg0, %dma_start3A, %dma_start3A_15] : memref<2x10000x128xf32, #tpu.memory_space<hbm>> -> memref<1x16x128xf32, #tpu.memory_space<hbm>>
        %dma_start3A_17 = tpu.memref_squeeze %dma_start3A_16 : memref<1x16x128xf32, #tpu.memory_space<hbm>> -> memref<16x128xf32, #tpu.memory_space<hbm>>
        %dma_start3A_18 = arith.constant 9984 : i32
        %dma_start3A_19 = arith.constant 0 : i32
        %dma_start3A_20 = tpu.memref_slice %arg8[%dma_start3A_18, %dma_start3A_19] : memref<10112x128xf32, #tpu.memory_space<vmem_shared>> -> memref<16x128xf32, #tpu.memory_space<vmem_shared>>
        tpu.enqueue_dma source(%dma_start3A_20 : memref<16x128xf32, #tpu.memory_space<vmem_shared>>) target(%dma_start3A_17 : memref<16x128xf32, #tpu.memory_space<hbm>>) target_semaphore(%run_scoped3A : memref<!tpu.dma_semaphore, #tpu.memory_space<semaphore_mem>>)
        %dma_wait3A = arith.constant 9984 : i32
        %dma_wait3A_21 = arith.constant 0 : i32
        %dma_wait3A_22 = tpu.memref_slice %arg7[%arg0, %dma_wait3A, %dma_wait3A_21] : memref<2x10000x128xf32, #tpu.memory_space<hbm>> -> memref<1x16x128xf32, #tpu.memory_space<hbm>>
        %dma_wait3A_23 = tpu.memref_squeeze %dma_wait3A_22 : memref<1x16x128xf32, #tpu.memory_space<hbm>> -> memref<16x128xf32, #tpu.memory_space<hbm>>
        %dma_wait3A_24 = arith.constant 9984 : i32
        %dma_wait3A_25 = arith.constant 0 : i32
        %dma_wait3A_26 = tpu.memref_slice %arg8[%dma_wait3A_24, %dma_wait3A_25] : memref<10112x128xf32, #tpu.memory_space<vmem_shared>> -> memref<16x128xf32, #tpu.memory_space<vmem_shared>>
        tpu.wait_dma2 semaphore(%run_scoped3A : memref<!tpu.dma_semaphore, #tpu.memory_space<semaphore_mem>>) src(%dma_wait3A_26 : memref<16x128xf32, #tpu.memory_space<vmem_shared>>) dst(%dma_wait3A_23 : memref<16x128xf32, #tpu.memory_space<hbm>>)
        tpu.yield
      }) : () -> ()
    } else {
    }
    return
  }
}

#map = affine_map<(d0, d1) -> (0, 0)>
#map1 = affine_map<(d0, d1) -> (0, 0, 0)>
module attributes {stable_mosaic.version = 14 : i64} {
  func.func @agg_kernel(%arg0: i32, %arg1: i32, %arg2: memref<10000x64xf32, #tpu.memory_space<hbm>>, %arg3: memref<2568x128xi32, #tpu.memory_space<hbm>>, %arg4: memref<2568x128xi32, #tpu.memory_space<hbm>>, %arg5: memref<8x128xi32, #tpu.memory_space<hbm>>, %arg6: memref<632x64xf32, #tpu.memory_space<hbm>>, %arg7: memref<2x10000x64xf32, #tpu.memory_space<hbm>>, %arg8: memref<10112x64xf32, #tpu.memory_space<vmem_shared>>, %arg9: memref<128xi32, #tpu.memory_space<vmem>>, %arg10: memref<128xi32, #tpu.memory_space<vmem>>, %arg11: memref<8x128xi32, #tpu.memory_space<vmem>>, %arg12: memref<128x64xf32, #tpu.memory_space<vmem>>, %arg13: memref<128x64xf32, #tpu.memory_space<vmem>>, %arg14: memref<!tpu.dma_semaphore, #tpu.memory_space<semaphore_mem>>, %arg15: memref<!tpu.dma_semaphore, #tpu.memory_space<semaphore_mem>>, %arg16: memref<!tpu.dma_semaphore, #tpu.memory_space<semaphore_mem>>, %arg17: memref<!tpu.dma_semaphore, #tpu.memory_space<semaphore_mem>>) attributes {dimension_semantics = [#tpu.dimension_semantics<core_parallel>, #tpu.dimension_semantics<subcore_parallel>], iteration_bounds = array<i64: 2, 16>, scalar_prefetch = 0 : i64, scratch_operands = 10 : i64, tpu.core_type = #tpu.core_type<sc_vector_subcore>, window_params = [{transform_indices = #map}, {transform_indices = #map}, {transform_indices = #map}, {transform_indices = #map}, {transform_indices = #map}, {transform_indices = #map1}]} {
    %mul3A = arith.constant 16 : i32
    %mul3A_0 = arith.muli %arg0, %mul3A : i32
    %add3A = arith.addi %mul3A_0, %arg1 : i32
    %mul3A_1 = arith.constant 80 : i32
    %mul3A_2 = arith.muli %add3A, %mul3A_1 : i32
    "tpu.region"() ({
      %run_scoped3A = tpu.sem_alloc : memref<!tpu.dma_semaphore, #tpu.memory_space<semaphore_mem>>
      tpu.enqueue_dma source(%arg5 : memref<8x128xi32, #tpu.memory_space<hbm>>) target(%arg11 : memref<8x128xi32, #tpu.memory_space<vmem>>) target_semaphore(%run_scoped3A : memref<!tpu.dma_semaphore, #tpu.memory_space<semaphore_mem>>)
      tpu.wait_dma2 semaphore(%run_scoped3A : memref<!tpu.dma_semaphore, #tpu.memory_space<semaphore_mem>>) src(%arg5 : memref<8x128xi32, #tpu.memory_space<hbm>>) dst(%arg11 : memref<8x128xi32, #tpu.memory_space<vmem>>)
      tpu.yield
    }) : () -> ()
    %mul3A_3 = arith.constant 632 : i32
    %mul3A_4 = arith.muli %arg1, %mul3A_3 : i32
    "tpu.region"() ({
      %run_scoped3A = tpu.sem_alloc : memref<!tpu.dma_semaphore, #tpu.memory_space<semaphore_mem>>
      %dma_start3A = arith.constant 0 : i32
      %dma_start3A_15 = tpu.memref_slice %arg8[%mul3A_4, %dma_start3A] : memref<10112x64xf32, #tpu.memory_space<vmem_shared>> -> memref<632x64xf32, #tpu.memory_space<vmem_shared>>
      tpu.enqueue_dma source(%arg6 : memref<632x64xf32, #tpu.memory_space<hbm>>) target(%dma_start3A_15 : memref<632x64xf32, #tpu.memory_space<vmem_shared>>) target_semaphore(%run_scoped3A : memref<!tpu.dma_semaphore, #tpu.memory_space<semaphore_mem>>)
      %dma_wait3A = arith.constant 0 : i32
      %dma_wait3A_16 = tpu.memref_slice %arg8[%mul3A_4, %dma_wait3A] : memref<10112x64xf32, #tpu.memory_space<vmem_shared>> -> memref<632x64xf32, #tpu.memory_space<vmem_shared>>
      tpu.wait_dma2 semaphore(%run_scoped3A : memref<!tpu.dma_semaphore, #tpu.memory_space<semaphore_mem>>) src(%arg6 : memref<632x64xf32, #tpu.memory_space<hbm>>) dst(%dma_wait3A_16 : memref<632x64xf32, #tpu.memory_space<vmem_shared>>)
      tpu.yield
    }) : () -> ()
    %barrier3A = arith.constant 0 : index
    tpu.barrier barrier_id(%barrier3A)
    %scan3A = arith.constant 0 : i32
    %scan3A_5 = arith.constant 0 : i32
    %scan3A_6 = arith.constant 80 : i32
    %scan3A_7 = arith.addi %scan3A_5, %scan3A_6 : i32
    %scan3A_8 = arith.constant 1 : i32
    scf.for %scan3A_15 = %scan3A_5 to %scan3A_7 step %scan3A_8  : i32 {
      %add3A_16 = arith.addi %mul3A_2, %scan3A_15 : i32
      "tpu.region"() ({
        %run_scoped3A = tpu.sem_alloc : memref<!tpu.dma_semaphore, #tpu.memory_space<semaphore_mem>>
        %dma_start3A_28 = arith.constant 0 : i32
        %dma_start3A_29 = tpu.memref_slice %arg3[%add3A_16, %dma_start3A_28] : memref<2568x128xi32, #tpu.memory_space<hbm>> -> memref<1x128xi32, #tpu.memory_space<hbm>>
        %dma_start3A_30 = tpu.memref_squeeze %dma_start3A_29 : memref<1x128xi32, #tpu.memory_space<hbm>> -> memref<128xi32, #tpu.memory_space<hbm>>
        %dma_start3A_31 = arith.constant 0 : i32
        %dma_start3A_32 = tpu.memref_slice %arg3[%add3A_16, %dma_start3A_31] : memref<2568x128xi32, #tpu.memory_space<hbm>> -> memref<1x128xi32, #tpu.memory_space<hbm>>
        %dma_start3A_33 = tpu.memref_squeeze %dma_start3A_32 : memref<1x128xi32, #tpu.memory_space<hbm>> -> memref<128xi32, #tpu.memory_space<hbm>>
        tpu.enqueue_dma source(%dma_start3A_33 : memref<128xi32, #tpu.memory_space<hbm>>) target(%arg9 : memref<128xi32, #tpu.memory_space<vmem>>) target_semaphore(%run_scoped3A : memref<!tpu.dma_semaphore, #tpu.memory_space<semaphore_mem>>)
        %dma_wait3A_34 = arith.constant 0 : i32
        %dma_wait3A_35 = tpu.memref_slice %arg3[%add3A_16, %dma_wait3A_34] : memref<2568x128xi32, #tpu.memory_space<hbm>> -> memref<1x128xi32, #tpu.memory_space<hbm>>
        %dma_wait3A_36 = tpu.memref_squeeze %dma_wait3A_35 : memref<1x128xi32, #tpu.memory_space<hbm>> -> memref<128xi32, #tpu.memory_space<hbm>>
        %dma_wait3A_37 = arith.constant 0 : i32
        %dma_wait3A_38 = tpu.memref_slice %arg3[%add3A_16, %dma_wait3A_37] : memref<2568x128xi32, #tpu.memory_space<hbm>> -> memref<1x128xi32, #tpu.memory_space<hbm>>
        %dma_wait3A_39 = tpu.memref_squeeze %dma_wait3A_38 : memref<1x128xi32, #tpu.memory_space<hbm>> -> memref<128xi32, #tpu.memory_space<hbm>>
        tpu.wait_dma2 semaphore(%run_scoped3A : memref<!tpu.dma_semaphore, #tpu.memory_space<semaphore_mem>>) src(%dma_wait3A_39 : memref<128xi32, #tpu.memory_space<hbm>>) dst(%arg9 : memref<128xi32, #tpu.memory_space<vmem>>)
        tpu.yield
      }) : () -> ()
      %add3A_17 = arith.addi %mul3A_2, %scan3A_15 : i32
      "tpu.region"() ({
        %run_scoped3A = tpu.sem_alloc : memref<!tpu.dma_semaphore, #tpu.memory_space<semaphore_mem>>
        %dma_start3A_28 = arith.constant 0 : i32
        %dma_start3A_29 = tpu.memref_slice %arg4[%add3A_17, %dma_start3A_28] : memref<2568x128xi32, #tpu.memory_space<hbm>> -> memref<1x128xi32, #tpu.memory_space<hbm>>
        %dma_start3A_30 = tpu.memref_squeeze %dma_start3A_29 : memref<1x128xi32, #tpu.memory_space<hbm>> -> memref<128xi32, #tpu.memory_space<hbm>>
        %dma_start3A_31 = arith.constant 0 : i32
        %dma_start3A_32 = tpu.memref_slice %arg4[%add3A_17, %dma_start3A_31] : memref<2568x128xi32, #tpu.memory_space<hbm>> -> memref<1x128xi32, #tpu.memory_space<hbm>>
        %dma_start3A_33 = tpu.memref_squeeze %dma_start3A_32 : memref<1x128xi32, #tpu.memory_space<hbm>> -> memref<128xi32, #tpu.memory_space<hbm>>
        tpu.enqueue_dma source(%dma_start3A_33 : memref<128xi32, #tpu.memory_space<hbm>>) target(%arg10 : memref<128xi32, #tpu.memory_space<vmem>>) target_semaphore(%run_scoped3A : memref<!tpu.dma_semaphore, #tpu.memory_space<semaphore_mem>>)
        %dma_wait3A_34 = arith.constant 0 : i32
        %dma_wait3A_35 = tpu.memref_slice %arg4[%add3A_17, %dma_wait3A_34] : memref<2568x128xi32, #tpu.memory_space<hbm>> -> memref<1x128xi32, #tpu.memory_space<hbm>>
        %dma_wait3A_36 = tpu.memref_squeeze %dma_wait3A_35 : memref<1x128xi32, #tpu.memory_space<hbm>> -> memref<128xi32, #tpu.memory_space<hbm>>
        %dma_wait3A_37 = arith.constant 0 : i32
        %dma_wait3A_38 = tpu.memref_slice %arg4[%add3A_17, %dma_wait3A_37] : memref<2568x128xi32, #tpu.memory_space<hbm>> -> memref<1x128xi32, #tpu.memory_space<hbm>>
        %dma_wait3A_39 = tpu.memref_squeeze %dma_wait3A_38 : memref<1x128xi32, #tpu.memory_space<hbm>> -> memref<128xi32, #tpu.memory_space<hbm>>
        tpu.wait_dma2 semaphore(%run_scoped3A : memref<!tpu.dma_semaphore, #tpu.memory_space<semaphore_mem>>) src(%dma_wait3A_39 : memref<128xi32, #tpu.memory_space<hbm>>) dst(%arg10 : memref<128xi32, #tpu.memory_space<vmem>>)
        tpu.yield
      }) : () -> ()
      %dma_start3A = arith.constant 0 : i32
      %dma_start3A_18 = arith.constant 0 : i32
      %dma_start3A_19 = tpu.memref_slice %arg2[%dma_start3A, %dma_start3A_18] : memref<10000x64xf32, #tpu.memory_space<hbm>> -> memref<10000x64xf32, #tpu.memory_space<hbm>>
      tpu.enqueue_indirect_dma source(%dma_start3A_19 : memref<10000x64xf32, #tpu.memory_space<hbm>>) target(%arg12 : memref<128x64xf32, #tpu.memory_space<vmem>>) offsets(%arg9 : memref<128xi32, #tpu.memory_space<vmem>>) semaphore(%arg14 : memref<!tpu.dma_semaphore, #tpu.memory_space<semaphore_mem>>)
      %dma_wait3A = arith.constant 0 : i32
      %dma_wait3A_20 = arith.constant 0 : i32
      %dma_wait3A_21 = tpu.memref_slice %arg2[%dma_wait3A, %dma_wait3A_20] : memref<10000x64xf32, #tpu.memory_space<hbm>> -> memref<10000x64xf32, #tpu.memory_space<hbm>>
      tpu.wait_indirect_dma semaphore(%arg14 : memref<!tpu.dma_semaphore, #tpu.memory_space<semaphore_mem>>) src(%dma_wait3A_21 : memref<10000x64xf32, #tpu.memory_space<hbm>>) dst(%arg12 : memref<128x64xf32, #tpu.memory_space<vmem>>)
      %dma_start3A_22 = arith.constant 0 : i32
      %dma_start3A_23 = arith.constant 0 : i32
      %dma_start3A_24 = tpu.memref_slice %arg8[%dma_start3A_22, %dma_start3A_23] : memref<10112x64xf32, #tpu.memory_space<vmem_shared>> -> memref<10112x64xf32, #tpu.memory_space<vmem_shared>>
      tpu.enqueue_indirect_dma source(%arg12 : memref<128x64xf32, #tpu.memory_space<vmem>>) target(%dma_start3A_24 : memref<10112x64xf32, #tpu.memory_space<vmem_shared>>) offsets(%arg10 : memref<128xi32, #tpu.memory_space<vmem>>) semaphore(%arg16 : memref<!tpu.dma_semaphore, #tpu.memory_space<semaphore_mem>>) {add = true}
      %dma_wait3A_25 = arith.constant 0 : i32
      %dma_wait3A_26 = arith.constant 0 : i32
      %dma_wait3A_27 = tpu.memref_slice %arg8[%dma_wait3A_25, %dma_wait3A_26] : memref<10112x64xf32, #tpu.memory_space<vmem_shared>> -> memref<10112x64xf32, #tpu.memory_space<vmem_shared>>
      tpu.wait_indirect_dma semaphore(%arg16 : memref<!tpu.dma_semaphore, #tpu.memory_space<semaphore_mem>>) src(%arg12 : memref<128x64xf32, #tpu.memory_space<vmem>>) dst(%dma_wait3A_27 : memref<10112x64xf32, #tpu.memory_space<vmem_shared>>)
    }
    %scan3A_9 = arith.constant 80 : i32
    %barrier3A_10 = arith.constant 0 : index
    tpu.barrier barrier_id(%barrier3A_10)
    %mul3A_11 = arith.constant 624 : i32
    %mul3A_12 = arith.muli %arg1, %mul3A_11 : i32
    "tpu.region"() ({
      %run_scoped3A = tpu.sem_alloc : memref<!tpu.dma_semaphore, #tpu.memory_space<semaphore_mem>>
      %dma_start3A = arith.constant 0 : i32
      %dma_start3A_15 = tpu.memref_slice %arg7[%arg0, %mul3A_12, %dma_start3A] : memref<2x10000x64xf32, #tpu.memory_space<hbm>> -> memref<1x624x64xf32, #tpu.memory_space<hbm>>
      %dma_start3A_16 = tpu.memref_squeeze %dma_start3A_15 : memref<1x624x64xf32, #tpu.memory_space<hbm>> -> memref<624x64xf32, #tpu.memory_space<hbm>>
      %dma_start3A_17 = arith.constant 0 : i32
      %dma_start3A_18 = tpu.memref_slice %arg8[%mul3A_12, %dma_start3A_17] : memref<10112x64xf32, #tpu.memory_space<vmem_shared>> -> memref<624x64xf32, #tpu.memory_space<vmem_shared>>
      tpu.enqueue_dma source(%dma_start3A_18 : memref<624x64xf32, #tpu.memory_space<vmem_shared>>) target(%dma_start3A_16 : memref<624x64xf32, #tpu.memory_space<hbm>>) target_semaphore(%run_scoped3A : memref<!tpu.dma_semaphore, #tpu.memory_space<semaphore_mem>>)
      %dma_wait3A = arith.constant 0 : i32
      %dma_wait3A_19 = tpu.memref_slice %arg7[%arg0, %mul3A_12, %dma_wait3A] : memref<2x10000x64xf32, #tpu.memory_space<hbm>> -> memref<1x624x64xf32, #tpu.memory_space<hbm>>
      %dma_wait3A_20 = tpu.memref_squeeze %dma_wait3A_19 : memref<1x624x64xf32, #tpu.memory_space<hbm>> -> memref<624x64xf32, #tpu.memory_space<hbm>>
      %dma_wait3A_21 = arith.constant 0 : i32
      %dma_wait3A_22 = tpu.memref_slice %arg8[%mul3A_12, %dma_wait3A_21] : memref<10112x64xf32, #tpu.memory_space<vmem_shared>> -> memref<624x64xf32, #tpu.memory_space<vmem_shared>>
      tpu.wait_dma2 semaphore(%run_scoped3A : memref<!tpu.dma_semaphore, #tpu.memory_space<semaphore_mem>>) src(%dma_wait3A_22 : memref<624x64xf32, #tpu.memory_space<vmem_shared>>) dst(%dma_wait3A_20 : memref<624x64xf32, #tpu.memory_space<hbm>>)
      tpu.yield
    }) : () -> ()
    %eq3A = arith.constant 15 : i32
    %eq3A_13 = arith.cmpi eq, %arg1, %eq3A : i32
    %convert_element_type3A = arith.extui %eq3A_13 : i1 to i32
    %cond3A = arith.constant 0 : i32
    %cond3A_14 = arith.cmpi ne, %convert_element_type3A, %cond3A : i32
    scf.if %cond3A_14 {
      "tpu.region"() ({
        %run_scoped3A = tpu.sem_alloc : memref<!tpu.dma_semaphore, #tpu.memory_space<semaphore_mem>>
        %dma_start3A = arith.constant 9984 : i32
        %dma_start3A_15 = arith.constant 0 : i32
        %dma_start3A_16 = tpu.memref_slice %arg7[%arg0, %dma_start3A, %dma_start3A_15] : memref<2x10000x64xf32, #tpu.memory_space<hbm>> -> memref<1x16x64xf32, #tpu.memory_space<hbm>>
        %dma_start3A_17 = tpu.memref_squeeze %dma_start3A_16 : memref<1x16x64xf32, #tpu.memory_space<hbm>> -> memref<16x64xf32, #tpu.memory_space<hbm>>
        %dma_start3A_18 = arith.constant 9984 : i32
        %dma_start3A_19 = arith.constant 0 : i32
        %dma_start3A_20 = tpu.memref_slice %arg8[%dma_start3A_18, %dma_start3A_19] : memref<10112x64xf32, #tpu.memory_space<vmem_shared>> -> memref<16x64xf32, #tpu.memory_space<vmem_shared>>
        tpu.enqueue_dma source(%dma_start3A_20 : memref<16x64xf32, #tpu.memory_space<vmem_shared>>) target(%dma_start3A_17 : memref<16x64xf32, #tpu.memory_space<hbm>>) target_semaphore(%run_scoped3A : memref<!tpu.dma_semaphore, #tpu.memory_space<semaphore_mem>>)
        %dma_wait3A = arith.constant 9984 : i32
        %dma_wait3A_21 = arith.constant 0 : i32
        %dma_wait3A_22 = tpu.memref_slice %arg7[%arg0, %dma_wait3A, %dma_wait3A_21] : memref<2x10000x64xf32, #tpu.memory_space<hbm>> -> memref<1x16x64xf32, #tpu.memory_space<hbm>>
        %dma_wait3A_23 = tpu.memref_squeeze %dma_wait3A_22 : memref<1x16x64xf32, #tpu.memory_space<hbm>> -> memref<16x64xf32, #tpu.memory_space<hbm>>
        %dma_wait3A_24 = arith.constant 9984 : i32
        %dma_wait3A_25 = arith.constant 0 : i32
        %dma_wait3A_26 = tpu.memref_slice %arg8[%dma_wait3A_24, %dma_wait3A_25] : memref<10112x64xf32, #tpu.memory_space<vmem_shared>> -> memref<16x64xf32, #tpu.memory_space<vmem_shared>>
        tpu.wait_dma2 semaphore(%run_scoped3A : memref<!tpu.dma_semaphore, #tpu.memory_space<semaphore_mem>>) src(%dma_wait3A_26 : memref<16x64xf32, #tpu.memory_space<vmem_shared>>) dst(%dma_wait3A_23 : memref<16x64xf32, #tpu.memory_space<hbm>>)
        tpu.yield
      }) : () -> ()
    } else {
    }
    return
  }
}

module attributes {stable_mosaic.version = 14 : i64} {
  func.func @_tc0_body(%arg0: i32, %arg1: memref<2x1000x16xf32, #tpu.memory_space<vmem>>, %arg2: memref<2x1000x16xf32, #tpu.memory_space<vmem>>, %arg3: memref<1000x128xf32, #tpu.memory_space<vmem>>, %arg4: memref<1000x1xf32, #tpu.memory_space<vmem>>, %arg5: memref<1000x1xf32, #tpu.memory_space<vmem>>, %arg6: memref<1000x128xf32, #tpu.memory_space<vmem>>) attributes {dimension_semantics = [#tpu.dimension_semantics<arbitrary>], iteration_bounds = array<i64: 10>, scalar_prefetch = 0 : i64, scratch_operands = 0 : i64, tpu.core_type = #tpu.core_type<tc>, window_params = [{transform_indices = @transform_0, window_bounds = array<i64: 2, 1000, 16>}, {transform_indices = @transform_1, window_bounds = array<i64: 2, 1000, 16>}, {transform_indices = @transform_2, window_bounds = array<i64: 1000, 128>}, {transform_indices = @transform_3, window_bounds = array<i64: 1000, 1>}, {transform_indices = @transform_4, window_bounds = array<i64: 1000, 1>}, {transform_indices = @transform_5, window_bounds = array<i64: 1000, 128>}]} {
    %get3A = arith.constant 0 : index
    %get3A_0 = arith.constant 0 : index
    %get3A_1 = arith.constant 0 : index
    %get3A_2 = vector.load %arg1[%get3A, %get3A_0, %get3A_1] : memref<2x1000x16xf32, #tpu.memory_space<vmem>>, vector<2x1000x16xf32>
    %reduce_sum3A = arith.constant dense<0.000000e+00> : vector<1000xf32>
    %reduce_sum3A_3 = vector.multi_reduction <add>, %get3A_2, %reduce_sum3A [0, 2] : vector<2x1000x16xf32> to vector<1000xf32>
    %mul3A = arith.constant 6.250000e-02 : f32
    %mul3A_4 = vector.broadcast %mul3A : f32 to vector<1000xf32>
    %mul3A_5 = arith.mulf %reduce_sum3A_3, %mul3A_4 : vector<1000xf32>
    %get3A_6 = arith.constant 0 : index
    %get3A_7 = arith.constant 0 : index
    %get3A_8 = arith.constant 0 : index
    %get3A_9 = vector.load %arg2[%get3A_6, %get3A_7, %get3A_8] : memref<2x1000x16xf32, #tpu.memory_space<vmem>>, vector<2x1000x16xf32>
    %reduce_sum3A_10 = arith.constant dense<0.000000e+00> : vector<1000xf32>
    %reduce_sum3A_11 = vector.multi_reduction <add>, %get3A_9, %reduce_sum3A_10 [0, 2] : vector<2x1000x16xf32> to vector<1000xf32>
    %mul3A_12 = arith.constant 6.250000e-02 : f32
    %mul3A_13 = vector.broadcast %mul3A_12 : f32 to vector<1000xf32>
    %mul3A_14 = arith.mulf %reduce_sum3A_11, %mul3A_13 : vector<1000xf32>
    %max3A = arith.constant 1.000000e+00 : f32
    %max3A_15 = vector.broadcast %max3A : f32 to vector<1000xf32>
    %max3A_16 = arith.maximumf %mul3A_5, %max3A_15 : vector<1000xf32>
    %rsqrt3A = math.rsqrt %max3A_16 : vector<1000xf32>
    %max3A_17 = arith.constant 1.000000e+00 : f32
    %max3A_18 = vector.broadcast %max3A_17 : f32 to vector<1000xf32>
    %max3A_19 = arith.maximumf %mul3A_14, %max3A_18 : vector<1000xf32>
    %rsqrt3A_20 = math.rsqrt %max3A_19 : vector<1000xf32>
    %broadcast_in_dim3A = vector.shape_cast %rsqrt3A : vector<1000xf32> to vector<1000x1xf32>
    %swap3A = arith.constant 0 : index
    %swap3A_21 = arith.constant 0 : index
    %swap3A_22 = vector.load %arg4[%swap3A, %swap3A_21] : memref<1000x1xf32, #tpu.memory_space<vmem>>, vector<1000x1xf32>
    tpu.vector_store %arg4[%swap3A, %swap3A_21], %broadcast_in_dim3A {strides = array<i32>} : memref<1000x1xf32, #tpu.memory_space<vmem>>, vector<1000x1xf32>,
    %broadcast_in_dim3A_23 = vector.shape_cast %rsqrt3A_20 : vector<1000xf32> to vector<1000x1xf32>
    %swap3A_24 = arith.constant 0 : index
    %swap3A_25 = arith.constant 0 : index
    %swap3A_26 = vector.load %arg5[%swap3A_24, %swap3A_25] : memref<1000x1xf32, #tpu.memory_space<vmem>>, vector<1000x1xf32>
    tpu.vector_store %arg5[%swap3A_24, %swap3A_25], %broadcast_in_dim3A_23 {strides = array<i32>} : memref<1000x1xf32, #tpu.memory_space<vmem>>, vector<1000x1xf32>,
    %get3A_27 = arith.constant 0 : index
    %get3A_28 = arith.constant 0 : index
    %get3A_29 = vector.load %arg3[%get3A_27, %get3A_28] : memref<1000x128xf32, #tpu.memory_space<vmem>>, vector<1000x128xf32>
    %broadcast_in_dim3A_30 = vector.shape_cast %rsqrt3A : vector<1000xf32> to vector<1000x1xf32>
    %mul3A_31 = vector.broadcast %broadcast_in_dim3A_30 : vector<1000x1xf32> to vector<1000x128xf32>
    %mul3A_32 = arith.mulf %get3A_29, %mul3A_31 : vector<1000x128xf32>
    %swap3A_33 = arith.constant 0 : index
    %swap3A_34 = arith.constant 0 : index
    %swap3A_35 = vector.load %arg6[%swap3A_33, %swap3A_34] : memref<1000x128xf32, #tpu.memory_space<vmem>>, vector<1000x128xf32>
    tpu.vector_store %arg6[%swap3A_33, %swap3A_34], %mul3A_32 {strides = array<i32>} : memref<1000x128xf32, #tpu.memory_space<vmem>>, vector<1000x128xf32>,
    return
  }
  func.func @transform_0(%arg0: i32) -> (i32, i32, i32) {
    %c0_i32 = arith.constant 0 : i32
    %c0_i32_0 = arith.constant 0 : i32
    %c0_i32_1 = arith.constant 0 : i32
    return %c0_i32, %arg0, %c0_i32_0 : i32, i32, i32
  }
  func.func @transform_1(%arg0: i32) -> (i32, i32, i32) {
    %c0_i32 = arith.constant 0 : i32
    %c0_i32_0 = arith.constant 0 : i32
    %c0_i32_1 = arith.constant 0 : i32
    return %c0_i32, %arg0, %c0_i32_0 : i32, i32, i32
  }
  func.func @transform_2(%arg0: i32) -> (i32, i32) {
    %c0_i32 = arith.constant 0 : i32
    %c0_i32_0 = arith.constant 0 : i32
    return %arg0, %c0_i32 : i32, i32
  }
  func.func @transform_3(%arg0: i32) -> (i32, i32) {
    %c0_i32 = arith.constant 0 : i32
    %c0_i32_0 = arith.constant 0 : i32
    return %arg0, %c0_i32 : i32, i32
  }
  func.func @transform_4(%arg0: i32) -> (i32, i32) {
    %c0_i32 = arith.constant 0 : i32
    %c0_i32_0 = arith.constant 0 : i32
    return %arg0, %c0_i32 : i32, i32
  }
  func.func @transform_5(%arg0: i32) -> (i32, i32) {
    %c0_i32 = arith.constant 0 : i32
    %c0_i32_0 = arith.constant 0 : i32
    return %arg0, %c0_i32 : i32, i32
  }
}

module attributes {stable_mosaic.version = 14 : i64} {
  func.func @_tc1_body(%arg0: i32, %arg1: memref<2x1000x128xf32, #tpu.memory_space<vmem>>, %arg2: memref<1000x1xf32, #tpu.memory_space<vmem>>, %arg3: memref<1000x1xf32, #tpu.memory_space<vmem>>, %arg4: memref<128x256xf32, #tpu.memory_space<vmem>>, %arg5: memref<1x256xf32, #tpu.memory_space<vmem>>, %arg6: memref<2x1000x128xf32, #tpu.memory_space<vmem>>) attributes {dimension_semantics = [#tpu.dimension_semantics<arbitrary>], iteration_bounds = array<i64: 10>, scalar_prefetch = 0 : i64, scratch_operands = 0 : i64, tpu.core_type = #tpu.core_type<tc>, window_params = [{transform_indices = @transform_0, window_bounds = array<i64: 2, 1000, 128>}, {transform_indices = @transform_1, window_bounds = array<i64: 1000, 1>}, {transform_indices = @transform_2, window_bounds = array<i64: 1000, 1>}, {pipeline_mode = #tpu.pipeline_mode<synchronous>, transform_indices = @transform_3, window_bounds = array<i64: 128, 256>}, {pipeline_mode = #tpu.pipeline_mode<synchronous>, transform_indices = @transform_4, window_bounds = array<i64: 1, 256>}, {transform_indices = @transform_5, window_bounds = array<i64: 2, 1000, 128>}]} {
    %get3A = arith.constant 0 : index
    %get3A_0 = arith.constant 0 : index
    %get3A_1 = arith.constant 0 : index
    %get3A_2 = vector.load %arg1[%get3A, %get3A_0, %get3A_1] : memref<2x1000x128xf32, #tpu.memory_space<vmem>>, vector<1x1000x128xf32>
    %get3A_3 = vector.shape_cast %get3A_2 : vector<1x1000x128xf32> to vector<1000x128xf32>
    %get3A_4 = arith.constant 1 : index
    %get3A_5 = arith.constant 0 : index
    %get3A_6 = arith.constant 0 : index
    %get3A_7 = vector.load %arg1[%get3A_4, %get3A_5, %get3A_6] : memref<2x1000x128xf32, #tpu.memory_space<vmem>>, vector<1x1000x128xf32>
    %get3A_8 = vector.shape_cast %get3A_7 : vector<1x1000x128xf32> to vector<1000x128xf32>
    %add3A = arith.addf %get3A_3, %get3A_8 : vector<1000x128xf32>
    %get3A_9 = arith.constant 0 : index
    %get3A_10 = arith.constant 0 : index
    %get3A_11 = vector.load %arg3[%get3A_9, %get3A_10] : memref<1000x1xf32, #tpu.memory_space<vmem>>, vector<1000x1xf32>
    %mul3A = vector.broadcast %get3A_11 : vector<1000x1xf32> to vector<1000x128xf32>
    %mul3A_12 = arith.mulf %add3A, %mul3A : vector<1000x128xf32>
    %get3A_13 = arith.constant 0 : index
    %get3A_14 = arith.constant 0 : index
    %get3A_15 = vector.load %arg4[%get3A_13, %get3A_14] : memref<128x256xf32, #tpu.memory_space<vmem>>, vector<128x256xf32>
    %dot_general3A = arith.constant dense<0.000000e+00> : vector<1000x256xf32>
    %dot_general3A_16 = tpu.matmul %mul3A_12, %get3A_15, %dot_general3A {dimension_numbers = #tpu.dot_dimension_numbers<[1], [0], [0], [1], [0, 0, 1, 1], [], []>, transpose_lhs_hint = false} : vector<1000x128xf32>, vector<128x256xf32>, vector<1000x256xf32> -> vector<1000x256xf32>
    %get3A_17 = arith.constant 0 : index
    %get3A_18 = arith.constant 0 : index
    %get3A_19 = vector.load %arg5[%get3A_17, %get3A_18] : memref<1x256xf32, #tpu.memory_space<vmem>>, vector<1x256xf32>
    %add3A_20 = vector.broadcast %get3A_19 : vector<1x256xf32> to vector<1000x256xf32>
    %add3A_21 = arith.addf %dot_general3A_16, %add3A_20 : vector<1000x256xf32>
    %max3A = arith.constant 0.000000e+00 : f32
    %max3A_22 = vector.broadcast %max3A : f32 to vector<1000x256xf32>
    %max3A_23 = arith.maximumf %add3A_21, %max3A_22 : vector<1000x256xf32>
    %get3A_24 = arith.constant 0 : index
    %get3A_25 = arith.constant 0 : index
    %get3A_26 = vector.load %arg2[%get3A_24, %get3A_25] : memref<1000x1xf32, #tpu.memory_space<vmem>>, vector<1000x1xf32>
    %mul3A_27 = vector.broadcast %get3A_26 : vector<1000x1xf32> to vector<1000x256xf32>
    %mul3A_28 = arith.mulf %max3A_23, %mul3A_27 : vector<1000x256xf32>
    %slice3A = vector.extract_strided_slice %mul3A_28 {offsets = [0, 0], sizes = [1000, 128], strides = [1, 1]} : vector<1000x256xf32> to vector<1000x128xf32>
    %swap3A = arith.constant 0 : index
    %swap3A_29 = arith.constant 0 : index
    %swap3A_30 = arith.constant 0 : index
    %swap3A_31 = vector.load %arg6[%swap3A, %swap3A_29, %swap3A_30] : memref<2x1000x128xf32, #tpu.memory_space<vmem>>, vector<1x1000x128xf32>
    %swap3A_32 = vector.shape_cast %swap3A_31 : vector<1x1000x128xf32> to vector<1000x128xf32>
    %swap3A_33 = vector.shape_cast %slice3A : vector<1000x128xf32> to vector<1x1000x128xf32>
    tpu.vector_store %arg6[%swap3A, %swap3A_29, %swap3A_30], %swap3A_33 {strides = array<i32>} : memref<2x1000x128xf32, #tpu.memory_space<vmem>>, vector<1x1000x128xf32>,
    %slice3A_34 = vector.extract_strided_slice %mul3A_28 {offsets = [0, 128], sizes = [1000, 128], strides = [1, 1]} : vector<1000x256xf32> to vector<1000x128xf32>
    %swap3A_35 = arith.constant 1 : index
    %swap3A_36 = arith.constant 0 : index
    %swap3A_37 = arith.constant 0 : index
    %swap3A_38 = vector.load %arg6[%swap3A_35, %swap3A_36, %swap3A_37] : memref<2x1000x128xf32, #tpu.memory_space<vmem>>, vector<1x1000x128xf32>
    %swap3A_39 = vector.shape_cast %swap3A_38 : vector<1x1000x128xf32> to vector<1000x128xf32>
    %swap3A_40 = vector.shape_cast %slice3A_34 : vector<1000x128xf32> to vector<1x1000x128xf32>
    tpu.vector_store %arg6[%swap3A_35, %swap3A_36, %swap3A_37], %swap3A_40 {strides = array<i32>} : memref<2x1000x128xf32, #tpu.memory_space<vmem>>, vector<1x1000x128xf32>,
    return
  }
  func.func @transform_0(%arg0: i32) -> (i32, i32, i32) {
    %c0_i32 = arith.constant 0 : i32
    %c0_i32_0 = arith.constant 0 : i32
    %c0_i32_1 = arith.constant 0 : i32
    return %c0_i32, %arg0, %c0_i32_0 : i32, i32, i32
  }
  func.func @transform_1(%arg0: i32) -> (i32, i32) {
    %c0_i32 = arith.constant 0 : i32
    %c0_i32_0 = arith.constant 0 : i32
    return %arg0, %c0_i32 : i32, i32
  }
  func.func @transform_2(%arg0: i32) -> (i32, i32) {
    %c0_i32 = arith.constant 0 : i32
    %c0_i32_0 = arith.constant 0 : i32
    return %arg0, %c0_i32 : i32, i32
  }
  func.func @transform_3(%arg0: i32) -> (i32, i32) {
    %c0_i32 = arith.constant 0 : i32
    %c0_i32_0 = arith.constant 0 : i32
    %c0_i32_1 = arith.constant 0 : i32
    return %c0_i32, %c0_i32_0 : i32, i32
  }
  func.func @transform_4(%arg0: i32) -> (i32, i32) {
    %c0_i32 = arith.constant 0 : i32
    %c0_i32_0 = arith.constant 0 : i32
    %c0_i32_1 = arith.constant 0 : i32
    return %c0_i32, %c0_i32_0 : i32, i32
  }
  func.func @transform_5(%arg0: i32) -> (i32, i32, i32) {
    %c0_i32 = arith.constant 0 : i32
    %c0_i32_0 = arith.constant 0 : i32
    %c0_i32_1 = arith.constant 0 : i32
    return %c0_i32, %arg0, %c0_i32_0 : i32, i32, i32
  }
}

module attributes {stable_mosaic.version = 14 : i64} {
  func.func @_tc2_body(%arg0: i32, %arg1: memref<2x1000x128xf32, #tpu.memory_space<vmem>>, %arg2: memref<2x1000x128xf32, #tpu.memory_space<vmem>>, %arg3: memref<1000x1xf32, #tpu.memory_space<vmem>>, %arg4: memref<1000x1xf32, #tpu.memory_space<vmem>>, %arg5: memref<2x128x256xf32, #tpu.memory_space<vmem>>, %arg6: memref<1x256xf32, #tpu.memory_space<vmem>>, %arg7: memref<256x64xf32, #tpu.memory_space<vmem>>, %arg8: memref<1000x64xf32, #tpu.memory_space<vmem>>) attributes {dimension_semantics = [#tpu.dimension_semantics<arbitrary>], iteration_bounds = array<i64: 10>, scalar_prefetch = 0 : i64, scratch_operands = 0 : i64, tpu.core_type = #tpu.core_type<tc>, window_params = [{transform_indices = @transform_0, window_bounds = array<i64: 2, 1000, 128>}, {transform_indices = @transform_1, window_bounds = array<i64: 2, 1000, 128>}, {transform_indices = @transform_2, window_bounds = array<i64: 1000, 1>}, {transform_indices = @transform_3, window_bounds = array<i64: 1000, 1>}, {pipeline_mode = #tpu.pipeline_mode<synchronous>, transform_indices = @transform_4, window_bounds = array<i64: 2, 128, 256>}, {pipeline_mode = #tpu.pipeline_mode<synchronous>, transform_indices = @transform_5, window_bounds = array<i64: 1, 256>}, {pipeline_mode = #tpu.pipeline_mode<synchronous>, transform_indices = @transform_6, window_bounds = array<i64: 256, 64>}, {transform_indices = @transform_7, window_bounds = array<i64: 1000, 64>}]} {
    %get3A = arith.constant 0 : index
    %get3A_0 = arith.constant 0 : index
    %get3A_1 = arith.constant 0 : index
    %get3A_2 = vector.load %arg1[%get3A, %get3A_0, %get3A_1] : memref<2x1000x128xf32, #tpu.memory_space<vmem>>, vector<1x1000x128xf32>
    %get3A_3 = vector.shape_cast %get3A_2 : vector<1x1000x128xf32> to vector<1000x128xf32>
    %get3A_4 = arith.constant 1 : index
    %get3A_5 = arith.constant 0 : index
    %get3A_6 = arith.constant 0 : index
    %get3A_7 = vector.load %arg1[%get3A_4, %get3A_5, %get3A_6] : memref<2x1000x128xf32, #tpu.memory_space<vmem>>, vector<1x1000x128xf32>
    %get3A_8 = vector.shape_cast %get3A_7 : vector<1x1000x128xf32> to vector<1000x128xf32>
    %add3A = arith.addf %get3A_3, %get3A_8 : vector<1000x128xf32>
    %get3A_9 = arith.constant 0 : index
    %get3A_10 = arith.constant 0 : index
    %get3A_11 = vector.load %arg4[%get3A_9, %get3A_10] : memref<1000x1xf32, #tpu.memory_space<vmem>>, vector<1000x1xf32>
    %mul3A = vector.broadcast %get3A_11 : vector<1000x1xf32> to vector<1000x128xf32>
    %mul3A_12 = arith.mulf %add3A, %mul3A : vector<1000x128xf32>
    %get3A_13 = arith.constant 0 : index
    %get3A_14 = arith.constant 0 : index
    %get3A_15 = arith.constant 0 : index
    %get3A_16 = vector.load %arg2[%get3A_13, %get3A_14, %get3A_15] : memref<2x1000x128xf32, #tpu.memory_space<vmem>>, vector<1x1000x128xf32>
    %get3A_17 = vector.shape_cast %get3A_16 : vector<1x1000x128xf32> to vector<1000x128xf32>
    %get3A_18 = arith.constant 1 : index
    %get3A_19 = arith.constant 0 : index
    %get3A_20 = arith.constant 0 : index
    %get3A_21 = vector.load %arg2[%get3A_18, %get3A_19, %get3A_20] : memref<2x1000x128xf32, #tpu.memory_space<vmem>>, vector<1x1000x128xf32>
    %get3A_22 = vector.shape_cast %get3A_21 : vector<1x1000x128xf32> to vector<1000x128xf32>
    %add3A_23 = arith.addf %get3A_17, %get3A_22 : vector<1000x128xf32>
    %get3A_24 = arith.constant 0 : index
    %get3A_25 = arith.constant 0 : index
    %get3A_26 = vector.load %arg4[%get3A_24, %get3A_25] : memref<1000x1xf32, #tpu.memory_space<vmem>>, vector<1000x1xf32>
    %mul3A_27 = vector.broadcast %get3A_26 : vector<1000x1xf32> to vector<1000x128xf32>
    %mul3A_28 = arith.mulf %add3A_23, %mul3A_27 : vector<1000x128xf32>
    %get3A_29 = arith.constant 0 : index
    %get3A_30 = arith.constant 0 : index
    %get3A_31 = arith.constant 0 : index
    %get3A_32 = vector.load %arg5[%get3A_29, %get3A_30, %get3A_31] : memref<2x128x256xf32, #tpu.memory_space<vmem>>, vector<1x128x256xf32>
    %get3A_33 = vector.shape_cast %get3A_32 : vector<1x128x256xf32> to vector<128x256xf32>
    %dot_general3A = arith.constant dense<0.000000e+00> : vector<1000x256xf32>
    %dot_general3A_34 = tpu.matmul %mul3A_12, %get3A_33, %dot_general3A {dimension_numbers = #tpu.dot_dimension_numbers<[1], [0], [0], [1], [0, 0, 1, 1], [], []>, transpose_lhs_hint = false} : vector<1000x128xf32>, vector<128x256xf32>, vector<1000x256xf32> -> vector<1000x256xf32>
    %get3A_35 = arith.constant 1 : index
    %get3A_36 = arith.constant 0 : index
    %get3A_37 = arith.constant 0 : index
    %get3A_38 = vector.load %arg5[%get3A_35, %get3A_36, %get3A_37] : memref<2x128x256xf32, #tpu.memory_space<vmem>>, vector<1x128x256xf32>
    %get3A_39 = vector.shape_cast %get3A_38 : vector<1x128x256xf32> to vector<128x256xf32>
    %dot_general3A_40 = arith.constant dense<0.000000e+00> : vector<1000x256xf32>
    %dot_general3A_41 = tpu.matmul %mul3A_28, %get3A_39, %dot_general3A_40 {dimension_numbers = #tpu.dot_dimension_numbers<[1], [0], [0], [1], [0, 0, 1, 1], [], []>, transpose_lhs_hint = false} : vector<1000x128xf32>, vector<128x256xf32>, vector<1000x256xf32> -> vector<1000x256xf32>
    %add3A_42 = arith.addf %dot_general3A_34, %dot_general3A_41 : vector<1000x256xf32>
    %get3A_43 = arith.constant 0 : index
    %get3A_44 = arith.constant 0 : index
    %get3A_45 = vector.load %arg6[%get3A_43, %get3A_44] : memref<1x256xf32, #tpu.memory_space<vmem>>, vector<1x256xf32>
    %add3A_46 = vector.broadcast %get3A_45 : vector<1x256xf32> to vector<1000x256xf32>
    %add3A_47 = arith.addf %add3A_42, %add3A_46 : vector<1000x256xf32>
    %max3A = arith.constant 0.000000e+00 : f32
    %max3A_48 = vector.broadcast %max3A : f32 to vector<1000x256xf32>
    %max3A_49 = arith.maximumf %add3A_47, %max3A_48 : vector<1000x256xf32>
    %get3A_50 = arith.constant 0 : index
    %get3A_51 = arith.constant 0 : index
    %get3A_52 = vector.load %arg7[%get3A_50, %get3A_51] : memref<256x64xf32, #tpu.memory_space<vmem>>, vector<256x64xf32>
    %dot_general3A_53 = arith.constant dense<0.000000e+00> : vector<1000x64xf32>
    %dot_general3A_54 = tpu.matmul %max3A_49, %get3A_52, %dot_general3A_53 {dimension_numbers = #tpu.dot_dimension_numbers<[1], [0], [0], [1], [0, 0, 1, 1], [], []>, transpose_lhs_hint = false} : vector<1000x256xf32>, vector<256x64xf32>, vector<1000x64xf32> -> vector<1000x64xf32>
    %get3A_55 = arith.constant 0 : index
    %get3A_56 = arith.constant 0 : index
    %get3A_57 = vector.load %arg3[%get3A_55, %get3A_56] : memref<1000x1xf32, #tpu.memory_space<vmem>>, vector<1000x1xf32>
    %mul3A_58 = vector.broadcast %get3A_57 : vector<1000x1xf32> to vector<1000x64xf32>
    %mul3A_59 = arith.mulf %dot_general3A_54, %mul3A_58 : vector<1000x64xf32>
    %swap3A = arith.constant 0 : index
    %swap3A_60 = arith.constant 0 : index
    %swap3A_61 = vector.load %arg8[%swap3A, %swap3A_60] : memref<1000x64xf32, #tpu.memory_space<vmem>>, vector<1000x64xf32>
    tpu.vector_store %arg8[%swap3A, %swap3A_60], %mul3A_59 {strides = array<i32>} : memref<1000x64xf32, #tpu.memory_space<vmem>>, vector<1000x64xf32>,
    return
  }
  func.func @transform_0(%arg0: i32) -> (i32, i32, i32) {
    %c0_i32 = arith.constant 0 : i32
    %c0_i32_0 = arith.constant 0 : i32
    %c0_i32_1 = arith.constant 0 : i32
    return %c0_i32, %arg0, %c0_i32_0 : i32, i32, i32
  }
  func.func @transform_1(%arg0: i32) -> (i32, i32, i32) {
    %c0_i32 = arith.constant 0 : i32
    %c0_i32_0 = arith.constant 0 : i32
    %c0_i32_1 = arith.constant 0 : i32
    return %c0_i32, %arg0, %c0_i32_0 : i32, i32, i32
  }
  func.func @transform_2(%arg0: i32) -> (i32, i32) {
    %c0_i32 = arith.constant 0 : i32
    %c0_i32_0 = arith.constant 0 : i32
    return %arg0, %c0_i32 : i32, i32
  }
  func.func @transform_3(%arg0: i32) -> (i32, i32) {
    %c0_i32 = arith.constant 0 : i32
    %c0_i32_0 = arith.constant 0 : i32
    return %arg0, %c0_i32 : i32, i32
  }
  func.func @transform_4(%arg0: i32) -> (i32, i32, i32) {
    %c0_i32 = arith.constant 0 : i32
    %c0_i32_0 = arith.constant 0 : i32
    %c0_i32_1 = arith.constant 0 : i32
    %c0_i32_2 = arith.constant 0 : i32
    return %c0_i32, %c0_i32_0, %c0_i32_1 : i32, i32, i32
  }
  func.func @transform_5(%arg0: i32) -> (i32, i32) {
    %c0_i32 = arith.constant 0 : i32
    %c0_i32_0 = arith.constant 0 : i32
    %c0_i32_1 = arith.constant 0 : i32
    return %c0_i32, %c0_i32_0 : i32, i32
  }
  func.func @transform_6(%arg0: i32) -> (i32, i32) {
    %c0_i32 = arith.constant 0 : i32
    %c0_i32_0 = arith.constant 0 : i32
    %c0_i32_1 = arith.constant 0 : i32
    return %c0_i32, %c0_i32_0 : i32, i32
  }
  func.func @transform_7(%arg0: i32) -> (i32, i32) {
    %c0_i32 = arith.constant 0 : i32
    %c0_i32_0 = arith.constant 0 : i32
    return %arg0, %c0_i32 : i32, i32
  }
}

module attributes {stable_mosaic.version = 14 : i64} {
  func.func @_tc3_body(%arg0: i32, %arg1: memref<2x1000x64xf32, #tpu.memory_space<vmem>>, %arg2: memref<1000x1xf32, #tpu.memory_space<vmem>>, %arg3: memref<1x64xf32, #tpu.memory_space<vmem>>, %arg4: memref<1000x64xf32, #tpu.memory_space<vmem>>) attributes {dimension_semantics = [#tpu.dimension_semantics<arbitrary>], iteration_bounds = array<i64: 10>, scalar_prefetch = 0 : i64, scratch_operands = 0 : i64, tpu.core_type = #tpu.core_type<tc>, window_params = [{transform_indices = @transform_0, window_bounds = array<i64: 2, 1000, 64>}, {transform_indices = @transform_1, window_bounds = array<i64: 1000, 1>}, {pipeline_mode = #tpu.pipeline_mode<synchronous>, transform_indices = @transform_2, window_bounds = array<i64: 1, 64>}, {transform_indices = @transform_3, window_bounds = array<i64: 1000, 64>}]} {
    %get3A = arith.constant 0 : index
    %get3A_0 = arith.constant 0 : index
    %get3A_1 = arith.constant 0 : index
    %get3A_2 = vector.load %arg1[%get3A, %get3A_0, %get3A_1] : memref<2x1000x64xf32, #tpu.memory_space<vmem>>, vector<1x1000x64xf32>
    %get3A_3 = vector.shape_cast %get3A_2 : vector<1x1000x64xf32> to vector<1000x64xf32>
    %get3A_4 = arith.constant 1 : index
    %get3A_5 = arith.constant 0 : index
    %get3A_6 = arith.constant 0 : index
    %get3A_7 = vector.load %arg1[%get3A_4, %get3A_5, %get3A_6] : memref<2x1000x64xf32, #tpu.memory_space<vmem>>, vector<1x1000x64xf32>
    %get3A_8 = vector.shape_cast %get3A_7 : vector<1x1000x64xf32> to vector<1000x64xf32>
    %add3A = arith.addf %get3A_3, %get3A_8 : vector<1000x64xf32>
    %get3A_9 = arith.constant 0 : index
    %get3A_10 = arith.constant 0 : index
    %get3A_11 = vector.load %arg2[%get3A_9, %get3A_10] : memref<1000x1xf32, #tpu.memory_space<vmem>>, vector<1000x1xf32>
    %mul3A = vector.broadcast %get3A_11 : vector<1000x1xf32> to vector<1000x64xf32>
    %mul3A_12 = arith.mulf %add3A, %mul3A : vector<1000x64xf32>
    %get3A_13 = arith.constant 0 : index
    %get3A_14 = arith.constant 0 : index
    %get3A_15 = vector.load %arg3[%get3A_13, %get3A_14] : memref<1x64xf32, #tpu.memory_space<vmem>>, vector<1x64xf32>
    %add3A_16 = vector.broadcast %get3A_15 : vector<1x64xf32> to vector<1000x64xf32>
    %add3A_17 = arith.addf %mul3A_12, %add3A_16 : vector<1000x64xf32>
    %swap3A = arith.constant 0 : index
    %swap3A_18 = arith.constant 0 : index
    %swap3A_19 = vector.load %arg4[%swap3A, %swap3A_18] : memref<1000x64xf32, #tpu.memory_space<vmem>>, vector<1000x64xf32>
    tpu.vector_store %arg4[%swap3A, %swap3A_18], %add3A_17 {strides = array<i32>} : memref<1000x64xf32, #tpu.memory_space<vmem>>, vector<1000x64xf32>,
    return
  }
  func.func @transform_0(%arg0: i32) -> (i32, i32, i32) {
    %c0_i32 = arith.constant 0 : i32
    %c0_i32_0 = arith.constant 0 : i32
    %c0_i32_1 = arith.constant 0 : i32
    return %c0_i32, %arg0, %c0_i32_0 : i32, i32, i32
  }
  func.func @transform_1(%arg0: i32) -> (i32, i32) {
    %c0_i32 = arith.constant 0 : i32
    %c0_i32_0 = arith.constant 0 : i32
    return %arg0, %c0_i32 : i32, i32
  }
  func.func @transform_2(%arg0: i32) -> (i32, i32) {
    %c0_i32 = arith.constant 0 : i32
    %c0_i32_0 = arith.constant 0 : i32
    %c0_i32_1 = arith.constant 0 : i32
    return %c0_i32, %c0_i32_0 : i32, i32
  }
  func.func @transform_3(%arg0: i32) -> (i32, i32) {
    %c0_i32 = arith.constant 0 : i32
    %c0_i32_0 = arith.constant 0 : i32
    return %arg0, %c0_i32 : i32, i32
  }
}

</mosaic_0001>

<sc_bundles>
// kernel: _run.11.cloned.1.call-start
scs
__scs_entry_jumppad:
0x0: {  	(pc) =	sbr.rel $0x88, $3  }
0x1: {  	(tag) =	ssettag $0x0;
	lr =	simm.s32 $0x1  }
0x2: {  	[smem:$0x3F99] =	sst lr;
	_ =	strace $0xD0000000  }
0x3: {  	_ = 	snop  }
0x4: {  	_ = 	snop  }
0x5: {  	_ = 	snop  }
0x6: {  	_ = 	snop  }
0x7: {  	_ = 	snop  }
__scs_overlays_trampoline_lowered:
0x8: {  	[smem:$0x3FA8] =	sst s0  }
0x9: {  	[smem:$0x3FA9] =	sst s1  }
0xa: {  	[smem:$0x3FAA] =	sst s2  }
0xb: {  	[smem:$0x3FAB] =	sst s3  }
0xc: {  	[smem:$0x3FAC] =	sst s4  }
0xd: {  	[smem:$0x3FAD] =	sst s5  }
0xe: {  	[smem:$0x3FAE] =	sst s6  }
0xf: {  	[smem:$0x3FAF] =	sst s7  }
0x10: {  	[smem:$0x3FB0] =	sst s8  }
0x11: {  	[smem:$0x3FB1] =	sst s9;
	s0 =	simm.s32 @!p0 $0x0  }
0x12: {  	s1 =	sld [smem:$0x3F97];
	s0 =	simm.s32 @p0 $0x1  }
0x13: {  	[smem:$0x3FB2] =	sst s0;
	s0 =	simm.s32 @!p1 $0x0  }
0x14: {  	s2 =	sld [smem:$0x3F96];
	s0 =	simm.s32 @p1 $0x1  }
0x15: {  	[smem:$0x3FB3] =	sst s0;
	s0 =	simm.s32 @!p2 $0x0  }
0x16: {  	s3 =	sld [smem:$0x3FDB];
	s0 =	simm.s32 @p2 $0x1  }
0x17: {  	s4 =	simm.s32 $0x1BF5;
	[smem:$0x3FB5] =	sst s0  }
0x18: {  	s0 =	sld [smem:$0x3F98];
	_ =	swait.ge [sflag:s4], $0x0  }
0x19: {  	s7 =	sld [smem:$0x3F99]  }
0x1a: {  	s8 =	sadd.s32 $0xFFFFE003, lr  }
0x1b: {  	s9 =	sadd.s32 $0xFFFFFEF7, lr;
	s5 =	simm.s32 $0xFFFFFFFF;
	p2 =	slt.u32 s8, $0xFFFFF086  }
0x1c: {  	p1 =	slt.u32 s9, $0xF7A;
	s5 =	simm.s32 @!p2 $0x0  }
0x1d: {  	s5 =	simm.s32 @p1 $0x1;
	p0 =	seq.s32 s7, s2  }
0x1e: {  	s7 =	smul.u32 @!p0 $0xF7A, s2;
	p2 =	seq.s32 @!p0 s5, $0x0  }
0x1f: {  	s9 =	smul.u32 $0xF7A, s1;
	s8 =	simm.s32 @!p0 $0x1BF5;
	p2 =	por !p2, p0  }
0x20: {  	[sflag:s8] =	ssyncset.s32 @!p0 $0xFFFFF086;
	s6 =	sadd.s32 @!p0 s3, s7;
	s7 =	simm.s32 @!p0 $0x108  }
0x21: {  	s3 =	sadd.s32 s3, s9;
	s6 =	sadd.s32 @!p0 $0x88, s6;
	s7 =	simm.s32 @p2 $0x1082  }
0x22: {  	[simem:s7], [sflag:s8] =	dma.local @!p0 [hbm:s6], $0xF7A  }
0x23: {  	s9 =	sor.u32 $0xD0000000, s2;
	s6 =	simm.s32 $0x108;
	_ =	swait.ge @!p0 [sflag:s8], $0x0  }
0x24: {  	s3 =	sadd.s32 $0x88, s3;
	s6 =	simm.s32 @!p1 $0x1082;
	[sflag:s4] =	ssyncset.s32 $0xFFFFF086  }
0x25: {  	[simem:s6], [sflag:s4] =	dma.local [hbm:s3], $0xF7A  }
0x26: {  	[smem:$0x3F99] =	sst s1;
	(tag) =	ssettag s2;
	_ =	strace s9  }
0x27: {  	s1 =	sld [smem:$0x3FA9]  }
0x28: {  	s2 =	sld [smem:$0x3FAA]  }
0x29: {  	s4 =	sld [smem:$0x3FAC]  }
0x2a: {  	p0 =	seq.s32 s5, $0x0;
	s5 =	sld [smem:$0x3FAD]  }
0x2b: {  	s6 =	sld [smem:$0x3FAE]  }
0x2c: {  	s7 =	sld [smem:$0x3FAF]  }
0x2d: {  	s3 =	simm.s32 $0x108;
	s8 =	sld [smem:$0x3FB0]  }
0x2e: {  	s3 =	simm.s32 @!p0 $0x1082;
	s9 =	sld [smem:$0x3FB1]  }
0x2f: {  	lr =	sadd.s32 s0, s3;
	s0 =	sld [smem:$0x3FA8]  }
0x30: {  	s3 =	sld [smem:$0x3FAB]  }
0x31: {  	[smem:$0x3FB4] =	sst s10  }
0x32: {  	s10 =	sld [smem:$0x3FB2];
	_ =	sdelay $0x3  }
0x33: {  	p0 =	seq.s32 s10, $0x1;
	s10 =	sld [smem:$0x3FB4];
	_ =	sdelay $0x3  }
0x34: {  	[smem:$0x3FB4] =	sst s10  }
0x35: {  	s10 =	sld [smem:$0x3FB3];
	_ =	sdelay $0x3  }
0x36: {  	p1 =	seq.s32 s10, $0x1;
	s10 =	sld [smem:$0x3FB4];
	_ =	sdelay $0x3  }
0x37: {  	[smem:$0x3FB4] =	sst s10  }
0x38: {  	s10 =	sld [smem:$0x3FB5]  }
0x39: {  	_ = 	snop;
	(pc) =	sbr.ind lr, $3  }
0x3a: {  	_ = 	snop  }
0x3b: {  	_ = 	snop  }
0x3c: {  	p2 =	seq.s32 s10, $0x1;
	s10 =	sld [smem:$0x3FB4]  }
0x3d: {  	_ =	shalt  }
0x3e: {  	_ =	shalt  }
0x3f: {  	_ =	shalt  }
0x40: {  	_ =	shalt  }
0x41: {  	_ =	shalt  }
0x42: {  	_ =	shalt  }
0x43: {  	_ =	shalt  }
0x44: {  	_ =	shalt  }
0x45: {  	_ =	shalt  }
0x46: {  	_ =	shalt  }
0x47: {  	_ =	shalt  }
0x48: {  	_ =	shalt  }
0x49: {  	_ =	shalt  }
0x4a: {  	_ =	shalt  }
0x4b: {  	_ =	shalt  }
0x4c: {  	_ =	shalt  }
0x4d: {  	_ =	shalt  }
0x4e: {  	_ =	shalt  }
0x4f: {  	_ =	shalt  }
0x50: {  	_ =	shalt  }
0x51: {  	_ =	shalt  }
0x52: {  	_ =	shalt  }
0x53: {  	_ =	shalt  }
0x54: {  	_ =	shalt  }
0x55: {  	_ =	shalt  }
0x56: {  	_ =	shalt  }
0x57: {  	_ =	shalt  }
0x58: {  	_ =	shalt  }
0x59: {  	_ =	shalt  }
0x5a: {  	_ =	shalt  }
0x5b: {  	_ =	shalt  }
0x5c: {  	_ =	shalt  }
0x5d: {  	_ =	shalt  }
0x5e: {  	_ =	shalt  }
0x5f: {  	_ =	shalt  }
0x60: {  	_ =	shalt  }
0x61: {  	_ =	shalt  }
0x62: {  	_ =	shalt  }
0x63: {  	_ =	shalt  }
0x64: {  	_ =	shalt  }
0x65: {  	_ =	shalt  }
0x66: {  	_ =	shalt  }
0x67: {  	_ =	shalt  }
0x68: {  	_ =	shalt  }
0x69: {  	_ =	shalt  }
0x6a: {  	_ =	shalt  }
0x6b: {  	_ =	shalt  }
0x6c: {  	_ =	shalt  }
0x6d: {  	_ =	shalt  }
0x6e: {  	_ =	shalt  }
0x6f: {  	_ =	shalt  }
0x70: {  	_ =	shalt  }
0x71: {  	_ =	shalt  }
0x72: {  	_ =	shalt  }
0x73: {  	_ =	shalt  }
0x74: {  	_ =	shalt  }
0x75: {  	_ =	shalt  }
0x76: {  	_ =	shalt  }
0x77: {  	_ =	shalt  }
0x78: {  	_ =	shalt  }
0x79: {  	_ =	shalt  }
0x7a: {  	_ =	shalt  }
0x7b: {  	_ =	shalt  }
0x7c: {  	_ =	shalt  }
0x7d: {  	_ =	shalt  }
0x7e: {  	_ =	shalt  }
0x7f: {  	_ =	shalt  }
0x80: {  	_ =	shalt  }
0x81: {  	_ =	shalt  }
0x82: {  	_ =	shalt  }
0x83: {  	_ =	shalt  }
0x84: {  	_ =	shalt  }
0x85: {  	_ =	shalt  }
0x86: {  	_ =	shalt  }
0x87: {  	_ =	shalt  }
.Lfunc_end0:
.L_simem_size_0:
called_computation_lowered:
.L_overlay_start_0:
0x88: {  	s2 =	sld [smem:$0x3FD9]  }
0x89: {  	s3 =	sld [smem:$0x3FFE];
	_ =	sdelay $0x1  }
0x8a: {  	s1 =	srdreg.scid  }
0x8b: {  	s0 =	sand.u32 $0x1, s1  }
0x8c: {  	s17 =	sshll.u32 s0, $0xA;
	s2 =	sadd.s32 s3, s2  }
0x8d: {  	s2 =	sadd.s32 s2, s17  }
0x8e: {  	[smem:$0x3FC0] =	sst s2  }
0x8f: {  	_ = 	snop  }
0x90: {  	s2 =	sld [smem:$0x3FD0];
	(tm) =	ssettm $0x1  }
0x91: {  	s18 =	sld [smem:$0x3FFB];
	_ =	sdelay $0x3  }
0x92: {  	_ =	strace s18  }
0x93: {  	s3 =	sld [smem:$0x3FFC];
	_ =	sdelay $0x3  }
0x94: {  	_ =	strace s3  }
0x95: {  	s3 =	sld [smem:$0x3FFD];
	_ =	sdelay $0x3  }
0x96: {  	_ =	strace s3  }
0x97: {  	_ =	strace $0x8FFFFFFF  }
0x98: {  	s19 =	sld [smem:$0x3FDB];
	_ =	sdelay $0x1  }
0x99: {  	s4 =	simm.s32 $_scs_section_size  }
0x9a: {  	s5 =	simm.s32 $_size__tile_overlayer_lowered;
	s6 =	simm.s32 $_tile_overlayer_lowered  }
0x9b: {  	s22 =	simm.s32 $0x1BFF;
	s21 =	sshll.u32 s6, $0x1;
	s3 =	sadd.s32 s4, s19  }
0x9c: {  	s7 =	simm.s32 $0x0;
	s20 =	sshll.u32 s5, $0x1;
	s5 =	sadd.s32 s21, s3  }
0x9d: {  	[timem:s7], [sflag:s22] =	dma.local [hbm:s5], s20  }
0x9e: {  	_ =	swait.ge [sflag:s22], s20  }
0x9f: {  	s4 =	ssub.s32 $0x0, s20;
	[sflag:s22] =	ssyncset.done $0x0  }
0xa0: {  	[sflag:s22] =	ssyncadd.s32 s4;
	_ =	sdelay $0x1  }
0xa1: {  	s23 =	simm.s32 $0x1B8B  }
0xa2: {  	_ =	swait.ge [sflag:s23], $0x1  }
0xa3: {  	[sflag:s23] =	ssyncset.done $0x0  }
0xa4: {  	s25 =	simm.s32 $0x1B8E;
	s24 =	sld [smem:$0x3FFE];
	[sflag:s23] =	ssyncadd.s32 $0xFFFFFFFF  }
0xa5: {  	s26 =	simm.s32 $execute0_lowered;
	[smem:$0x3FD2] =	sst s25  }
0xa6: {  	s5 =	sshll.u32 s26, $0x1;
	_ =	strace $0x80000046;
	[dreg:$0x1] =	wrdreg $0xFFFFFFFF  }
0xa7: {  	s28 =	simm.s32 $_size_execute0_lowered;
	s3 =	sadd.s32 s3, s5;
	[dreg:$0x0] =	wrdreg $0x0  }
0xa8: {  	s5 =	sshll.u32 s28, $0x1;
	[dreg:$0x2] =	wrdreg s3  }
0xa9: {  	[dreg:$0x3] =	wrdreg s5  }
0xaa: {  	[dreg:$0x4] =	wrdreg $0xC0  }
0xab: {  	_ =	task [dreg:s7], $0x5FFFF  }
0xac: {  	[dreg:$0x1] =	wrdreg $0xFFFFFFFF  }
0xad: {  	[dreg:$0x0] =	wrdreg $0x60  }
0xae: {  	[dreg:$0x2] =	wrdreg s2  }
0xaf: {  	[dreg:$0x3] =	wrdreg s24  }
0xb0: {  	[dreg:$0x4] =	wrdreg $0x0  }
0xb1: {  	[dreg:$0x5] =	wrdreg $0x27800  }
0xb2: {  	[dreg:$0x6] =	wrdreg $0x9  }
0xb3: {  	_ =	task.clear_ibuf [dreg:s7], $0x7FFFF;
	_ =	strace $0x90000046  }
0xb4: {  	s29 =	simm.s32 $0x9;
	_ =	strace $0x80000048  }
0xb5: {  	_ =	swait.ge [sflag:s29], $0x1  }
0xb6: {  	[sflag:s29] =	ssyncadd.s32 $0xFFFFFFFF  }
0xb7: {  	_ =	strace $0x90000048  }
0xb8: {  	_ =	sfence  }
0xb9: {  	s30 =	sld [smem:$0x0];
	_ =	sdelay $0x2  }
0xba: {  	s31 =	sshll.u32 s1, $0xD;
	s1 =	sshrl.u32 s1, $0x2  }
0xbb: {  	s3 =	sand.u32 $0x4000, s31;
	s1 =	sadd.s32 s1, s30  }
0xbc: {  	s0 =	sor.u32 s3, s0;
	s1 =	sshll.u32 s1, $0x11  }
0xbd: {  	s0 =	sor.u32 s1, s0  }
0xbe: {  	s0 =	sadd.s32 $0x8F2B, s0  }
0xbf: {  	[sflag:s0] =	ssyncadd.remote.s32 $0x1  }
0xc0: {  	_ =	sfence.sel $0xFFFF  }
0xc1: {  	[dreg:$0x0] =	wrdreg $0xFFFFFFFF;
	(pc) =	sbr.abs _section_cstart, $3  }
0xc2: {  	[dreg:$0x1] =	wrdreg $0xFFFFFFFF  }
0xc3: {  	_ =	task.clear_ibuf [dreg:s7], $0x2FFFF;
	_ =	strace $0x9FFFFFFF  }
0xc4: {  	(tm) =	ssettm $0x7FFFFFFF  }
0xc5: {  	_ =	shalt  }
tec
execute0_lowered:
.L_overlay_start_1:
0x0: {  	(tag) =	ssettag $0x1  }
0x1: {  	s1 =	rddreg [dreg:$0x0]  }
0x2: {  	s7 =	rddreg [dreg:$0x1]  }
0x3: {  	s2 =	rddreg [dreg:$0x2]  }
0x4: {  	s0 =	srdreg.scid;
	s3 =	rddreg [dreg:$0x3]  }
0x5: {  	s17 =	simm.s32 $0x7700;
	s18 =	simm.s32 $0x9F00;
	s21 =	simm.s32 $0x80  }
0x6: {  	s22 =	simm.s32 $0x1;
	s26 =	simm.s32 $0x0;
	s8 =	sand.u32 $0x1, s0  }
0x7: {  	s0 =	stileid.u32;
	s6 =	sadd.s32 $0xCC00, s7;
	s13 =	sadd.s32 $0x17200, s7  }
0x8: {  	s15 =	sadd.s32 $0xD400, s7;
	s24 =	sadd.s32 $0x27000, s2;
	s12 =	smul.u32 $0x27100, s8  }
0x9: {  	s4 =	sshll.u32 s8, $0x4;
	s11 =	ssub.s32 $0x2, s8;
	s14 =	smul.u32 $0x2700, s0  }
0xa: {  	s29 =	smul.u32 $0x2780, s0;
	p0 =	sne.s32 s0, $0xF;
	s5 =	sor.u32 s0, s4  }
0xb: {  	s4 =	simm.s32 $0x0;
	s28 =	sshrl.u32 s11, $0x1;
	s24 =	sshrl.u32 @!p0 s24, $0x3  }
0xc: {  	s9 =	smul.u32 $0x500, s5;
	[smem:$0x7FF] =	sst s4;
	s5 =	sadd.s32 $0xD200, s7  }
0xd: {  	s16 =	ssub.s32 s11, s28;
	s30 =	sadd.s32 s14, s12;
	s19 =	sadd.s32 s29, s2  }
0xe: {  	s20 =	sadd.s32 s29, s3;
	s23 =	sadd.s32 s14, s2;
	s12 =	sshrl.u32 s12, $0x3  }
0xf: {  	s11 =	sadd.s32 s14, s3;
	_ =	strace $0x80000047;
	s31 =	sadd.s32 $0x4E00, s12  }
0x10: {  	s14 =	smax.u32 s16, $0x1;
	s16 =	simm.s32 $0x2;
	s19 =	sshrl.u32 s19, $0x3  }
0x11: {  	s20 =	sshrl.u32 s20, $0x3;
	s23 =	sshrl.u32 s23, $0x3;
	s10 =	sadd.s32 s9, s7  }
0x12: {  	s7 =	sadd.s32 s1, s9;
	s1 =	sshrl.u32 s30, $0x3;
	s8 =	sadd.s32 $0x2C00, s10  }
0x13: {  	s9 =	sadd.s32 s13, s1;
	s10 =	sadd.s32 s15, s1;
	s1 =	sadd.s32 $0x27000, s3  }
0x14: {  	s12 =	sadd.s32 s13, s31;
	s13 =	sadd.s32 s15, s31;
	s25 =	sshrl.u32 @!p0 s1, $0x3  }
.LBB2_1:
0x15: {  	s1 =	simm.s32 $0x4F00  }
0x16: {  	[tilespmem:s1], [sflag:$0x2] =	stream.linear.gather [hbm4b:s7+s4], $0x2800, $0x38;
	[tilespmem:$0xA700] =	vst v63  }
0x17: {  	_ =	swait.ge [sflag:s16], $0x2800  }
0x18: {  	[sflag:s16] =	ssyncset.done $0x0  }
0x19: {  	[sflag:s16] =	ssyncadd.s32 $0xFFFFD800  }
0x1a: {  	[tilespmem:s17], [sflag:$0x2] =	stream.linear.gather [hbm4b:s8+s4], $0x2800, $0x38;
	[tilespmem:$0xA700] =	vst v63  }
0x1b: {  	_ =	swait.ge [sflag:s16], $0x2800  }
0x1c: {  	[sflag:s16] =	ssyncset.done $0x0  }
0x1d: {  	[sflag:s16] =	ssyncadd.s32 $0xFFFFD800  }
0x1e: {  	[tilespmem:s18], [sflag:$0x2] =	stream.linear.gather [hbm4b:s5+s4], $0x800, $0x38;
	[tilespmem:$0xA700] =	vst v63  }
0x1f: {  	_ =	swait.ge [sflag:s16], $0x800  }
0x20: {  	s30 =	sshll.u32 s0, $0x6;
	[sflag:s16] =	ssyncset.done $0x0  }
0x21: {  	s28 =	sor.u32 $0x1C02, s30;
	[sflag:s16] =	ssyncadd.s32 $0xFFFFF800  }
0x22: {  	[spmem:s19], [sflag:s28] =	dma.local [hbm:s6], $0x4F0  }
0x23: {  	_ =	swait.ge [sflag:s16], $0x4F0  }
0x24: {  	[sflag:s16] =	ssyncset.done $0x0  }
0x25: {  	[sflag:s16] =	ssyncadd.s32 $0xFFFFFB10  }
0x26: {  	[spmem:s20], [sflag:s28] =	dma.local [hbm:s6], $0x4F0  }
0x27: {  	_ =	swait.ge [sflag:s16], $0x4F0  }
0x28: {  	[sflag:s16] =	ssyncset.done $0x0  }
0x29: {  	[sflag:s16] =	ssyncadd.s32 $0xFFFFFB10  }
0x2a: {  	s15 =	simm.s32 $0x4F00;
	[bflag:$0x0] =	sbarrier.arrive $0xFFFF  }
0x2b: {  	[spmem:s2] =	stream.indirect.scatter.add.f32 [tilespmem:s18], [sflag:$0x1], $0x10, s15, s21, $0xb8;
	[tilespmem:$0xA700] =	vst v63  }
0x2c: {  	s30 =	simm.s32 $0x7700  }
0x2d: {  	[spmem:s3] =	stream.indirect.scatter.add.f32 [tilespmem:s18], [sflag:$0x1], $0x10, s30, s21, $0xb8;
	[tilespmem:$0xA700] =	vst v63  }
0x2e: {  	s15 =	simm.s32 $0x4F80  }
0x2f: {  	[spmem:s2] =	stream.indirect.scatter.add.f32 [tilespmem:s18], [sflag:$0x1], $0x10, s15, s21, $0xb8;
	[tilespmem:$0xA700] =	vst v63  }
0x30: {  	s30 =	simm.s32 $0x7780  }
0x31: {  	[spmem:s3] =	stream.indirect.scatter.add.f32 [tilespmem:s18], [sflag:$0x1], $0x10, s30, s21, $0xb8;
	[tilespmem:$0xA700] =	vst v63  }
0x32: {  	s15 =	simm.s32 $0x5000  }
0x33: {  	[spmem:s2] =	stream.indirect.scatter.add.f32 [tilespmem:s18], [sflag:$0x1], $0x10, s15, s21, $0xb8;
	[tilespmem:$0xA700] =	vst v63  }
0x34: {  	s30 =	simm.s32 $0x7800  }
0x35: {  	[spmem:s3] =	stream.indirect.scatter.add.f32 [tilespmem:s18], [sflag:$0x1], $0x10, s30, s21, $0xb8;
	[tilespmem:$0xA700] =	vst v63  }
0x36: {  	s15 =	simm.s32 $0x5080  }
0x37: {  	[spmem:s2] =	stream.indirect.scatter.add.f32 [tilespmem:s18], [sflag:$0x1], $0x10, s15, s21, $0xb8;
	[tilespmem:$0xA700] =	vst v63  }
0x38: {  	s30 =	simm.s32 $0x7880  }
0x39: {  	[spmem:s3] =	stream.indirect.scatter.add.f32 [tilespmem:s18], [sflag:$0x1], $0x10, s30, s21, $0xb8;
	[tilespmem:$0xA700] =	vst v63  }
0x3a: {  	s15 =	simm.s32 $0x5100  }
0x3b: {  	[spmem:s2] =	stream.indirect.scatter.add.f32 [tilespmem:s18], [sflag:$0x1], $0x10, s15, s21, $0xb8;
	[tilespmem:$0xA700] =	vst v63  }
0x3c: {  	s30 =	simm.s32 $0x7900  }
0x3d: {  	[spmem:s3] =	stream.indirect.scatter.add.f32 [tilespmem:s18], [sflag:$0x1], $0x10, s30, s21, $0xb8;
	[tilespmem:$0xA700] =	vst v63  }
0x3e: {  	s15 =	simm.s32 $0x5180  }
0x3f: {  	[spmem:s2] =	stream.indirect.scatter.add.f32 [tilespmem:s18], [sflag:$0x1], $0x10, s15, s21, $0xb8;
	[tilespmem:$0xA700] =	vst v63  }
0x40: {  	s30 =	simm.s32 $0x7980  }
0x41: {  	[spmem:s3] =	stream.indirect.scatter.add.f32 [tilespmem:s18], [sflag:$0x1], $0x10, s30, s21, $0xb8;
	[tilespmem:$0xA700] =	vst v63  }
0x42: {  	s15 =	simm.s32 $0x5200  }
0x43: {  	[spmem:s2] =	stream.indirect.scatter.add.f32 [tilespmem:s18], [sflag:$0x1], $0x10, s15, s21, $0xb8;
	[tilespmem:$0xA700] =	vst v63  }
0x44: {  	s30 =	simm.s32 $0x7A00  }
0x45: {  	[spmem:s3] =	stream.indirect.scatter.add.f32 [tilespmem:s18], [sflag:$0x1], $0x10, s30, s21, $0xb8;
	[tilespmem:$0xA700] =	vst v63  }
0x46: {  	s15 =	simm.s32 $0x5280  }
0x47: {  	[spmem:s2] =	stream.indirect.scatter.add.f32 [tilespmem:s18], [sflag:$0x1], $0x10, s15, s21, $0xb8;
	[tilespmem:$0xA700] =	vst v63  }
0x48: {  	s30 =	simm.s32 $0x7A80  }
0x49: {  	[spmem:s3] =	stream.indirect.scatter.add.f32 [tilespmem:s18], [sflag:$0x1], $0x10, s30, s21, $0xb8;
	[tilespmem:$0xA700] =	vst v63  }
0x4a: {  	_ =	swait.ge [sflag:s22], $0x800  }
0x4b: {  	[sflag:s22] =	ssyncset.done $0x0  }
0x4c: {  	[sflag:s22] =	ssyncadd.s32 $0xFFFFF800  }
0x4d: {  	_ =	swait.ge [sflag:s22], $0x800  }
0x4e: {  	[sflag:s22] =	ssyncset.done $0x0  }
0x4f: {  	[sflag:s22] =	ssyncadd.s32 $0xFFFFF800  }
0x50: {  	_ =	swait.ge [sflag:s22], $0x800  }
0x51: {  	[sflag:s22] =	ssyncset.done $0x0  }
0x52: {  	[sflag:s22] =	ssyncadd.s32 $0xFFFFF800  }
0x53: {  	_ =	swait.ge [sflag:s22], $0x800  }
0x54: {  	[sflag:s22] =	ssyncset.done $0x0  }
0x55: {  	[sflag:s22] =	ssyncadd.s32 $0xFFFFF800  }
0x56: {  	_ =	swait.ge [sflag:s22], $0x800  }
0x57: {  	[sflag:s22] =	ssyncset.done $0x0  }
0x58: {  	[sflag:s22] =	ssyncadd.s32 $0xFFFFF800  }
0x59: {  	_ =	swait.ge [sflag:s22], $0x800  }
0x5a: {  	[sflag:s22] =	ssyncset.done $0x0  }
0x5b: {  	[sflag:s22] =	ssyncadd.s32 $0xFFFFF800  }
0x5c: {  	_ =	swait.ge [sflag:s22], $0x800  }
0x5d: {  	[sflag:s22] =	ssyncset.done $0x0  }
0x5e: {  	[sflag:s22] =	ssyncadd.s32 $0xFFFFF800  }
0x5f: {  	_ =	swait.ge [sflag:s22], $0x800  }
0x60: {  	[sflag:s22] =	ssyncset.done $0x0  }
0x61: {  	[sflag:s22] =	ssyncadd.s32 $0xFFFFF800  }
0x62: {  	_ =	swait.ge [sflag:s22], $0x800  }
0x63: {  	[sflag:s22] =	ssyncset.done $0x0  }
0x64: {  	[sflag:s22] =	ssyncadd.s32 $0xFFFFF800  }
0x65: {  	_ =	swait.ge [sflag:s22], $0x800  }
0x66: {  	[sflag:s22] =	ssyncset.done $0x0  }
0x67: {  	[sflag:s22] =	ssyncadd.s32 $0xFFFFF800  }
0x68: {  	_ =	swait.ge [sflag:s22], $0x800  }
0x69: {  	[sflag:s22] =	ssyncset.done $0x0  }
0x6a: {  	[sflag:s22] =	ssyncadd.s32 $0xFFFFF800  }
0x6b: {  	_ =	swait.ge [sflag:s22], $0x800  }
0x6c: {  	[sflag:s22] =	ssyncset.done $0x0  }
0x6d: {  	[sflag:s22] =	ssyncadd.s32 $0xFFFFF800  }
0x6e: {  	_ =	swait.ge [sflag:s22], $0x800  }
0x6f: {  	[sflag:s22] =	ssyncset.done $0x0  }
0x70: {  	[sflag:s22] =	ssyncadd.s32 $0xFFFFF800  }
0x71: {  	_ =	swait.ge [sflag:s22], $0x800  }
0x72: {  	[sflag:s22] =	ssyncset.done $0x0  }
0x73: {  	[sflag:s22] =	ssyncadd.s32 $0xFFFFF800  }
0x74: {  	_ =	swait.ge [sflag:s22], $0x800  }
0x75: {  	[sflag:s22] =	ssyncset.done $0x0  }
0x76: {  	[sflag:s22] =	ssyncadd.s32 $0xFFFFF800  }
0x77: {  	_ =	swait.ge [sflag:s22], $0x800  }
0x78: {  	s29 =	simm.s32 $0x2000;
	s31 =	simm.s32 $0x400;
	[sflag:s22] =	ssyncset.done $0x0  }
.LBB2_2:
0x79: {  	s15 =	sadd.s32 $0x4F00, s31  }
0x7a: {  	[sflag:s22] =	ssyncadd.s32 $0xFFFFF800;
	s30 =	smov.u32 s29;
	s1 =	sadd.s32 $0x1000, s29  }
0x7b: {  	[spmem:s2] =	stream.indirect.scatter.add.f32 [tilespmem:s18], [sflag:$0x1], $0x10, s15, s21, $0xb8;
	[tilespmem:$0xA700] =	vst v63  }
0x7c: {  	p1 =	sne.s32 s29, $0x9000;
	s15 =	sadd.s32 $0x7700, s31  }
0x7d: {  	[spmem:s3] =	stream.indirect.scatter.add.f32 [tilespmem:s18], [sflag:$0x1], $0x10, s15, s21, $0xb8;
	[tilespmem:$0xA700] =	vst v63  }
0x7e: {  	s15 =	sadd.s32 $0x4F80, s31  }
0x7f: {  	[spmem:s2] =	stream.indirect.scatter.add.f32 [tilespmem:s18], [sflag:$0x1], $0x10, s15, s21, $0xb8;
	[tilespmem:$0xA700] =	vst v63  }
0x80: {  	s15 =	sadd.s32 $0x7780, s31  }
0x81: {  	[spmem:s3] =	stream.indirect.scatter.add.f32 [tilespmem:s18], [sflag:$0x1], $0x10, s15, s21, $0xb8;
	[tilespmem:$0xA700] =	vst v63  }
0x82: {  	s15 =	sadd.s32 $0x5000, s31  }
0x83: {  	[spmem:s2] =	stream.indirect.scatter.add.f32 [tilespmem:s18], [sflag:$0x1], $0x10, s15, s21, $0xb8;
	[tilespmem:$0xA700] =	vst v63  }
0x84: {  	s15 =	sadd.s32 $0x7800, s31  }
0x85: {  	[spmem:s3] =	stream.indirect.scatter.add.f32 [tilespmem:s18], [sflag:$0x1], $0x10, s15, s21, $0xb8;
	[tilespmem:$0xA700] =	vst v63  }
0x86: {  	s15 =	sadd.s32 $0x5080, s31  }
0x87: {  	[spmem:s2] =	stream.indirect.scatter.add.f32 [tilespmem:s18], [sflag:$0x1], $0x10, s15, s21, $0xb8;
	[tilespmem:$0xA700] =	vst v63  }
0x88: {  	s15 =	sadd.s32 $0x7880, s31  }
0x89: {  	[spmem:s3] =	stream.indirect.scatter.add.f32 [tilespmem:s18], [sflag:$0x1], $0x10, s15, s21, $0xb8;
	[tilespmem:$0xA700] =	vst v63  }
0x8a: {  	s15 =	sadd.s32 $0x5100, s31  }
0x8b: {  	[spmem:s2] =	stream.indirect.scatter.add.f32 [tilespmem:s18], [sflag:$0x1], $0x10, s15, s21, $0xb8;
	[tilespmem:$0xA700] =	vst v63  }
0x8c: {  	s15 =	sadd.s32 $0x7900, s31  }
0x8d: {  	[spmem:s3] =	stream.indirect.scatter.add.f32 [tilespmem:s18], [sflag:$0x1], $0x10, s15, s21, $0xb8;
	[tilespmem:$0xA700] =	vst v63  }
0x8e: {  	s15 =	sadd.s32 $0x5180, s31  }
0x8f: {  	[spmem:s2] =	stream.indirect.scatter.add.f32 [tilespmem:s18], [sflag:$0x1], $0x10, s15, s21, $0xb8;
	[tilespmem:$0xA700] =	vst v63  }
0x90: {  	s15 =	sadd.s32 $0x7980, s31  }
0x91: {  	[spmem:s3] =	stream.indirect.scatter.add.f32 [tilespmem:s18], [sflag:$0x1], $0x10, s15, s21, $0xb8;
	[tilespmem:$0xA700] =	vst v63  }
0x92: {  	s15 =	sadd.s32 $0x5200, s31  }
0x93: {  	[spmem:s2] =	stream.indirect.scatter.add.f32 [tilespmem:s18], [sflag:$0x1], $0x10, s15, s21, $0xb8;
	[tilespmem:$0xA700] =	vst v63  }
0x94: {  	s15 =	sadd.s32 $0x7A00, s31  }
0x95: {  	[spmem:s3] =	stream.indirect.scatter.add.f32 [tilespmem:s18], [sflag:$0x1], $0x10, s15, s21, $0xb8;
	[tilespmem:$0xA700] =	vst v63  }
0x96: {  	s15 =	sadd.s32 $0x5280, s31  }
0x97: {  	[spmem:s2] =	stream.indirect.scatter.add.f32 [tilespmem:s18], [sflag:$0x1], $0x10, s15, s21, $0xb8;
	[tilespmem:$0xA700] =	vst v63  }
0x98: {  	s15 =	sadd.s32 $0x7A80, s31  }
0x99: {  	[spmem:s3] =	stream.indirect.scatter.add.f32 [tilespmem:s18], [sflag:$0x1], $0x10, s15, s21, $0xb8;
	[tilespmem:$0xA700] =	vst v63  }
0x9a: {  	_ =	swait.ge [sflag:s22], $0x800  }
0x9b: {  	[sflag:s22] =	ssyncset.done $0x0  }
0x9c: {  	[sflag:s22] =	ssyncadd.s32 $0xFFFFF800  }
0x9d: {  	_ =	swait.ge [sflag:s22], $0x800  }
0x9e: {  	[sflag:s22] =	ssyncset.done $0x0  }
0x9f: {  	[sflag:s22] =	ssyncadd.s32 $0xFFFFF800  }
0xa0: {  	_ =	swait.ge [sflag:s22], $0x800  }
0xa1: {  	[sflag:s22] =	ssyncset.done $0x0  }
0xa2: {  	[sflag:s22] =	ssyncadd.s32 $0xFFFFF800  }
0xa3: {  	_ =	swait.ge [sflag:s22], $0x800  }
0xa4: {  	[sflag:s22] =	ssyncset.done $0x0  }
0xa5: {  	[sflag:s22] =	ssyncadd.s32 $0xFFFFF800  }
0xa6: {  	_ =	swait.ge [sflag:s22], $0x800  }
0xa7: {  	[sflag:s22] =	ssyncset.done $0x0  }
0xa8: {  	[sflag:s22] =	ssyncadd.s32 $0xFFFFF800  }
0xa9: {  	_ =	swait.ge [sflag:s22], $0x800  }
0xaa: {  	[sflag:s22] =	ssyncset.done $0x0  }
0xab: {  	[sflag:s22] =	ssyncadd.s32 $0xFFFFF800  }
0xac: {  	_ =	swait.ge [sflag:s22], $0x800  }
0xad: {  	[sflag:s22] =	ssyncset.done $0x0  }
0xae: {  	[sflag:s22] =	ssyncadd.s32 $0xFFFFF800  }
0xaf: {  	_ =	swait.ge [sflag:s22], $0x800  }
0xb0: {  	[sflag:s22] =	ssyncset.done $0x0  }
0xb1: {  	[sflag:s22] =	ssyncadd.s32 $0xFFFFF800  }
0xb2: {  	_ =	swait.ge [sflag:s22], $0x800  }
0xb3: {  	[sflag:s22] =	ssyncset.done $0x0  }
0xb4: {  	[sflag:s22] =	ssyncadd.s32 $0xFFFFF800  }
0xb5: {  	_ =	swait.ge [sflag:s22], $0x800  }
0xb6: {  	[sflag:s22] =	ssyncset.done $0x0  }
0xb7: {  	[sflag:s22] =	ssyncadd.s32 $0xFFFFF800  }
0xb8: {  	_ =	swait.ge [sflag:s22], $0x800  }
0xb9: {  	[sflag:s22] =	ssyncset.done $0x0  }
0xba: {  	[sflag:s22] =	ssyncadd.s32 $0xFFFFF800  }
0xbb: {  	_ =	swait.ge [sflag:s22], $0x800  }
0xbc: {  	[sflag:s22] =	ssyncset.done $0x0  }
0xbd: {  	[sflag:s22] =	ssyncadd.s32 $0xFFFFF800  }
0xbe: {  	_ =	swait.ge [sflag:s22], $0x800  }
0xbf: {  	[sflag:s22] =	ssyncset.done $0x0  }
0xc0: {  	[sflag:s22] =	ssyncadd.s32 $0xFFFFF800  }
0xc1: {  	_ =	swait.ge [sflag:s22], $0x800  }
0xc2: {  	[sflag:s22] =	ssyncset.done $0x0  }
0xc3: {  	[sflag:s22] =	ssyncadd.s32 $0xFFFFF800  }
.Ltmp0:
0xc4: {  	_ =	swait.ge [sflag:s22], $0x800;
	(pc) =	sbr.rel @p1 .LBB2_2-.Ltmp0, $4  }
0xc5: {  	[sflag:s22] =	ssyncset.done $0x0  }
0xc6: {  	[sflag:s22] =	ssyncadd.s32 $0xFFFFF800  }
0xc7: {  	_ =	swait.ge [sflag:s22], $0x800  }
0xc8: {  	s29 =	smov.u32 s1;
	s31 =	sshra.s32 s30, $0x2;
	[sflag:s22] =	ssyncset.done $0x0  }
0xc9: {  	s1 =	sadd.s32 $0x4F00, s31;
	[sflag:s22] =	ssyncadd.s32 $0xFFFFF800  }
0xca: {  	[spmem:s2] =	stream.indirect.scatter.add.f32 [tilespmem:s18], [sflag:$0x1], $0x10, s1, s21, $0xb8;
	[tilespmem:$0xA700] =	vst v63  }
0xcb: {  	s29 =	sadd.s32 $0x7700, s31  }
0xcc: {  	[spmem:s3] =	stream.indirect.scatter.add.f32 [tilespmem:s18], [sflag:$0x1], $0x10, s29, s21, $0xb8;
	[tilespmem:$0xA700] =	vst v63  }
0xcd: {  	s30 =	sadd.s32 $0x4F80, s31  }
0xce: {  	[spmem:s2] =	stream.indirect.scatter.add.f32 [tilespmem:s18], [sflag:$0x1], $0x10, s30, s21, $0xb8;
	[tilespmem:$0xA700] =	vst v63  }
0xcf: {  	s15 =	sadd.s32 $0x7780, s31  }
0xd0: {  	[spmem:s3] =	stream.indirect.scatter.add.f32 [tilespmem:s18], [sflag:$0x1], $0x10, s15, s21, $0xb8;
	[tilespmem:$0xA700] =	vst v63  }
0xd1: {  	s29 =	sadd.s32 $0x5000, s31  }
0xd2: {  	[spmem:s2] =	stream.indirect.scatter.add.f32 [tilespmem:s18], [sflag:$0x1], $0x10, s29, s21, $0xb8;
	[tilespmem:$0xA700] =	vst v63  }
0xd3: {  	s30 =	sadd.s32 $0x7800, s31  }
0xd4: {  	[spmem:s3] =	stream.indirect.scatter.add.f32 [tilespmem:s18], [sflag:$0x1], $0x10, s30, s21, $0xb8;
	[tilespmem:$0xA700] =	vst v63  }
0xd5: {  	s15 =	sadd.s32 $0x5080, s31  }
0xd6: {  	[spmem:s2] =	stream.indirect.scatter.add.f32 [tilespmem:s18], [sflag:$0x1], $0x10, s15, s21, $0xb8;
	[tilespmem:$0xA700] =	vst v63  }
0xd7: {  	s29 =	sadd.s32 $0x7880, s31  }
0xd8: {  	[spmem:s3] =	stream.indirect.scatter.add.f32 [tilespmem:s18], [sflag:$0x1], $0x10, s29, s21, $0xb8;
	[tilespmem:$0xA700] =	vst v63  }
0xd9: {  	s30 =	sadd.s32 $0x5100, s31  }
0xda: {  	[spmem:s2] =	stream.indirect.scatter.add.f32 [tilespmem:s18], [sflag:$0x1], $0x10, s30, s21, $0xb8;
	[tilespmem:$0xA700] =	vst v63  }
0xdb: {  	s15 =	sadd.s32 $0x7900, s31  }
0xdc: {  	[spmem:s3] =	stream.indirect.scatter.add.f32 [tilespmem:s18], [sflag:$0x1], $0x10, s15, s21, $0xb8;
	[tilespmem:$0xA700] =	vst v63  }
0xdd: {  	s29 =	sadd.s32 $0x5180, s31  }
0xde: {  	[spmem:s2] =	stream.indirect.scatter.add.f32 [tilespmem:s18], [sflag:$0x1], $0x10, s29, s21, $0xb8;
	[tilespmem:$0xA700] =	vst v63  }
0xdf: {  	s30 =	sadd.s32 $0x7980, s31  }
0xe0: {  	[spmem:s3] =	stream.indirect.scatter.add.f32 [tilespmem:s18], [sflag:$0x1], $0x10, s30, s21, $0xb8;
	[tilespmem:$0xA700] =	vst v63  }
0xe1: {  	s15 =	sadd.s32 $0x5200, s31  }
0xe2: {  	[spmem:s2] =	stream.indirect.scatter.add.f32 [tilespmem:s18], [sflag:$0x1], $0x10, s15, s21, $0xb8;
	[tilespmem:$0xA700] =	vst v63  }
0xe3: {  	s29 =	sadd.s32 $0x7A00, s31  }
0xe4: {  	[spmem:s3] =	stream.indirect.scatter.add.f32 [tilespmem:s18], [sflag:$0x1], $0x10, s29, s21, $0xb8;
	[tilespmem:$0xA700] =	vst v63  }
0xe5: {  	s30 =	sadd.s32 $0x5280, s31  }
0xe6: {  	[spmem:s2] =	stream.indirect.scatter.add.f32 [tilespmem:s18], [sflag:$0x1], $0x10, s30, s21, $0xb8;
	[tilespmem:$0xA700] =	vst v63  }
0xe7: {  	s31 =	sadd.s32 $0x7A80, s31  }
0xe8: {  	[spmem:s3] =	stream.indirect.scatter.add.f32 [tilespmem:s18], [sflag:$0x1], $0x10, s31, s21, $0xb8;
	[tilespmem:$0xA700] =	vst v63  }
0xe9: {  	_ =	swait.ge [sflag:s22], $0x800  }
0xea: {  	[sflag:s22] =	ssyncset.done $0x0  }
0xeb: {  	[sflag:s22] =	ssyncadd.s32 $0xFFFFF800  }
0xec: {  	_ =	swait.ge [sflag:s22], $0x800  }
0xed: {  	[sflag:s22] =	ssyncset.done $0x0  }
0xee: {  	[sflag:s22] =	ssyncadd.s32 $0xFFFFF800  }
0xef: {  	_ =	swait.ge [sflag:s22], $0x800  }
0xf0: {  	[sflag:s22] =	ssyncset.done $0x0  }
0xf1: {  	[sflag:s22] =	ssyncadd.s32 $0xFFFFF800  }
0xf2: {  	_ =	swait.ge [sflag:s22], $0x800  }
0xf3: {  	[sflag:s22] =	ssyncset.done $0x0  }
0xf4: {  	[sflag:s22] =	ssyncadd.s32 $0xFFFFF800  }
0xf5: {  	_ =	swait.ge [sflag:s22], $0x800  }
0xf6: {  	[sflag:s22] =	ssyncset.done $0x0  }
0xf7: {  	[sflag:s22] =	ssyncadd.s32 $0xFFFFF800  }
0xf8: {  	_ =	swait.ge [sflag:s22], $0x800  }
0xf9: {  	[sflag:s22] =	ssyncset.done $0x0  }
0xfa: {  	[sflag:s22] =	ssyncadd.s32 $0xFFFFF800  }
0xfb: {  	_ =	swait.ge [sflag:s22], $0x800  }
0xfc: {  	[sflag:s22] =	ssyncset.done $0x0  }
0xfd: {  	[sflag:s22] =	ssyncadd.s32 $0xFFFFF800  }
0xfe: {  	_ =	swait.ge [sflag:s22], $0x800  }
0xff: {  	[sflag:s22] =	ssyncset.done $0x0  }
0x100: {  	[sflag:s22] =	ssyncadd.s32 $0xFFFFF800  }
0x101: {  	_ =	swait.ge [sflag:s22], $0x800  }
0x102: {  	[sflag:s22] =	ssyncset.done $0x0  }
0x103: {  	[sflag:s22] =	ssyncadd.s32 $0xFFFFF800  }
0x104: {  	_ =	swait.ge [sflag:s22], $0x800  }
0x105: {  	[sflag:s22] =	ssyncset.done $0x0  }
0x106: {  	[sflag:s22] =	ssyncadd.s32 $0xFFFFF800  }
0x107: {  	_ =	swait.ge [sflag:s22], $0x800  }
0x108: {  	[sflag:s22] =	ssyncset.done $0x0  }
0x109: {  	[sflag:s22] =	ssyncadd.s32 $0xFFFFF800  }
0x10a: {  	_ =	swait.ge [sflag:s22], $0x800  }
0x10b: {  	[sflag:s22] =	ssyncset.done $0x0  }
0x10c: {  	[sflag:s22] =	ssyncadd.s32 $0xFFFFF800  }
0x10d: {  	_ =	swait.ge [sflag:s22], $0x800  }
0x10e: {  	[sflag:s22] =	ssyncset.done $0x0  }
0x10f: {  	[sflag:s22] =	ssyncadd.s32 $0xFFFFF800  }
0x110: {  	_ =	swait.ge [sflag:s22], $0x800  }
0x111: {  	[sflag:s22] =	ssyncset.done $0x0  }
0x112: {  	[sflag:s22] =	ssyncadd.s32 $0xFFFFF800  }
0x113: {  	_ =	swait.ge [sflag:s22], $0x800  }
0x114: {  	[sflag:s22] =	ssyncset.done $0x0  }
0x115: {  	[sflag:s22] =	ssyncadd.s32 $0xFFFFF800  }
0x116: {  	_ =	swait.ge [sflag:s22], $0x800  }
0x117: {  	[sflag:s22] =	ssyncset.done $0x0  }
0x118: {  	[sflag:s22] =	ssyncadd.s32 $0xFFFFF800  }
0x119: {  	[bflag:$0x0] =	sbarrier.arrive $0xFFFF  }
0x11a: {  	[hbm:s9], [sflag:s28] =	dma.local [spmem:s23], $0x4E0  }
0x11b: {  	_ =	swait.ge [sflag:s16], $0x4E0  }
0x11c: {  	[sflag:s16] =	ssyncset.done $0x0  }
0x11d: {  	s1 =	sshrl.u32 @p0 s11, $0x3;
	[sflag:s16] =	ssyncadd.s32 $0xFFFFFB20  }
0x11e: {  	[hbm:s10], [sflag:s28] =	dma.local @p0 [spmem:s1], $0x4E0  }
0x11f: {  	s1 =	simm.s32 @p0 $0x2  }
0x120: {  	_ =	swait.ge @p0 [sflag:s1], $0x4E0  }
0x121: {  	[sflag:s1] =	ssyncset.done @p0 $0x0  }
0x122: {  	[sflag:s1] =	ssyncadd.s32 @p0 $0xFFFFFB20;
	s1 =	simm.s32 @!p0 $0x2  }
0x123: {  	[hbm:s12], [sflag:s28] =	dma.local @!p0 [spmem:s24], $0x20  }
0x124: {  	_ =	swait.ge @!p0 [sflag:s1], $0x20  }
0x125: {  	[sflag:s1] =	ssyncset.done @!p0 $0x0  }
0x126: {  	s15 =	sshrl.u32 @!p0 s11, $0x3;
	[sflag:s1] =	ssyncadd.s32 @!p0 $0xFFFFFFE0  }
0x127: {  	[hbm:s10], [sflag:s28] =	dma.local @!p0 [spmem:s15], $0x4E0  }
0x128: {  	s26 =	sadd.s32 $0x1, s26;
	_ =	swait.ge @!p0 [sflag:s1], $0x4E0  }
0x129: {  	p1 =	sne.s32 s26, s14;
	[sflag:s1] =	ssyncset.done @!p0 $0x0  }
.Ltmp1:
0x12a: {  	[sflag:s1] =	ssyncadd.s32 @!p0 $0xFFFFFB20;
	(pc) =	sbr.rel @p1 .LBB2_1-.Ltmp1, $4  }
0x12b: {  	[hbm:s13], [sflag:s28] =	dma.local @!p0 [spmem:s25], $0x20  }
0x12c: {  	_ =	swait.ge @!p0 [sflag:s1], $0x20  }
0x12d: {  	[sflag:s1] =	ssyncset.done @!p0 $0x0  }
0x12e: {  	[sflag:s1] =	ssyncadd.s32 @!p0 $0xFFFFFFE0  }
0x12f: {  	_ =	sfence.sel $0x180000  }
0x130: {  	[bflag:$0x0] =	sbarrier.arrive $0xFFFF  }
0x131: {  	_ =	strace $0x90000047  }
0x132: {  	[bflag:$0x2] =	sbarrier.arrive $0xFFFF  }
0x133: {  	p0 =	sne.s32 s0, $0x0;
	s0 =	rddreg [dreg:$0x4]  }
0x134: {  	s0 =	sadd.s32 @!p0 $0x100000, s0  }
0x135: {  	[sflag:s0] =	ssyncadd.tile.s32 @!p0 $0x1;
	_ =	shalt  }
.Lfunc_end2:
_tile_overlayer_lowered:
.L_overlay_start_2:
0x136: {  	(tag) =	ssettag $0x2  }
0x137: {  	s0 =	rddreg [dreg:$0x0];
	s2 =	stileid.u32  }
0x138: {  	s1 =	rddreg [dreg:$0x1];
	p0 =	sne.s32 s2, $0x0  }
0x139: {  	s3 =	rddreg [dreg:$0x2];
	[bflag:$0x3] =	sbarrier.arrive $0xFFFF;
	s2 =	simm.s32 @!p0 $0x1C02  }
0x13a: {  	[timem:s3], [sflag:s2] =	dma.local @!p0 [hbm:s0], s1  }
0x13b: {  	s0 =	simm.s32 @!p0 $0x2  }
0x13c: {  	_ =	swait.ge @!p0 [sflag:s0], s1  }
0x13d: {  	s1 =	ssub.s32 @!p0 $0x0, s1;
	[sflag:s0] =	ssyncset.done @!p0 $0x0  }
0x13e: {  	[sflag:s0] =	ssyncadd.s32 @!p0 s1  }
0x13f: {  	[bflag:$0x3] =	sbarrier.arrive $0xFFFF  }
0x140: {  	_ =	shalt  }

// kernel: _run.14.cloned.1.call-start
scs
__scs_entry_jumppad:
0x0: {  	(pc) =	sbr.rel $0x88, $3  }
0x1: {  	(tag) =	ssettag $0x0;
	lr =	simm.s32 $0x1  }
0x2: {  	[smem:$0x3F99] =	sst lr;
	_ =	strace $0xD0000000  }
0x3: {  	_ = 	snop  }
0x4: {  	_ = 	snop  }
0x5: {  	_ = 	snop  }
0x6: {  	_ = 	snop  }
0x7: {  	_ = 	snop  }
__scs_overlays_trampoline_lowered:
0x8: {  	[smem:$0x3FA8] =	sst s0  }
0x9: {  	[smem:$0x3FA9] =	sst s1  }
0xa: {  	[smem:$0x3FAA] =	sst s2  }
0xb: {  	[smem:$0x3FAB] =	sst s3  }
0xc: {  	[smem:$0x3FAC] =	sst s4  }
0xd: {  	[smem:$0x3FAD] =	sst s5  }
0xe: {  	[smem:$0x3FAE] =	sst s6  }
0xf: {  	[smem:$0x3FAF] =	sst s7  }
0x10: {  	[smem:$0x3FB0] =	sst s8  }
0x11: {  	[smem:$0x3FB1] =	sst s9;
	s0 =	simm.s32 @!p0 $0x0  }
0x12: {  	s1 =	sld [smem:$0x3F97];
	s0 =	simm.s32 @p0 $0x1  }
0x13: {  	[smem:$0x3FB2] =	sst s0;
	s0 =	simm.s32 @!p1 $0x0  }
0x14: {  	s2 =	sld [smem:$0x3F96];
	s0 =	simm.s32 @p1 $0x1  }
0x15: {  	[smem:$0x3FB3] =	sst s0;
	s0 =	simm.s32 @!p2 $0x0  }
0x16: {  	s3 =	sld [smem:$0x3FDB];
	s0 =	simm.s32 @p2 $0x1  }
0x17: {  	s4 =	simm.s32 $0x1BF5;
	[smem:$0x3FB5] =	sst s0  }
0x18: {  	s0 =	sld [smem:$0x3F98];
	_ =	swait.ge [sflag:s4], $0x0  }
0x19: {  	s7 =	sld [smem:$0x3F99]  }
0x1a: {  	s8 =	sadd.s32 $0xFFFFE003, lr  }
0x1b: {  	s9 =	sadd.s32 $0xFFFFFEF7, lr;
	s5 =	simm.s32 $0xFFFFFFFF;
	p2 =	slt.u32 s8, $0xFFFFF086  }
0x1c: {  	p1 =	slt.u32 s9, $0xF7A;
	s5 =	simm.s32 @!p2 $0x0  }
0x1d: {  	s5 =	simm.s32 @p1 $0x1;
	p0 =	seq.s32 s7, s2  }
0x1e: {  	s7 =	smul.u32 @!p0 $0xF7A, s2;
	p2 =	seq.s32 @!p0 s5, $0x0  }
0x1f: {  	s9 =	smul.u32 $0xF7A, s1;
	s8 =	simm.s32 @!p0 $0x1BF5;
	p2 =	por !p2, p0  }
0x20: {  	[sflag:s8] =	ssyncset.s32 @!p0 $0xFFFFF086;
	s6 =	sadd.s32 @!p0 s3, s7;
	s7 =	simm.s32 @!p0 $0x108  }
0x21: {  	s3 =	sadd.s32 s3, s9;
	s6 =	sadd.s32 @!p0 $0x88, s6;
	s7 =	simm.s32 @p2 $0x1082  }
0x22: {  	[simem:s7], [sflag:s8] =	dma.local @!p0 [hbm:s6], $0xF7A  }
0x23: {  	s9 =	sor.u32 $0xD0000000, s2;
	s6 =	simm.s32 $0x108;
	_ =	swait.ge @!p0 [sflag:s8], $0x0  }
0x24: {  	s3 =	sadd.s32 $0x88, s3;
	s6 =	simm.s32 @!p1 $0x1082;
	[sflag:s4] =	ssyncset.s32 $0xFFFFF086  }
0x25: {  	[simem:s6], [sflag:s4] =	dma.local [hbm:s3], $0xF7A  }
0x26: {  	[smem:$0x3F99] =	sst s1;
	(tag) =	ssettag s2;
	_ =	strace s9  }
0x27: {  	s1 =	sld [smem:$0x3FA9]  }
0x28: {  	s2 =	sld [smem:$0x3FAA]  }
0x29: {  	s4 =	sld [smem:$0x3FAC]  }
0x2a: {  	p0 =	seq.s32 s5, $0x0;
	s5 =	sld [smem:$0x3FAD]  }
0x2b: {  	s6 =	sld [smem:$0x3FAE]  }
0x2c: {  	s7 =	sld [smem:$0x3FAF]  }
0x2d: {  	s3 =	simm.s32 $0x108;
	s8 =	sld [smem:$0x3FB0]  }
0x2e: {  	s3 =	simm.s32 @!p0 $0x1082;
	s9 =	sld [smem:$0x3FB1]  }
0x2f: {  	lr =	sadd.s32 s0, s3;
	s0 =	sld [smem:$0x3FA8]  }
0x30: {  	s3 =	sld [smem:$0x3FAB]  }
0x31: {  	[smem:$0x3FB4] =	sst s10  }
0x32: {  	s10 =	sld [smem:$0x3FB2];
	_ =	sdelay $0x3  }
0x33: {  	p0 =	seq.s32 s10, $0x1;
	s10 =	sld [smem:$0x3FB4];
	_ =	sdelay $0x3  }
0x34: {  	[smem:$0x3FB4] =	sst s10  }
0x35: {  	s10 =	sld [smem:$0x3FB3];
	_ =	sdelay $0x3  }
0x36: {  	p1 =	seq.s32 s10, $0x1;
	s10 =	sld [smem:$0x3FB4];
	_ =	sdelay $0x3  }
0x37: {  	[smem:$0x3FB4] =	sst s10  }
0x38: {  	s10 =	sld [smem:$0x3FB5]  }
0x39: {  	_ = 	snop;
	(pc) =	sbr.ind lr, $3  }
0x3a: {  	_ = 	snop  }
0x3b: {  	_ = 	snop  }
0x3c: {  	p2 =	seq.s32 s10, $0x1;
	s10 =	sld [smem:$0x3FB4]  }
0x3d: {  	_ =	shalt  }
0x3e: {  	_ =	shalt  }
0x3f: {  	_ =	shalt  }
0x40: {  	_ =	shalt  }
0x41: {  	_ =	shalt  }
0x42: {  	_ =	shalt  }
0x43: {  	_ =	shalt  }
0x44: {  	_ =	shalt  }
0x45: {  	_ =	shalt  }
0x46: {  	_ =	shalt  }
0x47: {  	_ =	shalt  }
0x48: {  	_ =	shalt  }
0x49: {  	_ =	shalt  }
0x4a: {  	_ =	shalt  }
0x4b: {  	_ =	shalt  }
0x4c: {  	_ =	shalt  }
0x4d: {  	_ =	shalt  }
0x4e: {  	_ =	shalt  }
0x4f: {  	_ =	shalt  }
0x50: {  	_ =	shalt  }
0x51: {  	_ =	shalt  }
0x52: {  	_ =	shalt  }
0x53: {  	_ =	shalt  }
0x54: {  	_ =	shalt  }
0x55: {  	_ =	shalt  }
0x56: {  	_ =	shalt  }
0x57: {  	_ =	shalt  }
0x58: {  	_ =	shalt  }
0x59: {  	_ =	shalt  }
0x5a: {  	_ =	shalt  }
0x5b: {  	_ =	shalt  }
0x5c: {  	_ =	shalt  }
0x5d: {  	_ =	shalt  }
0x5e: {  	_ =	shalt  }
0x5f: {  	_ =	shalt  }
0x60: {  	_ =	shalt  }
0x61: {  	_ =	shalt  }
0x62: {  	_ =	shalt  }
0x63: {  	_ =	shalt  }
0x64: {  	_ =	shalt  }
0x65: {  	_ =	shalt  }
0x66: {  	_ =	shalt  }
0x67: {  	_ =	shalt  }
0x68: {  	_ =	shalt  }
0x69: {  	_ =	shalt  }
0x6a: {  	_ =	shalt  }
0x6b: {  	_ =	shalt  }
0x6c: {  	_ =	shalt  }
0x6d: {  	_ =	shalt  }
0x6e: {  	_ =	shalt  }
0x6f: {  	_ =	shalt  }
0x70: {  	_ =	shalt  }
0x71: {  	_ =	shalt  }
0x72: {  	_ =	shalt  }
0x73: {  	_ =	shalt  }
0x74: {  	_ =	shalt  }
0x75: {  	_ =	shalt  }
0x76: {  	_ =	shalt  }
0x77: {  	_ =	shalt  }
0x78: {  	_ =	shalt  }
0x79: {  	_ =	shalt  }
0x7a: {  	_ =	shalt  }
0x7b: {  	_ =	shalt  }
0x7c: {  	_ =	shalt  }
0x7d: {  	_ =	shalt  }
0x7e: {  	_ =	shalt  }
0x7f: {  	_ =	shalt  }
0x80: {  	_ =	shalt  }
0x81: {  	_ =	shalt  }
0x82: {  	_ =	shalt  }
0x83: {  	_ =	shalt  }
0x84: {  	_ =	shalt  }
0x85: {  	_ =	shalt  }
0x86: {  	_ =	shalt  }
0x87: {  	_ =	shalt  }
.Lfunc_end0:
.L_simem_size_0:
called_computation.1_lowered:
.L_overlay_start_0:
0x88: {  	s2 =	sld [smem:$0x3FD9]  }
0x89: {  	s3 =	sld [smem:$0x3FFE];
	_ =	sdelay $0x1  }
0x8a: {  	s1 =	srdreg.scid  }
0x8b: {  	s0 =	sand.u32 $0x1, s1  }
0x8c: {  	s17 =	sshll.u32 s0, $0xA;
	s2 =	sadd.s32 s3, s2  }
0x8d: {  	s2 =	sadd.s32 s2, s17  }
0x8e: {  	[smem:$0x3FC0] =	sst s2  }
0x8f: {  	_ = 	snop  }
0x90: {  	s2 =	sld [smem:$0x3FD0];
	(tm) =	ssettm $0x1  }
0x91: {  	s18 =	sld [smem:$0x3FFB];
	_ =	sdelay $0x3  }
0x92: {  	_ =	strace s18  }
0x93: {  	s3 =	sld [smem:$0x3FFC];
	_ =	sdelay $0x3  }
0x94: {  	_ =	strace s3  }
0x95: {  	s3 =	sld [smem:$0x3FFD];
	_ =	sdelay $0x3  }
0x96: {  	_ =	strace s3  }
0x97: {  	_ =	strace $0x8FFFFFFF  }
0x98: {  	s19 =	sld [smem:$0x3FDB];
	_ =	sdelay $0x1  }
0x99: {  	s4 =	simm.s32 $_scs_section_size  }
0x9a: {  	s5 =	simm.s32 $_size__tile_overlayer_lowered;
	s6 =	simm.s32 $_tile_overlayer_lowered  }
0x9b: {  	s22 =	simm.s32 $0x1BFF;
	s21 =	sshll.u32 s6, $0x1;
	s3 =	sadd.s32 s4, s19  }
0x9c: {  	s7 =	simm.s32 $0x0;
	s20 =	sshll.u32 s5, $0x1;
	s5 =	sadd.s32 s21, s3  }
0x9d: {  	[timem:s7], [sflag:s22] =	dma.local [hbm:s5], s20  }
0x9e: {  	_ =	swait.ge [sflag:s22], s20  }
0x9f: {  	s4 =	ssub.s32 $0x0, s20;
	[sflag:s22] =	ssyncset.done $0x0  }
0xa0: {  	[sflag:s22] =	ssyncadd.s32 s4;
	_ =	sdelay $0x1  }
0xa1: {  	s23 =	simm.s32 $0x1B8B  }
0xa2: {  	_ =	swait.ge [sflag:s23], $0x1  }
0xa3: {  	[sflag:s23] =	ssyncset.done $0x0  }
0xa4: {  	s25 =	simm.s32 $0x1B8E;
	s24 =	sld [smem:$0x3FFE];
	[sflag:s23] =	ssyncadd.s32 $0xFFFFFFFF  }
0xa5: {  	s26 =	simm.s32 $execute0_lowered;
	[smem:$0x3FD2] =	sst s25  }
0xa6: {  	s5 =	sshll.u32 s26, $0x1;
	_ =	strace $0x80000049;
	[dreg:$0x1] =	wrdreg $0xFFFFFFFF  }
0xa7: {  	s28 =	simm.s32 $_size_execute0_lowered;
	s3 =	sadd.s32 s3, s5;
	[dreg:$0x0] =	wrdreg $0x0  }
0xa8: {  	s5 =	sshll.u32 s28, $0x1;
	[dreg:$0x2] =	wrdreg s3  }
0xa9: {  	[dreg:$0x3] =	wrdreg s5  }
0xaa: {  	[dreg:$0x4] =	wrdreg $0xC0  }
0xab: {  	_ =	task [dreg:s7], $0x5FFFF  }
0xac: {  	[dreg:$0x1] =	wrdreg $0xFFFFFFFF  }
0xad: {  	[dreg:$0x0] =	wrdreg $0x60  }
0xae: {  	[dreg:$0x2] =	wrdreg s24  }
0xaf: {  	[dreg:$0x3] =	wrdreg s2  }
0xb0: {  	[dreg:$0x4] =	wrdreg $0x0  }
0xb1: {  	[dreg:$0x5] =	wrdreg $0x9  }
0xb2: {  	_ =	task.clear_ibuf [dreg:s7], $0x6FFFF;
	_ =	strace $0x90000049  }
0xb3: {  	s29 =	simm.s32 $0x9;
	_ =	strace $0x8000004B  }
0xb4: {  	_ =	swait.ge [sflag:s29], $0x1  }
0xb5: {  	[sflag:s29] =	ssyncadd.s32 $0xFFFFFFFF  }
0xb6: {  	_ =	strace $0x9000004B  }
0xb7: {  	_ =	sfence  }
0xb8: {  	s30 =	sld [smem:$0x0];
	_ =	sdelay $0x2  }
0xb9: {  	s31 =	sshll.u32 s1, $0xD;
	s1 =	sshrl.u32 s1, $0x2  }
0xba: {  	s3 =	sand.u32 $0x4000, s31;
	s1 =	sadd.s32 s1, s30  }
0xbb: {  	s0 =	sor.u32 s3, s0;
	s1 =	sshll.u32 s1, $0x11  }
0xbc: {  	s0 =	sor.u32 s1, s0  }
0xbd: {  	s0 =	sadd.s32 $0x8F2B, s0  }
0xbe: {  	[sflag:s0] =	ssyncadd.remote.s32 $0x1  }
0xbf: {  	_ =	sfence.sel $0xFFFF  }
0xc0: {  	[dreg:$0x0] =	wrdreg $0xFFFFFFFF;
	(pc) =	sbr.abs _section_cstart, $3  }
0xc1: {  	[dreg:$0x1] =	wrdreg $0xFFFFFFFF  }
0xc2: {  	_ =	task.clear_ibuf [dreg:s7], $0x2FFFF;
	_ =	strace $0x9FFFFFFF  }
0xc3: {  	(tm) =	ssettm $0x7FFFFFFF  }
tec
execute0_lowered:
.L_overlay_start_1:
0x0: {  	(tag) =	ssettag $0x1  }
0x1: {  	s7 =	rddreg [dreg:$0x0]  }
0x2: {  	s1 =	rddreg [dreg:$0x1]  }
0x3: {  	s2 =	rddreg [dreg:$0x2]  }
0x4: {  	s0 =	rddreg [dreg:$0x3];
	s3 =	simm.s32 $0x0;
	s4 =	srdreg.scid  }
0x5: {  	s16 =	simm.s32 $0x13C00;
	s17 =	simm.s32 $0x13C80;
	s18 =	simm.s32 $0x80  }
0x6: {  	s19 =	simm.s32 $0x14100;
	s20 =	simm.s32 $0x1;
	s8 =	sand.u32 $0x1, s4  }
0x7: {  	s21 =	simm.s32 $0x2;
	s4 =	stileid.u32;
	s6 =	smul.u32 $0x5000, s8  }
0x8: {  	s24 =	simm.s32 $0x0;
	[smem:$0x7FF] =	sst s3;
	s9 =	smul.u32 $0x4F000, s4  }
0x9: {  	s5 =	sadd.s32 $0x35600, s7;
	s13 =	sadd.s32 $0x5C800, s7;
	s11 =	smul.u32 $0x138800, s8  }
0xa: {  	s23 =	sadd.s32 $0x138000, s2;
	_ =	strace $0x8000004A;
	s12 =	smul.u32 $0x13800, s4  }
0xb: {  	s8 =	ssub.s32 $0x2, s8;
	s29 =	smul.u32 $0x500, s4;
	p0 =	sne.s32 s4, $0xF  }
0xc: {  	s31 =	sshll.u32 s4, $0x6;
	s25 =	sshrl.u32 s8, $0x1;
	s23 =	sshrl.u32 @!p0 s23, $0x3  }
0xd: {  	s10 =	sadd.s32 s6, s7;
	s6 =	sadd.s32 $0x2B200, s7;
	s9 =	sshrl.u32 s9, $0x2  }
0xe: {  	s14 =	ssub.s32 s8, s25;
	s26 =	sadd.s32 s12, s11;
	s28 =	sshrl.u32 s11, $0x3  }
0xf: {  	s22 =	sadd.s32 s12, s2;
	s12 =	simm.s32 $0x13D00;
	s15 =	sadd.s32 s9, s2  }
0x10: {  	s7 =	sshrl.u32 s26, $0x3;
	s8 =	sadd.s32 s13, s28;
	s30 =	sadd.s32 s29, s10  }
0x11: {  	s9 =	smax.u32 s14, $0x1;
	s14 =	sor.u32 $0x1C03, s31;
	s22 =	sshrl.u32 s22, $0x3  }
0x12: {  	s7 =	sadd.s32 s13, s7;
	s8 =	sadd.s32 $0x27000, s8;
	s10 =	sadd.s32 $0x2B400, s30  }
0x13: {  	s11 =	sadd.s32 $0x21000, s30;
	s13 =	simm.s32 $0x3;
	s15 =	sshrl.u32 s15, $0x3  }
.LBB2_1:
0x14: {  	[tilespmem:s12], [sflag:$0x3] =	stream.linear.gather [hbm4b:s6+s3], $0x400, $0x38;
	[tilespmem:$0x18100] =	vst v63  }
0x15: {  	_ =	swait.ge [sflag:s13], $0x400  }
0x16: {  	[sflag:s13] =	ssyncset.done $0x0  }
0x17: {  	[sflag:s13] =	ssyncadd.s32 $0xFFFFFC00  }
0x18: {  	[spmem:s15], [sflag:s14] =	dma.local [hbm:s1], $0x2780  }
0x19: {  	_ =	swait.ge [sflag:s13], $0x2780  }
0x1a: {  	[sflag:s13] =	ssyncset.done $0x0  }
0x1b: {  	[sflag:s13] =	ssyncadd.s32 $0xFFFFD880  }
0x1c: {  	s25 =	sadd.s32 $0x0, s11;
	[bflag:$0x0] =	sbarrier.arrive $0xFFFF  }
0x1d: {  	[tilespmem:s16], [sflag:$0x3] =	stream.linear.gather [hbm4b:s25+s3], $0x80, $0x38;
	[tilespmem:$0x18100] =	vst v63  }
0x1e: {  	_ =	swait.ge [sflag:s13], $0x80  }
0x1f: {  	[sflag:s13] =	ssyncset.done $0x0  }
0x20: {  	s31 =	sadd.s32 $0x0, s10;
	[sflag:s13] =	ssyncadd.s32 $0xFFFFFF80  }
0x21: {  	[tilespmem:s17], [sflag:$0x3] =	stream.linear.gather [hbm4b:s31+s3], $0x80, $0x38;
	[tilespmem:$0x18100] =	vst v63  }
0x22: {  	_ =	swait.ge [sflag:s13], $0x80  }
0x23: {  	[sflag:s13] =	ssyncset.done $0x0  }
0x24: {  	[sflag:s13] =	ssyncadd.s32 $0xFFFFFF80  }
0x25: {  	[tilespmem:s19], [sflag:$0x1] =	stream.indirect.gather [hbm4b:s5+s18], $0x80, s16, s18, $0xb8;
	[tilespmem:$0x18100] =	vst v63  }
0x26: {  	_ =	swait.ge [sflag:s20], $0x4000  }
0x27: {  	[sflag:s20] =	ssyncset.done $0x0  }
0x28: {  	[sflag:s20] =	ssyncadd.s32 $0xFFFFC000  }
0x29: {  	[spmem:s2] =	stream.indirect.scatter.add.f32 [tilespmem:s19], [sflag:$0x2], $0x80, s17, s18, $0xb8;
	[tilespmem:$0x18100] =	vst v63  }
0x2a: {  	_ =	swait.ge [sflag:s21], $0x4000  }
0x2b: {  	s26 =	simm.s32 $0x20;
	s25 =	simm.s32 $0x10;
	[sflag:s21] =	ssyncset.done $0x0  }
.LBB2_2:
0x2c: {  	s28 =	sadd.s32 s25, s11  }
0x2d: {  	[sflag:s21] =	ssyncadd.s32 $0xFFFFC000;
	s29 =	smov.u32 s26;
	s30 =	sadd.s32 $0x10, s26  }
0x2e: {  	[tilespmem:s16], [sflag:$0x3] =	stream.linear.gather [hbm4b:s28+s3], $0x80, $0x38;
	[tilespmem:$0x18100] =	vst v63  }
0x2f: {  	p1 =	sne.s32 s26, $0x4F0;
	_ =	swait.ge [sflag:s13], $0x80  }
0x30: {  	[sflag:s13] =	ssyncset.done $0x0  }
0x31: {  	s26 =	sadd.s32 s25, s10;
	s25 =	smov.u32 s29;
	[sflag:s13] =	ssyncadd.s32 $0xFFFFFF80  }
0x32: {  	[tilespmem:s17], [sflag:$0x3] =	stream.linear.gather [hbm4b:s26+s3], $0x80, $0x38;
	[tilespmem:$0x18100] =	vst v63  }
0x33: {  	_ =	swait.ge [sflag:s13], $0x80  }
0x34: {  	[sflag:s13] =	ssyncset.done $0x0  }
0x35: {  	[sflag:s13] =	ssyncadd.s32 $0xFFFFFF80  }
0x36: {  	[tilespmem:s19], [sflag:$0x1] =	stream.indirect.gather [hbm4b:s5+s18], $0x80, s16, s18, $0xb8;
	[tilespmem:$0x18100] =	vst v63  }
0x37: {  	_ =	swait.ge [sflag:s20], $0x4000  }
.Ltmp0:
0x38: {  	[sflag:s20] =	ssyncset.done $0x0;
	(pc) =	sbr.rel @p1 .LBB2_2-.Ltmp0, $4  }
0x39: {  	[sflag:s20] =	ssyncadd.s32 $0xFFFFC000  }
0x3a: {  	[spmem:s2] =	stream.indirect.scatter.add.f32 [tilespmem:s19], [sflag:$0x2], $0x80, s17, s18, $0xb8;
	[tilespmem:$0x18100] =	vst v63  }
0x3b: {  	_ =	swait.ge [sflag:s21], $0x4000  }
0x3c: {  	s26 =	smov.u32 s30;
	[sflag:s21] =	ssyncset.done $0x0  }
0x3d: {  	s26 =	sadd.s32 s25, s11;
	[sflag:s21] =	ssyncadd.s32 $0xFFFFC000  }
0x3e: {  	[tilespmem:s16], [sflag:$0x3] =	stream.linear.gather [hbm4b:s26+s3], $0x80, $0x38;
	[tilespmem:$0x18100] =	vst v63  }
0x3f: {  	_ =	swait.ge [sflag:s13], $0x80  }
0x40: {  	[sflag:s13] =	ssyncset.done $0x0  }
0x41: {  	s31 =	sadd.s32 s25, s10;
	[sflag:s13] =	ssyncadd.s32 $0xFFFFFF80  }
0x42: {  	[tilespmem:s17], [sflag:$0x3] =	stream.linear.gather [hbm4b:s31+s3], $0x80, $0x38;
	[tilespmem:$0x18100] =	vst v63  }
0x43: {  	_ =	swait.ge [sflag:s13], $0x80  }
0x44: {  	[sflag:s13] =	ssyncset.done $0x0  }
0x45: {  	[sflag:s13] =	ssyncadd.s32 $0xFFFFFF80  }
0x46: {  	[tilespmem:s19], [sflag:$0x1] =	stream.indirect.gather [hbm4b:s5+s18], $0x80, s16, s18, $0xb8;
	[tilespmem:$0x18100] =	vst v63  }
0x47: {  	_ =	swait.ge [sflag:s20], $0x4000  }
0x48: {  	[sflag:s20] =	ssyncset.done $0x0  }
0x49: {  	[sflag:s20] =	ssyncadd.s32 $0xFFFFC000  }
0x4a: {  	[spmem:s2] =	stream.indirect.scatter.add.f32 [tilespmem:s19], [sflag:$0x2], $0x80, s17, s18, $0xb8;
	[tilespmem:$0x18100] =	vst v63  }
0x4b: {  	_ =	swait.ge [sflag:s21], $0x4000  }
0x4c: {  	[sflag:s21] =	ssyncset.done $0x0  }
0x4d: {  	[sflag:s21] =	ssyncadd.s32 $0xFFFFC000  }
0x4e: {  	[bflag:$0x0] =	sbarrier.arrive $0xFFFF  }
0x4f: {  	[hbm:s7], [sflag:s14] =	dma.local [spmem:s22], $0x2700  }
0x50: {  	s24 =	sadd.s32 $0x1, s24;
	_ =	swait.ge [sflag:s13], $0x2700  }
0x51: {  	p1 =	sne.s32 s24, s9;
	[sflag:s13] =	ssyncset.done $0x0  }
.Ltmp1:
0x52: {  	s25 =	simm.s32 @!p0 $0x3;
	[sflag:s13] =	ssyncadd.s32 $0xFFFFD900;
	(pc) =	sbr.rel @p1 .LBB2_1-.Ltmp1, $4  }
0x53: {  	[hbm:s8], [sflag:s14] =	dma.local @!p0 [spmem:s23], $0x100  }
0x54: {  	_ =	swait.ge @!p0 [sflag:s25], $0x100  }
0x55: {  	[sflag:s25] =	ssyncset.done @!p0 $0x0  }
0x56: {  	[sflag:s25] =	ssyncadd.s32 @!p0 $0xFFFFFF00  }
0x57: {  	_ =	sfence.sel $0x180000  }
0x58: {  	[bflag:$0x0] =	sbarrier.arrive $0xFFFF  }
0x59: {  	p0 =	sne.s32 s4, $0x0;
	_ =	strace $0x9000004A  }
0x5a: {  	s0 =	sadd.s32 @!p0 $0x100000, s0;
	[bflag:$0x2] =	sbarrier.arrive $0xFFFF  }
0x5b: {  	[sflag:s0] =	ssyncadd.tile.s32 @!p0 $0x1;
	_ =	shalt  }
.Lfunc_end2:
_tile_overlayer_lowered:
.L_overlay_start_2:
0x5c: {  	(tag) =	ssettag $0x2  }
0x5d: {  	s0 =	rddreg [dreg:$0x0];
	s2 =	stileid.u32  }
0x5e: {  	s1 =	rddreg [dreg:$0x1];
	p0 =	sne.s32 s2, $0x0  }
0x5f: {  	s3 =	rddreg [dreg:$0x2];
	[bflag:$0x3] =	sbarrier.arrive $0xFFFF;
	s2 =	simm.s32 @!p0 $0x1C03  }
0x60: {  	[timem:s3], [sflag:s2] =	dma.local @!p0 [hbm:s0], s1  }
0x61: {  	s0 =	simm.s32 @!p0 $0x3  }
0x62: {  	_ =	swait.ge @!p0 [sflag:s0], s1  }
0x63: {  	s1 =	ssub.s32 @!p0 $0x0, s1;
	[sflag:s0] =	ssyncset.done @!p0 $0x0  }
0x64: {  	[sflag:s0] =	ssyncadd.s32 @!p0 s1  }
0x65: {  	[bflag:$0x3] =	sbarrier.arrive $0xFFFF  }
0x66: {  	_ =	shalt  }

// kernel: _run.17.cloned.1.call-start
scs
__scs_entry_jumppad:
0x0: {  	(pc) =	sbr.rel $0x88, $3  }
0x1: {  	(tag) =	ssettag $0x0;
	lr =	simm.s32 $0x1  }
0x2: {  	[smem:$0x3F99] =	sst lr;
	_ =	strace $0xD0000000  }
0x3: {  	_ = 	snop  }
0x4: {  	_ = 	snop  }
0x5: {  	_ = 	snop  }
0x6: {  	_ = 	snop  }
0x7: {  	_ = 	snop  }
__scs_overlays_trampoline_lowered:
0x8: {  	[smem:$0x3FA8] =	sst s0  }
0x9: {  	[smem:$0x3FA9] =	sst s1  }
0xa: {  	[smem:$0x3FAA] =	sst s2  }
0xb: {  	[smem:$0x3FAB] =	sst s3  }
0xc: {  	[smem:$0x3FAC] =	sst s4  }
0xd: {  	[smem:$0x3FAD] =	sst s5  }
0xe: {  	[smem:$0x3FAE] =	sst s6  }
0xf: {  	[smem:$0x3FAF] =	sst s7  }
0x10: {  	[smem:$0x3FB0] =	sst s8  }
0x11: {  	[smem:$0x3FB1] =	sst s9;
	s0 =	simm.s32 @!p0 $0x0  }
0x12: {  	s1 =	sld [smem:$0x3F97];
	s0 =	simm.s32 @p0 $0x1  }
0x13: {  	[smem:$0x3FB2] =	sst s0;
	s0 =	simm.s32 @!p1 $0x0  }
0x14: {  	s2 =	sld [smem:$0x3F96];
	s0 =	simm.s32 @p1 $0x1  }
0x15: {  	[smem:$0x3FB3] =	sst s0;
	s0 =	simm.s32 @!p2 $0x0  }
0x16: {  	s3 =	sld [smem:$0x3FDB];
	s0 =	simm.s32 @p2 $0x1  }
0x17: {  	s4 =	simm.s32 $0x1BF5;
	[smem:$0x3FB5] =	sst s0  }
0x18: {  	s0 =	sld [smem:$0x3F98];
	_ =	swait.ge [sflag:s4], $0x0  }
0x19: {  	s7 =	sld [smem:$0x3F99]  }
0x1a: {  	s8 =	sadd.s32 $0xFFFFE003, lr  }
0x1b: {  	s9 =	sadd.s32 $0xFFFFFEF7, lr;
	s5 =	simm.s32 $0xFFFFFFFF;
	p2 =	slt.u32 s8, $0xFFFFF086  }
0x1c: {  	p1 =	slt.u32 s9, $0xF7A;
	s5 =	simm.s32 @!p2 $0x0  }
0x1d: {  	s5 =	simm.s32 @p1 $0x1;
	p0 =	seq.s32 s7, s2  }
0x1e: {  	s7 =	smul.u32 @!p0 $0xF7A, s2;
	p2 =	seq.s32 @!p0 s5, $0x0  }
0x1f: {  	s9 =	smul.u32 $0xF7A, s1;
	s8 =	simm.s32 @!p0 $0x1BF5;
	p2 =	por !p2, p0  }
0x20: {  	[sflag:s8] =	ssyncset.s32 @!p0 $0xFFFFF086;
	s6 =	sadd.s32 @!p0 s3, s7;
	s7 =	simm.s32 @!p0 $0x108  }
0x21: {  	s3 =	sadd.s32 s3, s9;
	s6 =	sadd.s32 @!p0 $0x88, s6;
	s7 =	simm.s32 @p2 $0x1082  }
0x22: {  	[simem:s7], [sflag:s8] =	dma.local @!p0 [hbm:s6], $0xF7A  }
0x23: {  	s9 =	sor.u32 $0xD0000000, s2;
	s6 =	simm.s32 $0x108;
	_ =	swait.ge @!p0 [sflag:s8], $0x0  }
0x24: {  	s3 =	sadd.s32 $0x88, s3;
	s6 =	simm.s32 @!p1 $0x1082;
	[sflag:s4] =	ssyncset.s32 $0xFFFFF086  }
0x25: {  	[simem:s6], [sflag:s4] =	dma.local [hbm:s3], $0xF7A  }
0x26: {  	[smem:$0x3F99] =	sst s1;
	(tag) =	ssettag s2;
	_ =	strace s9  }
0x27: {  	s1 =	sld [smem:$0x3FA9]  }
0x28: {  	s2 =	sld [smem:$0x3FAA]  }
0x29: {  	s4 =	sld [smem:$0x3FAC]  }
0x2a: {  	p0 =	seq.s32 s5, $0x0;
	s5 =	sld [smem:$0x3FAD]  }
0x2b: {  	s6 =	sld [smem:$0x3FAE]  }
0x2c: {  	s7 =	sld [smem:$0x3FAF]  }
0x2d: {  	s3 =	simm.s32 $0x108;
	s8 =	sld [smem:$0x3FB0]  }
0x2e: {  	s3 =	simm.s32 @!p0 $0x1082;
	s9 =	sld [smem:$0x3FB1]  }
0x2f: {  	lr =	sadd.s32 s0, s3;
	s0 =	sld [smem:$0x3FA8]  }
0x30: {  	s3 =	sld [smem:$0x3FAB]  }
0x31: {  	[smem:$0x3FB4] =	sst s10  }
0x32: {  	s10 =	sld [smem:$0x3FB2];
	_ =	sdelay $0x3  }
0x33: {  	p0 =	seq.s32 s10, $0x1;
	s10 =	sld [smem:$0x3FB4];
	_ =	sdelay $0x3  }
0x34: {  	[smem:$0x3FB4] =	sst s10  }
0x35: {  	s10 =	sld [smem:$0x3FB3];
	_ =	sdelay $0x3  }
0x36: {  	p1 =	seq.s32 s10, $0x1;
	s10 =	sld [smem:$0x3FB4];
	_ =	sdelay $0x3  }
0x37: {  	[smem:$0x3FB4] =	sst s10  }
0x38: {  	s10 =	sld [smem:$0x3FB5]  }
0x39: {  	_ = 	snop;
	(pc) =	sbr.ind lr, $3  }
0x3a: {  	_ = 	snop  }
0x3b: {  	_ = 	snop  }
0x3c: {  	p2 =	seq.s32 s10, $0x1;
	s10 =	sld [smem:$0x3FB4]  }
0x3d: {  	_ =	shalt  }
0x3e: {  	_ =	shalt  }
0x3f: {  	_ =	shalt  }
0x40: {  	_ =	shalt  }
0x41: {  	_ =	shalt  }
0x42: {  	_ =	shalt  }
0x43: {  	_ =	shalt  }
0x44: {  	_ =	shalt  }
0x45: {  	_ =	shalt  }
0x46: {  	_ =	shalt  }
0x47: {  	_ =	shalt  }
0x48: {  	_ =	shalt  }
0x49: {  	_ =	shalt  }
0x4a: {  	_ =	shalt  }
0x4b: {  	_ =	shalt  }
0x4c: {  	_ =	shalt  }
0x4d: {  	_ =	shalt  }
0x4e: {  	_ =	shalt  }
0x4f: {  	_ =	shalt  }
0x50: {  	_ =	shalt  }
0x51: {  	_ =	shalt  }
0x52: {  	_ =	shalt  }
0x53: {  	_ =	shalt  }
0x54: {  	_ =	shalt  }
0x55: {  	_ =	shalt  }
0x56: {  	_ =	shalt  }
0x57: {  	_ =	shalt  }
0x58: {  	_ =	shalt  }
0x59: {  	_ =	shalt  }
0x5a: {  	_ =	shalt  }
0x5b: {  	_ =	shalt  }
0x5c: {  	_ =	shalt  }
0x5d: {  	_ =	shalt  }
0x5e: {  	_ =	shalt  }
0x5f: {  	_ =	shalt  }
0x60: {  	_ =	shalt  }
0x61: {  	_ =	shalt  }
0x62: {  	_ =	shalt  }
0x63: {  	_ =	shalt  }
0x64: {  	_ =	shalt  }
0x65: {  	_ =	shalt  }
0x66: {  	_ =	shalt  }
0x67: {  	_ =	shalt  }
0x68: {  	_ =	shalt  }
0x69: {  	_ =	shalt  }
0x6a: {  	_ =	shalt  }
0x6b: {  	_ =	shalt  }
0x6c: {  	_ =	shalt  }
0x6d: {  	_ =	shalt  }
0x6e: {  	_ =	shalt  }
0x6f: {  	_ =	shalt  }
0x70: {  	_ =	shalt  }
0x71: {  	_ =	shalt  }
0x72: {  	_ =	shalt  }
0x73: {  	_ =	shalt  }
0x74: {  	_ =	shalt  }
0x75: {  	_ =	shalt  }
0x76: {  	_ =	shalt  }
0x77: {  	_ =	shalt  }
0x78: {  	_ =	shalt  }
0x79: {  	_ =	shalt  }
0x7a: {  	_ =	shalt  }
0x7b: {  	_ =	shalt  }
0x7c: {  	_ =	shalt  }
0x7d: {  	_ =	shalt  }
0x7e: {  	_ =	shalt  }
0x7f: {  	_ =	shalt  }
0x80: {  	_ =	shalt  }
0x81: {  	_ =	shalt  }
0x82: {  	_ =	shalt  }
0x83: {  	_ =	shalt  }
0x84: {  	_ =	shalt  }
0x85: {  	_ =	shalt  }
0x86: {  	_ =	shalt  }
0x87: {  	_ =	shalt  }
.Lfunc_end0:
.L_simem_size_0:
called_computation.2_lowered:
.L_overlay_start_0:
0x88: {  	s2 =	sld [smem:$0x3FD9]  }
0x89: {  	s3 =	sld [smem:$0x3FFE];
	_ =	sdelay $0x1  }
0x8a: {  	s1 =	srdreg.scid  }
0x8b: {  	s0 =	sand.u32 $0x1, s1  }
0x8c: {  	s17 =	sshll.u32 s0, $0xA;
	s2 =	sadd.s32 s3, s2  }
0x8d: {  	s2 =	sadd.s32 s2, s17  }
0x8e: {  	[smem:$0x3FC0] =	sst s2  }
0x8f: {  	_ = 	snop  }
0x90: {  	s18 =	sld [smem:$0x3FD0];
	(tm) =	ssettm $0x1  }
0x91: {  	s19 =	sld [smem:$0x3FFB];
	_ =	sdelay $0x3  }
0x92: {  	_ =	strace s19  }
0x93: {  	s2 =	sld [smem:$0x3FFC];
	_ =	sdelay $0x3  }
0x94: {  	_ =	strace s2  }
0x95: {  	s2 =	sld [smem:$0x3FFD];
	_ =	sdelay $0x3  }
0x96: {  	_ =	strace s2  }
0x97: {  	_ =	strace $0x8FFFFFFF  }
0x98: {  	s20 =	sld [smem:$0x3FDB];
	_ =	sdelay $0x1  }
0x99: {  	s4 =	simm.s32 $_scs_section_size  }
0x9a: {  	s5 =	simm.s32 $_size__tile_overlayer_lowered;
	s6 =	simm.s32 $_tile_overlayer_lowered  }
0x9b: {  	s7 =	simm.s32 $0x1BFF;
	s21 =	sshll.u32 s6, $0x1;
	s4 =	sadd.s32 s4, s20  }
0x9c: {  	s22 =	simm.s32 $0x0;
	s5 =	sshll.u32 s5, $0x1;
	s6 =	sadd.s32 s21, s4  }
0x9d: {  	[timem:s22], [sflag:s7] =	dma.local [hbm:s6], s5  }
0x9e: {  	_ =	swait.ge [sflag:s7], s5  }
0x9f: {  	s5 =	ssub.s32 $0x0, s5;
	[sflag:s7] =	ssyncset.done $0x0  }
0xa0: {  	[sflag:s7] =	ssyncadd.s32 s5;
	_ =	sdelay $0x1  }
0xa1: {  	s23 =	simm.s32 $0x1B8B  }
0xa2: {  	_ =	swait.ge [sflag:s23], $0x1  }
0xa3: {  	[sflag:s23] =	ssyncset.done $0x0  }
0xa4: {  	[sflag:s23] =	ssyncadd.s32 $0xFFFFFFFF  }
0xa5: {  	s5 =	sld [smem:$0x0]  }
0xa6: {  	s6 =	sand.u32 $0xFFFFFFFE, s1  }
0xa7: {  	p0 =	sne.s32 s1, s6  }
0xa8: {  	s6 =	sshll.u32 @p0 s6, $0xE  }
0xa9: {  	s6 =	sadd.s32 @p0 $0x11B8D, s6;
	s7 =	sshll.u32 @p0 s5, $0x11  }
0xaa: {  	s6 =	sor.u32 @p0 s7, s6  }
0xab: {  	[sflag:s6] =	ssyncadd.remote.s32 @p0 $0x1;
	_ =	sdelay $0x1  }
0xac: {  	s6 =	simm.s32 @p0 $0x1B8D  }
0xad: {  	_ =	swait.eq @p0 [sflag:s6], $0x1  }
0xae: {  	[sflag:s6] =	ssyncadd.s32 @p0 $0xFFFFFFFF  }
0xaf: {  	s7 =	sshll.u32 @!p0 s1, $0xE  }
0xb0: {  	s7 =	sor.u32 @!p0 $0x4000, s7;
	s6 =	simm.s32 @!p0 $0x1B8D  }
0xb1: {  	s5 =	sshll.u32 @!p0 s5, $0x11;
	s7 =	sadd.s32 @!p0 $0x11B8D, s7;
	_ =	swait.eq @!p0 [sflag:s6], $0x1  }
0xb2: {  	s5 =	sor.u32 @!p0 s5, s7;
	[sflag:s6] =	ssyncadd.s32 @!p0 $0xFFFFFFFF  }
0xb3: {  	s25 =	simm.s32 $0x1B8E;
	s24 =	sld [smem:$0x3FFE];
	[sflag:s5] =	ssyncadd.remote.s32 @!p0 $0x1  }
0xb4: {  	s26 =	simm.s32 $execute0_lowered;
	[smem:$0x3FD2] =	sst s25  }
0xb5: {  	s6 =	sshll.u32 s26, $0x1;
	_ =	strace $0x8000004F;
	[dreg:$0x1] =	wrdreg $0xFFFFFFFF  }
0xb6: {  	s28 =	simm.s32 $_size_execute0_lowered;
	s4 =	sadd.s32 s4, s6;
	[dreg:$0x0] =	wrdreg $0x0  }
0xb7: {  	s6 =	sshll.u32 s28, $0x1;
	[dreg:$0x2] =	wrdreg s4  }
0xb8: {  	[dreg:$0x3] =	wrdreg s6  }
0xb9: {  	[dreg:$0x4] =	wrdreg $0xC0  }
0xba: {  	_ =	task [dreg:s22], $0x5FFFF  }
0xbb: {  	[dreg:$0x1] =	wrdreg $0xFFFFFFFF  }
0xbc: {  	[dreg:$0x0] =	wrdreg $0x60  }
0xbd: {  	[dreg:$0x2] =	wrdreg s24  }
0xbe: {  	[dreg:$0x3] =	wrdreg s18  }
0xbf: {  	[dreg:$0x4] =	wrdreg $0x0  }
0xc0: {  	[dreg:$0x5] =	wrdreg $0x9  }
0xc1: {  	_ =	task.clear_ibuf [dreg:s22], $0x6FFFF;
	_ =	strace $0x9000004F  }
0xc2: {  	s29 =	simm.s32 $0x9;
	_ =	strace $0x80000051  }
0xc3: {  	_ =	swait.ge [sflag:s29], $0x1  }
0xc4: {  	[sflag:s29] =	ssyncadd.s32 $0xFFFFFFFF  }
0xc5: {  	_ =	strace $0x90000051  }
0xc6: {  	_ =	sfence  }
0xc7: {  	s30 =	sld [smem:$0x0];
	_ =	sdelay $0x2  }
0xc8: {  	s31 =	sshll.u32 s1, $0xD;
	s1 =	sshrl.u32 s1, $0x2  }
0xc9: {  	s4 =	sand.u32 $0x4000, s31;
	s1 =	sadd.s32 s1, s30  }
0xca: {  	s0 =	sor.u32 s4, s0;
	s1 =	sshll.u32 s1, $0x11  }
0xcb: {  	s0 =	sor.u32 s1, s0  }
0xcc: {  	s0 =	sadd.s32 $0x8F2B, s0  }
0xcd: {  	[sflag:s0] =	ssyncadd.remote.s32 $0x1  }
0xce: {  	_ =	sfence.sel $0xFFFF  }
0xcf: {  	[dreg:$0x0] =	wrdreg $0xFFFFFFFF;
	(pc) =	sbr.abs _section_cstart, $3  }
0xd0: {  	[dreg:$0x1] =	wrdreg $0xFFFFFFFF  }
0xd1: {  	_ =	task.clear_ibuf [dreg:s22], $0x2FFFF;
	_ =	strace $0x9FFFFFFF  }
0xd2: {  	(tm) =	ssettm $0x7FFFFFFF  }
0xd3: {  	_ =	shalt  }
tec
execute0_lowered:
.L_overlay_start_1:
0x0: {  	(tag) =	ssettag $0x1  }
0x1: {  	s7 =	rddreg [dreg:$0x0]  }
0x2: {  	s1 =	rddreg [dreg:$0x1]  }
0x3: {  	s2 =	rddreg [dreg:$0x2]  }
0x4: {  	s0 =	rddreg [dreg:$0x3];
	s3 =	simm.s32 $0x0;
	s4 =	srdreg.scid  }
0x5: {  	s16 =	simm.s32 $0x13C00;
	s17 =	simm.s32 $0x13C80;
	s18 =	simm.s32 $0x80  }
0x6: {  	s19 =	simm.s32 $0x14100;
	s20 =	simm.s32 $0x1;
	s8 =	sand.u32 $0x1, s4  }
0x7: {  	s21 =	simm.s32 $0x2;
	s4 =	stileid.u32;
	s6 =	smul.u32 $0x5000, s8  }
0x8: {  	s24 =	simm.s32 $0x0;
	[smem:$0x7FF] =	sst s3;
	s9 =	smul.u32 $0x4F000, s4  }
0x9: {  	s5 =	sadd.s32 $0x5C800, s7;
	s13 =	sadd.s32 $0xD1C00, s7;
	s11 =	smul.u32 $0x138800, s8  }
0xa: {  	s23 =	sadd.s32 $0x138000, s2;
	_ =	strace $0x80000050;
	s12 =	smul.u32 $0x13800, s4  }
0xb: {  	s8 =	ssub.s32 $0x2, s8;
	s29 =	smul.u32 $0x500, s4;
	p0 =	sne.s32 s4, $0xF  }
0xc: {  	s31 =	sshll.u32 s4, $0x6;
	s25 =	sshrl.u32 s8, $0x1;
	s23 =	sshrl.u32 @!p0 s23, $0x3  }
0xd: {  	s10 =	sadd.s32 s6, s7;
	s6 =	sadd.s32 $0x2B200, s7;
	s9 =	sshrl.u32 s9, $0x2  }
0xe: {  	s14 =	ssub.s32 s8, s25;
	s26 =	sadd.s32 s12, s11;
	s28 =	sshrl.u32 s11, $0x3  }
0xf: {  	s22 =	sadd.s32 s12, s2;
	s12 =	simm.s32 $0x13D00;
	s15 =	sadd.s32 s9, s2  }
0x10: {  	s7 =	sshrl.u32 s26, $0x3;
	s8 =	sadd.s32 s13, s28;
	s30 =	sadd.s32 s29, s10  }
0x11: {  	s9 =	smax.u32 s14, $0x1;
	s14 =	sor.u32 $0x1C03, s31;
	s22 =	sshrl.u32 s22, $0x3  }
0x12: {  	s7 =	sadd.s32 s13, s7;
	s8 =	sadd.s32 $0x27000, s8;
	s10 =	sadd.s32 $0x2B400, s30  }
0x13: {  	s11 =	sadd.s32 $0x21000, s30;
	s13 =	simm.s32 $0x3;
	s15 =	sshrl.u32 s15, $0x3  }
.LBB2_1:
0x14: {  	[tilespmem:s12], [sflag:$0x3] =	stream.linear.gather [hbm4b:s6+s3], $0x400, $0x38;
	[tilespmem:$0x18100] =	vst v63  }
0x15: {  	_ =	swait.ge [sflag:s13], $0x400  }
0x16: {  	[sflag:s13] =	ssyncset.done $0x0  }
0x17: {  	[sflag:s13] =	ssyncadd.s32 $0xFFFFFC00  }
0x18: {  	[spmem:s15], [sflag:s14] =	dma.local [hbm:s1], $0x2780  }
0x19: {  	_ =	swait.ge [sflag:s13], $0x2780  }
0x1a: {  	[sflag:s13] =	ssyncset.done $0x0  }
0x1b: {  	[sflag:s13] =	ssyncadd.s32 $0xFFFFD880  }
0x1c: {  	s25 =	sadd.s32 $0x0, s11;
	[bflag:$0x0] =	sbarrier.arrive $0xFFFF  }
0x1d: {  	[tilespmem:s16], [sflag:$0x3] =	stream.linear.gather [hbm4b:s25+s3], $0x80, $0x38;
	[tilespmem:$0x18100] =	vst v63  }
0x1e: {  	_ =	swait.ge [sflag:s13], $0x80  }
0x1f: {  	[sflag:s13] =	ssyncset.done $0x0  }
0x20: {  	s31 =	sadd.s32 $0x0, s10;
	[sflag:s13] =	ssyncadd.s32 $0xFFFFFF80  }
0x21: {  	[tilespmem:s17], [sflag:$0x3] =	stream.linear.gather [hbm4b:s31+s3], $0x80, $0x38;
	[tilespmem:$0x18100] =	vst v63  }
0x22: {  	_ =	swait.ge [sflag:s13], $0x80  }
0x23: {  	[sflag:s13] =	ssyncset.done $0x0  }
0x24: {  	[sflag:s13] =	ssyncadd.s32 $0xFFFFFF80  }
0x25: {  	[tilespmem:s19], [sflag:$0x1] =	stream.indirect.gather [hbm4b:s5+s18], $0x80, s16, s18, $0xb8;
	[tilespmem:$0x18100] =	vst v63  }
0x26: {  	_ =	swait.ge [sflag:s20], $0x4000  }
0x27: {  	[sflag:s20] =	ssyncset.done $0x0  }
0x28: {  	[sflag:s20] =	ssyncadd.s32 $0xFFFFC000  }
0x29: {  	[spmem:s2] =	stream.indirect.scatter.add.f32 [tilespmem:s19], [sflag:$0x2], $0x80, s17, s18, $0xb8;
	[tilespmem:$0x18100] =	vst v63  }
0x2a: {  	_ =	swait.ge [sflag:s21], $0x4000  }
0x2b: {  	s26 =	simm.s32 $0x20;
	s25 =	simm.s32 $0x10;
	[sflag:s21] =	ssyncset.done $0x0  }
.LBB2_2:
0x2c: {  	s28 =	sadd.s32 s25, s11  }
0x2d: {  	[sflag:s21] =	ssyncadd.s32 $0xFFFFC000;
	s29 =	smov.u32 s26;
	s30 =	sadd.s32 $0x10, s26  }
0x2e: {  	[tilespmem:s16], [sflag:$0x3] =	stream.linear.gather [hbm4b:s28+s3], $0x80, $0x38;
	[tilespmem:$0x18100] =	vst v63  }
0x2f: {  	p1 =	sne.s32 s26, $0x4F0;
	_ =	swait.ge [sflag:s13], $0x80  }
0x30: {  	[sflag:s13] =	ssyncset.done $0x0  }
0x31: {  	s26 =	sadd.s32 s25, s10;
	s25 =	smov.u32 s29;
	[sflag:s13] =	ssyncadd.s32 $0xFFFFFF80  }
0x32: {  	[tilespmem:s17], [sflag:$0x3] =	stream.linear.gather [hbm4b:s26+s3], $0x80, $0x38;
	[tilespmem:$0x18100] =	vst v63  }
0x33: {  	_ =	swait.ge [sflag:s13], $0x80  }
0x34: {  	[sflag:s13] =	ssyncset.done $0x0  }
0x35: {  	[sflag:s13] =	ssyncadd.s32 $0xFFFFFF80  }
0x36: {  	[tilespmem:s19], [sflag:$0x1] =	stream.indirect.gather [hbm4b:s5+s18], $0x80, s16, s18, $0xb8;
	[tilespmem:$0x18100] =	vst v63  }
0x37: {  	_ =	swait.ge [sflag:s20], $0x4000  }
.Ltmp0:
0x38: {  	[sflag:s20] =	ssyncset.done $0x0;
	(pc) =	sbr.rel @p1 .LBB2_2-.Ltmp0, $4  }
0x39: {  	[sflag:s20] =	ssyncadd.s32 $0xFFFFC000  }
0x3a: {  	[spmem:s2] =	stream.indirect.scatter.add.f32 [tilespmem:s19], [sflag:$0x2], $0x80, s17, s18, $0xb8;
	[tilespmem:$0x18100] =	vst v63  }
0x3b: {  	_ =	swait.ge [sflag:s21], $0x4000  }
0x3c: {  	s26 =	smov.u32 s30;
	[sflag:s21] =	ssyncset.done $0x0  }
0x3d: {  	s26 =	sadd.s32 s25, s11;
	[sflag:s21] =	ssyncadd.s32 $0xFFFFC000  }
0x3e: {  	[tilespmem:s16], [sflag:$0x3] =	stream.linear.gather [hbm4b:s26+s3], $0x80, $0x38;
	[tilespmem:$0x18100] =	vst v63  }
0x3f: {  	_ =	swait.ge [sflag:s13], $0x80  }
0x40: {  	[sflag:s13] =	ssyncset.done $0x0  }
0x41: {  	s31 =	sadd.s32 s25, s10;
	[sflag:s13] =	ssyncadd.s32 $0xFFFFFF80  }
0x42: {  	[tilespmem:s17], [sflag:$0x3] =	stream.linear.gather [hbm4b:s31+s3], $0x80, $0x38;
	[tilespmem:$0x18100] =	vst v63  }
0x43: {  	_ =	swait.ge [sflag:s13], $0x80  }
0x44: {  	[sflag:s13] =	ssyncset.done $0x0  }
0x45: {  	[sflag:s13] =	ssyncadd.s32 $0xFFFFFF80  }
0x46: {  	[tilespmem:s19], [sflag:$0x1] =	stream.indirect.gather [hbm4b:s5+s18], $0x80, s16, s18, $0xb8;
	[tilespmem:$0x18100] =	vst v63  }
0x47: {  	_ =	swait.ge [sflag:s20], $0x4000  }
0x48: {  	[sflag:s20] =	ssyncset.done $0x0  }
0x49: {  	[sflag:s20] =	ssyncadd.s32 $0xFFFFC000  }
0x4a: {  	[spmem:s2] =	stream.indirect.scatter.add.f32 [tilespmem:s19], [sflag:$0x2], $0x80, s17, s18, $0xb8;
	[tilespmem:$0x18100] =	vst v63  }
0x4b: {  	_ =	swait.ge [sflag:s21], $0x4000  }
0x4c: {  	[sflag:s21] =	ssyncset.done $0x0  }
0x4d: {  	[sflag:s21] =	ssyncadd.s32 $0xFFFFC000  }
0x4e: {  	[bflag:$0x0] =	sbarrier.arrive $0xFFFF  }
0x4f: {  	[hbm:s7], [sflag:s14] =	dma.local [spmem:s22], $0x2700  }
0x50: {  	s24 =	sadd.s32 $0x1, s24;
	_ =	swait.ge [sflag:s13], $0x2700  }
0x51: {  	p1 =	sne.s32 s24, s9;
	[sflag:s13] =	ssyncset.done $0x0  }
.Ltmp1:
0x52: {  	s25 =	simm.s32 @!p0 $0x3;
	[sflag:s13] =	ssyncadd.s32 $0xFFFFD900;
	(pc) =	sbr.rel @p1 .LBB2_1-.Ltmp1, $4  }
0x53: {  	[hbm:s8], [sflag:s14] =	dma.local @!p0 [spmem:s23], $0x100  }
0x54: {  	_ =	swait.ge @!p0 [sflag:s25], $0x100  }
0x55: {  	[sflag:s25] =	ssyncset.done @!p0 $0x0  }
0x56: {  	[sflag:s25] =	ssyncadd.s32 @!p0 $0xFFFFFF00  }
0x57: {  	_ =	sfence.sel $0x180000  }
0x58: {  	[bflag:$0x0] =	sbarrier.arrive $0xFFFF  }
0x59: {  	p0 =	sne.s32 s4, $0x0;
	_ =	strace $0x90000050  }
0x5a: {  	s0 =	sadd.s32 @!p0 $0x100000, s0;
	[bflag:$0x2] =	sbarrier.arrive $0xFFFF  }
0x5b: {  	[sflag:s0] =	ssyncadd.tile.s32 @!p0 $0x1;
	_ =	shalt  }
.Lfunc_end2:
_tile_overlayer_lowered:
.L_overlay_start_2:
0x5c: {  	(tag) =	ssettag $0x2  }
0x5d: {  	s0 =	rddreg [dreg:$0x0];
	s2 =	stileid.u32  }
0x5e: {  	s1 =	rddreg [dreg:$0x1];
	p0 =	sne.s32 s2, $0x0  }
0x5f: {  	s3 =	rddreg [dreg:$0x2];
	[bflag:$0x3] =	sbarrier.arrive $0xFFFF;
	s2 =	simm.s32 @!p0 $0x1C03  }
0x60: {  	[timem:s3], [sflag:s2] =	dma.local @!p0 [hbm:s0], s1  }
0x61: {  	s0 =	simm.s32 @!p0 $0x3  }
0x62: {  	_ =	swait.ge @!p0 [sflag:s0], s1  }
0x63: {  	s1 =	ssub.s32 @!p0 $0x0, s1;
	[sflag:s0] =	ssyncset.done @!p0 $0x0  }
0x64: {  	[sflag:s0] =	ssyncadd.s32 @!p0 s1  }
0x65: {  	[bflag:$0x3] =	sbarrier.arrive $0xFFFF  }
0x66: {  	_ =	shalt  }

// kernel: _run.20.cloned.1.call-start
scs
__scs_entry_jumppad:
0x0: {  	(pc) =	sbr.rel $0x88, $3  }
0x1: {  	(tag) =	ssettag $0x0;
	lr =	simm.s32 $0x1  }
0x2: {  	[smem:$0x3F99] =	sst lr;
	_ =	strace $0xD0000000  }
0x3: {  	_ = 	snop  }
0x4: {  	_ = 	snop  }
0x5: {  	_ = 	snop  }
0x6: {  	_ = 	snop  }
0x7: {  	_ = 	snop  }
__scs_overlays_trampoline_lowered:
0x8: {  	[smem:$0x3FA8] =	sst s0  }
0x9: {  	[smem:$0x3FA9] =	sst s1  }
0xa: {  	[smem:$0x3FAA] =	sst s2  }
0xb: {  	[smem:$0x3FAB] =	sst s3  }
0xc: {  	[smem:$0x3FAC] =	sst s4  }
0xd: {  	[smem:$0x3FAD] =	sst s5  }
0xe: {  	[smem:$0x3FAE] =	sst s6  }
0xf: {  	[smem:$0x3FAF] =	sst s7  }
0x10: {  	[smem:$0x3FB0] =	sst s8  }
0x11: {  	[smem:$0x3FB1] =	sst s9;
	s0 =	simm.s32 @!p0 $0x0  }
0x12: {  	s1 =	sld [smem:$0x3F97];
	s0 =	simm.s32 @p0 $0x1  }
0x13: {  	[smem:$0x3FB2] =	sst s0;
	s0 =	simm.s32 @!p1 $0x0  }
0x14: {  	s2 =	sld [smem:$0x3F96];
	s0 =	simm.s32 @p1 $0x1  }
0x15: {  	[smem:$0x3FB3] =	sst s0;
	s0 =	simm.s32 @!p2 $0x0  }
0x16: {  	s3 =	sld [smem:$0x3FDB];
	s0 =	simm.s32 @p2 $0x1  }
0x17: {  	s4 =	simm.s32 $0x1BF5;
	[smem:$0x3FB5] =	sst s0  }
0x18: {  	s0 =	sld [smem:$0x3F98];
	_ =	swait.ge [sflag:s4], $0x0  }
0x19: {  	s7 =	sld [smem:$0x3F99]  }
0x1a: {  	s8 =	sadd.s32 $0xFFFFE003, lr  }
0x1b: {  	s9 =	sadd.s32 $0xFFFFFEF7, lr;
	s5 =	simm.s32 $0xFFFFFFFF;
	p2 =	slt.u32 s8, $0xFFFFF086  }
0x1c: {  	p1 =	slt.u32 s9, $0xF7A;
	s5 =	simm.s32 @!p2 $0x0  }
0x1d: {  	s5 =	simm.s32 @p1 $0x1;
	p0 =	seq.s32 s7, s2  }
0x1e: {  	s7 =	smul.u32 @!p0 $0xF7A, s2;
	p2 =	seq.s32 @!p0 s5, $0x0  }
0x1f: {  	s9 =	smul.u32 $0xF7A, s1;
	s8 =	simm.s32 @!p0 $0x1BF5;
	p2 =	por !p2, p0  }
0x20: {  	[sflag:s8] =	ssyncset.s32 @!p0 $0xFFFFF086;
	s6 =	sadd.s32 @!p0 s3, s7;
	s7 =	simm.s32 @!p0 $0x108  }
0x21: {  	s3 =	sadd.s32 s3, s9;
	s6 =	sadd.s32 @!p0 $0x88, s6;
	s7 =	simm.s32 @p2 $0x1082  }
0x22: {  	[simem:s7], [sflag:s8] =	dma.local @!p0 [hbm:s6], $0xF7A  }
0x23: {  	s9 =	sor.u32 $0xD0000000, s2;
	s6 =	simm.s32 $0x108;
	_ =	swait.ge @!p0 [sflag:s8], $0x0  }
0x24: {  	s3 =	sadd.s32 $0x88, s3;
	s6 =	simm.s32 @!p1 $0x1082;
	[sflag:s4] =	ssyncset.s32 $0xFFFFF086  }
0x25: {  	[simem:s6], [sflag:s4] =	dma.local [hbm:s3], $0xF7A  }
0x26: {  	[smem:$0x3F99] =	sst s1;
	(tag) =	ssettag s2;
	_ =	strace s9  }
0x27: {  	s1 =	sld [smem:$0x3FA9]  }
0x28: {  	s2 =	sld [smem:$0x3FAA]  }
0x29: {  	s4 =	sld [smem:$0x3FAC]  }
0x2a: {  	p0 =	seq.s32 s5, $0x0;
	s5 =	sld [smem:$0x3FAD]  }
0x2b: {  	s6 =	sld [smem:$0x3FAE]  }
0x2c: {  	s7 =	sld [smem:$0x3FAF]  }
0x2d: {  	s3 =	simm.s32 $0x108;
	s8 =	sld [smem:$0x3FB0]  }
0x2e: {  	s3 =	simm.s32 @!p0 $0x1082;
	s9 =	sld [smem:$0x3FB1]  }
0x2f: {  	lr =	sadd.s32 s0, s3;
	s0 =	sld [smem:$0x3FA8]  }
0x30: {  	s3 =	sld [smem:$0x3FAB]  }
0x31: {  	[smem:$0x3FB4] =	sst s10  }
0x32: {  	s10 =	sld [smem:$0x3FB2];
	_ =	sdelay $0x3  }
0x33: {  	p0 =	seq.s32 s10, $0x1;
	s10 =	sld [smem:$0x3FB4];
	_ =	sdelay $0x3  }
0x34: {  	[smem:$0x3FB4] =	sst s10  }
0x35: {  	s10 =	sld [smem:$0x3FB3];
	_ =	sdelay $0x3  }
0x36: {  	p1 =	seq.s32 s10, $0x1;
	s10 =	sld [smem:$0x3FB4];
	_ =	sdelay $0x3  }
0x37: {  	[smem:$0x3FB4] =	sst s10  }
0x38: {  	s10 =	sld [smem:$0x3FB5]  }
0x39: {  	_ = 	snop;
	(pc) =	sbr.ind lr, $3  }
0x3a: {  	_ = 	snop  }
0x3b: {  	_ = 	snop  }
0x3c: {  	p2 =	seq.s32 s10, $0x1;
	s10 =	sld [smem:$0x3FB4]  }
0x3d: {  	_ =	shalt  }
0x3e: {  	_ =	shalt  }
0x3f: {  	_ =	shalt  }
0x40: {  	_ =	shalt  }
0x41: {  	_ =	shalt  }
0x42: {  	_ =	shalt  }
0x43: {  	_ =	shalt  }
0x44: {  	_ =	shalt  }
0x45: {  	_ =	shalt  }
0x46: {  	_ =	shalt  }
0x47: {  	_ =	shalt  }
0x48: {  	_ =	shalt  }
0x49: {  	_ =	shalt  }
0x4a: {  	_ =	shalt  }
0x4b: {  	_ =	shalt  }
0x4c: {  	_ =	shalt  }
0x4d: {  	_ =	shalt  }
0x4e: {  	_ =	shalt  }
0x4f: {  	_ =	shalt  }
0x50: {  	_ =	shalt  }
0x51: {  	_ =	shalt  }
0x52: {  	_ =	shalt  }
0x53: {  	_ =	shalt  }
0x54: {  	_ =	shalt  }
0x55: {  	_ =	shalt  }
0x56: {  	_ =	shalt  }
0x57: {  	_ =	shalt  }
0x58: {  	_ =	shalt  }
0x59: {  	_ =	shalt  }
0x5a: {  	_ =	shalt  }
0x5b: {  	_ =	shalt  }
0x5c: {  	_ =	shalt  }
0x5d: {  	_ =	shalt  }
0x5e: {  	_ =	shalt  }
0x5f: {  	_ =	shalt  }
0x60: {  	_ =	shalt  }
0x61: {  	_ =	shalt  }
0x62: {  	_ =	shalt  }
0x63: {  	_ =	shalt  }
0x64: {  	_ =	shalt  }
0x65: {  	_ =	shalt  }
0x66: {  	_ =	shalt  }
0x67: {  	_ =	shalt  }
0x68: {  	_ =	shalt  }
0x69: {  	_ =	shalt  }
0x6a: {  	_ =	shalt  }
0x6b: {  	_ =	shalt  }
0x6c: {  	_ =	shalt  }
0x6d: {  	_ =	shalt  }
0x6e: {  	_ =	shalt  }
0x6f: {  	_ =	shalt  }
0x70: {  	_ =	shalt  }
0x71: {  	_ =	shalt  }
0x72: {  	_ =	shalt  }
0x73: {  	_ =	shalt  }
0x74: {  	_ =	shalt  }
0x75: {  	_ =	shalt  }
0x76: {  	_ =	shalt  }
0x77: {  	_ =	shalt  }
0x78: {  	_ =	shalt  }
0x79: {  	_ =	shalt  }
0x7a: {  	_ =	shalt  }
0x7b: {  	_ =	shalt  }
0x7c: {  	_ =	shalt  }
0x7d: {  	_ =	shalt  }
0x7e: {  	_ =	shalt  }
0x7f: {  	_ =	shalt  }
0x80: {  	_ =	shalt  }
0x81: {  	_ =	shalt  }
0x82: {  	_ =	shalt  }
0x83: {  	_ =	shalt  }
0x84: {  	_ =	shalt  }
0x85: {  	_ =	shalt  }
0x86: {  	_ =	shalt  }
0x87: {  	_ =	shalt  }
.Lfunc_end0:
.L_simem_size_0:
called_computation.3_lowered:
.L_overlay_start_0:
0x88: {  	s2 =	sld [smem:$0x3FD9]  }
0x89: {  	s3 =	sld [smem:$0x3FFE];
	_ =	sdelay $0x1  }
0x8a: {  	s1 =	srdreg.scid  }
0x8b: {  	s0 =	sand.u32 $0x1, s1  }
0x8c: {  	s17 =	sshll.u32 s0, $0xA;
	s2 =	sadd.s32 s3, s2  }
0x8d: {  	s2 =	sadd.s32 s2, s17  }
0x8e: {  	[smem:$0x3FC0] =	sst s2  }
0x8f: {  	_ = 	snop  }
0x90: {  	s2 =	sld [smem:$0x3FD0];
	(tm) =	ssettm $0x1  }
0x91: {  	s18 =	sld [smem:$0x3FFB];
	_ =	sdelay $0x3  }
0x92: {  	_ =	strace s18  }
0x93: {  	s3 =	sld [smem:$0x3FFC];
	_ =	sdelay $0x3  }
0x94: {  	_ =	strace s3  }
0x95: {  	s3 =	sld [smem:$0x3FFD];
	_ =	sdelay $0x3  }
0x96: {  	_ =	strace s3  }
0x97: {  	_ =	strace $0x8FFFFFFF  }
0x98: {  	s19 =	sld [smem:$0x3FDB];
	_ =	sdelay $0x1  }
0x99: {  	s4 =	simm.s32 $_scs_section_size  }
0x9a: {  	s5 =	simm.s32 $_size__tile_overlayer_lowered;
	s6 =	simm.s32 $_tile_overlayer_lowered  }
0x9b: {  	s22 =	simm.s32 $0x1BFF;
	s21 =	sshll.u32 s6, $0x1;
	s3 =	sadd.s32 s4, s19  }
0x9c: {  	s7 =	simm.s32 $0x0;
	s20 =	sshll.u32 s5, $0x1;
	s5 =	sadd.s32 s21, s3  }
0x9d: {  	[timem:s7], [sflag:s22] =	dma.local [hbm:s5], s20  }
0x9e: {  	_ =	swait.ge [sflag:s22], s20  }
0x9f: {  	s4 =	ssub.s32 $0x0, s20;
	[sflag:s22] =	ssyncset.done $0x0  }
0xa0: {  	[sflag:s22] =	ssyncadd.s32 s4;
	_ =	sdelay $0x1  }
0xa1: {  	s23 =	simm.s32 $0x1B8B  }
0xa2: {  	_ =	swait.ge [sflag:s23], $0x1  }
0xa3: {  	[sflag:s23] =	ssyncset.done $0x0  }
0xa4: {  	s25 =	simm.s32 $0x1B8E;
	s24 =	sld [smem:$0x3FFE];
	[sflag:s23] =	ssyncadd.s32 $0xFFFFFFFF  }
0xa5: {  	s26 =	simm.s32 $execute0_lowered;
	[smem:$0x3FD2] =	sst s25  }
0xa6: {  	s5 =	sshll.u32 s26, $0x1;
	_ =	strace $0x8000004C;
	[dreg:$0x1] =	wrdreg $0xFFFFFFFF  }
0xa7: {  	s28 =	simm.s32 $_size_execute0_lowered;
	s3 =	sadd.s32 s3, s5;
	[dreg:$0x0] =	wrdreg $0x0  }
0xa8: {  	s5 =	sshll.u32 s28, $0x1;
	[dreg:$0x2] =	wrdreg s3  }
0xa9: {  	[dreg:$0x3] =	wrdreg s5  }
0xaa: {  	[dreg:$0x4] =	wrdreg $0xC0  }
0xab: {  	_ =	task [dreg:s7], $0x5FFFF  }
0xac: {  	[dreg:$0x1] =	wrdreg $0xFFFFFFFF  }
0xad: {  	[dreg:$0x0] =	wrdreg $0x60  }
0xae: {  	[dreg:$0x2] =	wrdreg s24  }
0xaf: {  	[dreg:$0x3] =	wrdreg s2  }
0xb0: {  	[dreg:$0x4] =	wrdreg $0x0  }
0xb1: {  	[dreg:$0x5] =	wrdreg $0xA  }
0xb2: {  	_ =	task.clear_ibuf [dreg:s7], $0x6FFFF;
	_ =	strace $0x9000004C  }
0xb3: {  	s29 =	simm.s32 $0xA;
	_ =	strace $0x8000004E  }
0xb4: {  	_ =	swait.ge [sflag:s29], $0x1  }
0xb5: {  	[sflag:s29] =	ssyncadd.s32 $0xFFFFFFFF  }
0xb6: {  	_ =	strace $0x9000004E  }
0xb7: {  	_ =	sfence  }
0xb8: {  	s30 =	sld [smem:$0x0];
	_ =	sdelay $0x2  }
0xb9: {  	s31 =	sshll.u32 s1, $0xD;
	s1 =	sshrl.u32 s1, $0x2  }
0xba: {  	s3 =	sand.u32 $0x4000, s31;
	s1 =	sadd.s32 s1, s30  }
0xbb: {  	s0 =	sor.u32 s3, s0;
	s1 =	sshll.u32 s1, $0x11  }
0xbc: {  	s0 =	sor.u32 s1, s0  }
0xbd: {  	s0 =	sadd.s32 $0x8F2B, s0  }
0xbe: {  	[sflag:s0] =	ssyncadd.remote.s32 $0x1  }
0xbf: {  	_ =	sfence.sel $0xFFFF  }
0xc0: {  	[dreg:$0x0] =	wrdreg $0xFFFFFFFF;
	(pc) =	sbr.abs _section_cstart, $3  }
0xc1: {  	[dreg:$0x1] =	wrdreg $0xFFFFFFFF  }
0xc2: {  	_ =	task.clear_ibuf [dreg:s7], $0x2FFFF;
	_ =	strace $0x9FFFFFFF  }
0xc3: {  	(tm) =	ssettm $0x7FFFFFFF  }
tec
execute0_lowered:
.L_overlay_start_1:
0x0: {  	(tag) =	ssettag $0x1  }
0x1: {  	s7 =	rddreg [dreg:$0x0]  }
0x2: {  	s1 =	rddreg [dreg:$0x1]  }
0x3: {  	s2 =	rddreg [dreg:$0x2]  }
0x4: {  	s0 =	rddreg [dreg:$0x3];
	s3 =	simm.s32 $0x0;
	s4 =	srdreg.scid  }
0x5: {  	s16 =	simm.s32 $0x13C00;
	s17 =	simm.s32 $0x13C80;
	s18 =	simm.s32 $0x80  }
0x6: {  	s19 =	simm.s32 $0x14100;
	s20 =	simm.s32 $0x1;
	s8 =	sand.u32 $0x1, s4  }
0x7: {  	s21 =	simm.s32 $0x2;
	s4 =	stileid.u32;
	s6 =	smul.u32 $0x5000, s8  }
0x8: {  	s24 =	simm.s32 $0x0;
	[smem:$0x7FF] =	sst s3;
	s9 =	smul.u32 $0x4F000, s4  }
0x9: {  	s5 =	sadd.s32 $0x35600, s7;
	s13 =	sadd.s32 $0x83A00, s7;
	s11 =	smul.u32 $0x138800, s8  }
0xa: {  	s23 =	sadd.s32 $0x138000, s2;
	_ =	strace $0x8000004D;
	s12 =	smul.u32 $0x13800, s4  }
0xb: {  	s8 =	ssub.s32 $0x2, s8;
	s29 =	smul.u32 $0x500, s4;
	p0 =	sne.s32 s4, $0xF  }
0xc: {  	s31 =	sshll.u32 s4, $0x6;
	s25 =	sshrl.u32 s8, $0x1;
	s23 =	sshrl.u32 @!p0 s23, $0x3  }
0xd: {  	s10 =	sadd.s32 s6, s7;
	s6 =	sadd.s32 $0x2B200, s7;
	s9 =	sshrl.u32 s9, $0x2  }
0xe: {  	s14 =	ssub.s32 s8, s25;
	s26 =	sadd.s32 s12, s11;
	s28 =	sshrl.u32 s11, $0x3  }
0xf: {  	s22 =	sadd.s32 s12, s2;
	s12 =	simm.s32 $0x13D00;
	s15 =	sadd.s32 s9, s2  }
0x10: {  	s7 =	sshrl.u32 s26, $0x3;
	s8 =	sadd.s32 s13, s28;
	s30 =	sadd.s32 s29, s10  }
0x11: {  	s9 =	smax.u32 s14, $0x1;
	s14 =	sor.u32 $0x1C03, s31;
	s22 =	sshrl.u32 s22, $0x3  }
0x12: {  	s7 =	sadd.s32 s13, s7;
	s8 =	sadd.s32 $0x27000, s8;
	s10 =	sadd.s32 $0x2B400, s30  }
0x13: {  	s11 =	sadd.s32 $0x21000, s30;
	s13 =	simm.s32 $0x3;
	s15 =	sshrl.u32 s15, $0x3  }
.LBB2_1:
0x14: {  	[tilespmem:s12], [sflag:$0x3] =	stream.linear.gather [hbm4b:s6+s3], $0x400, $0x38;
	[tilespmem:$0x18100] =	vst v63  }
0x15: {  	_ =	swait.ge [sflag:s13], $0x400  }
0x16: {  	[sflag:s13] =	ssyncset.done $0x0  }
0x17: {  	[sflag:s13] =	ssyncadd.s32 $0xFFFFFC00  }
0x18: {  	[spmem:s15], [sflag:s14] =	dma.local [hbm:s1], $0x2780  }
0x19: {  	_ =	swait.ge [sflag:s13], $0x2780  }
0x1a: {  	[sflag:s13] =	ssyncset.done $0x0  }
0x1b: {  	[sflag:s13] =	ssyncadd.s32 $0xFFFFD880  }
0x1c: {  	s25 =	sadd.s32 $0x0, s11;
	[bflag:$0x0] =	sbarrier.arrive $0xFFFF  }
0x1d: {  	[tilespmem:s16], [sflag:$0x3] =	stream.linear.gather [hbm4b:s25+s3], $0x80, $0x38;
	[tilespmem:$0x18100] =	vst v63  }
0x1e: {  	_ =	swait.ge [sflag:s13], $0x80  }
0x1f: {  	[sflag:s13] =	ssyncset.done $0x0  }
0x20: {  	s31 =	sadd.s32 $0x0, s10;
	[sflag:s13] =	ssyncadd.s32 $0xFFFFFF80  }
0x21: {  	[tilespmem:s17], [sflag:$0x3] =	stream.linear.gather [hbm4b:s31+s3], $0x80, $0x38;
	[tilespmem:$0x18100] =	vst v63  }
0x22: {  	_ =	swait.ge [sflag:s13], $0x80  }
0x23: {  	[sflag:s13] =	ssyncset.done $0x0  }
0x24: {  	[sflag:s13] =	ssyncadd.s32 $0xFFFFFF80  }
0x25: {  	[tilespmem:s19], [sflag:$0x1] =	stream.indirect.gather [hbm4b:s5+s18], $0x80, s16, s18, $0xb8;
	[tilespmem:$0x18100] =	vst v63  }
0x26: {  	_ =	swait.ge [sflag:s20], $0x4000  }
0x27: {  	[sflag:s20] =	ssyncset.done $0x0  }
0x28: {  	[sflag:s20] =	ssyncadd.s32 $0xFFFFC000  }
0x29: {  	[spmem:s2] =	stream.indirect.scatter.add.f32 [tilespmem:s19], [sflag:$0x2], $0x80, s17, s18, $0xb8;
	[tilespmem:$0x18100] =	vst v63  }
0x2a: {  	_ =	swait.ge [sflag:s21], $0x4000  }
0x2b: {  	s26 =	simm.s32 $0x20;
	s25 =	simm.s32 $0x10;
	[sflag:s21] =	ssyncset.done $0x0  }
.LBB2_2:
0x2c: {  	s28 =	sadd.s32 s25, s11  }
0x2d: {  	[sflag:s21] =	ssyncadd.s32 $0xFFFFC000;
	s29 =	smov.u32 s26;
	s30 =	sadd.s32 $0x10, s26  }
0x2e: {  	[tilespmem:s16], [sflag:$0x3] =	stream.linear.gather [hbm4b:s28+s3], $0x80, $0x38;
	[tilespmem:$0x18100] =	vst v63  }
0x2f: {  	p1 =	sne.s32 s26, $0x4F0;
	_ =	swait.ge [sflag:s13], $0x80  }
0x30: {  	[sflag:s13] =	ssyncset.done $0x0  }
0x31: {  	s26 =	sadd.s32 s25, s10;
	s25 =	smov.u32 s29;
	[sflag:s13] =	ssyncadd.s32 $0xFFFFFF80  }
0x32: {  	[tilespmem:s17], [sflag:$0x3] =	stream.linear.gather [hbm4b:s26+s3], $0x80, $0x38;
	[tilespmem:$0x18100] =	vst v63  }
0x33: {  	_ =	swait.ge [sflag:s13], $0x80  }
0x34: {  	[sflag:s13] =	ssyncset.done $0x0  }
0x35: {  	[sflag:s13] =	ssyncadd.s32 $0xFFFFFF80  }
0x36: {  	[tilespmem:s19], [sflag:$0x1] =	stream.indirect.gather [hbm4b:s5+s18], $0x80, s16, s18, $0xb8;
	[tilespmem:$0x18100] =	vst v63  }
0x37: {  	_ =	swait.ge [sflag:s20], $0x4000  }
.Ltmp0:
0x38: {  	[sflag:s20] =	ssyncset.done $0x0;
	(pc) =	sbr.rel @p1 .LBB2_2-.Ltmp0, $4  }
0x39: {  	[sflag:s20] =	ssyncadd.s32 $0xFFFFC000  }
0x3a: {  	[spmem:s2] =	stream.indirect.scatter.add.f32 [tilespmem:s19], [sflag:$0x2], $0x80, s17, s18, $0xb8;
	[tilespmem:$0x18100] =	vst v63  }
0x3b: {  	_ =	swait.ge [sflag:s21], $0x4000  }
0x3c: {  	s26 =	smov.u32 s30;
	[sflag:s21] =	ssyncset.done $0x0  }
0x3d: {  	s26 =	sadd.s32 s25, s11;
	[sflag:s21] =	ssyncadd.s32 $0xFFFFC000  }
0x3e: {  	[tilespmem:s16], [sflag:$0x3] =	stream.linear.gather [hbm4b:s26+s3], $0x80, $0x38;
	[tilespmem:$0x18100] =	vst v63  }
0x3f: {  	_ =	swait.ge [sflag:s13], $0x80  }
0x40: {  	[sflag:s13] =	ssyncset.done $0x0  }
0x41: {  	s31 =	sadd.s32 s25, s10;
	[sflag:s13] =	ssyncadd.s32 $0xFFFFFF80  }
0x42: {  	[tilespmem:s17], [sflag:$0x3] =	stream.linear.gather [hbm4b:s31+s3], $0x80, $0x38;
	[tilespmem:$0x18100] =	vst v63  }
0x43: {  	_ =	swait.ge [sflag:s13], $0x80  }
0x44: {  	[sflag:s13] =	ssyncset.done $0x0  }
0x45: {  	[sflag:s13] =	ssyncadd.s32 $0xFFFFFF80  }
0x46: {  	[tilespmem:s19], [sflag:$0x1] =	stream.indirect.gather [hbm4b:s5+s18], $0x80, s16, s18, $0xb8;
	[tilespmem:$0x18100] =	vst v63  }
0x47: {  	_ =	swait.ge [sflag:s20], $0x4000  }
0x48: {  	[sflag:s20] =	ssyncset.done $0x0  }
0x49: {  	[sflag:s20] =	ssyncadd.s32 $0xFFFFC000  }
0x4a: {  	[spmem:s2] =	stream.indirect.scatter.add.f32 [tilespmem:s19], [sflag:$0x2], $0x80, s17, s18, $0xb8;
	[tilespmem:$0x18100] =	vst v63  }
0x4b: {  	_ =	swait.ge [sflag:s21], $0x4000  }
0x4c: {  	[sflag:s21] =	ssyncset.done $0x0  }
0x4d: {  	[sflag:s21] =	ssyncadd.s32 $0xFFFFC000  }
0x4e: {  	[bflag:$0x0] =	sbarrier.arrive $0xFFFF  }
0x4f: {  	[hbm:s7], [sflag:s14] =	dma.local [spmem:s22], $0x2700  }
0x50: {  	s24 =	sadd.s32 $0x1, s24;
	_ =	swait.ge [sflag:s13], $0x2700  }
0x51: {  	p1 =	sne.s32 s24, s9;
	[sflag:s13] =	ssyncset.done $0x0  }
.Ltmp1:
0x52: {  	s25 =	simm.s32 @!p0 $0x3;
	[sflag:s13] =	ssyncadd.s32 $0xFFFFD900;
	(pc) =	sbr.rel @p1 .LBB2_1-.Ltmp1, $4  }
0x53: {  	[hbm:s8], [sflag:s14] =	dma.local @!p0 [spmem:s23], $0x100  }
0x54: {  	_ =	swait.ge @!p0 [sflag:s25], $0x100  }
0x55: {  	[sflag:s25] =	ssyncset.done @!p0 $0x0  }
0x56: {  	[sflag:s25] =	ssyncadd.s32 @!p0 $0xFFFFFF00  }
0x57: {  	_ =	sfence.sel $0x180000  }
0x58: {  	[bflag:$0x0] =	sbarrier.arrive $0xFFFF  }
0x59: {  	p0 =	sne.s32 s4, $0x0;
	_ =	strace $0x9000004D  }
0x5a: {  	s0 =	sadd.s32 @!p0 $0x100000, s0;
	[bflag:$0x2] =	sbarrier.arrive $0xFFFF  }
0x5b: {  	[sflag:s0] =	ssyncadd.tile.s32 @!p0 $0x1;
	_ =	shalt  }
.Lfunc_end2:
_tile_overlayer_lowered:
.L_overlay_start_2:
0x5c: {  	(tag) =	ssettag $0x2  }
0x5d: {  	s0 =	rddreg [dreg:$0x0];
	s2 =	stileid.u32  }
0x5e: {  	s1 =	rddreg [dreg:$0x1];
	p0 =	sne.s32 s2, $0x0  }
0x5f: {  	s3 =	rddreg [dreg:$0x2];
	[bflag:$0x3] =	sbarrier.arrive $0xFFFF;
	s2 =	simm.s32 @!p0 $0x1C03  }
0x60: {  	[timem:s3], [sflag:s2] =	dma.local @!p0 [hbm:s0], s1  }
0x61: {  	s0 =	simm.s32 @!p0 $0x3  }
0x62: {  	_ =	swait.ge @!p0 [sflag:s0], s1  }
0x63: {  	s1 =	ssub.s32 @!p0 $0x0, s1;
	[sflag:s0] =	ssyncset.done @!p0 $0x0  }
0x64: {  	[sflag:s0] =	ssyncadd.s32 @!p0 s1  }
0x65: {  	[bflag:$0x3] =	sbarrier.arrive $0xFFFF  }
0x66: {  	_ =	shalt  }

// kernel: _run.23.cloned.1.call-start
scs
__scs_entry_jumppad:
0x0: {  	(pc) =	sbr.rel $0x88, $3  }
0x1: {  	(tag) =	ssettag $0x0;
	lr =	simm.s32 $0x1  }
0x2: {  	[smem:$0x3F99] =	sst lr;
	_ =	strace $0xD0000000  }
0x3: {  	_ = 	snop  }
0x4: {  	_ = 	snop  }
0x5: {  	_ = 	snop  }
0x6: {  	_ = 	snop  }
0x7: {  	_ = 	snop  }
__scs_overlays_trampoline_lowered:
0x8: {  	[smem:$0x3FA8] =	sst s0  }
0x9: {  	[smem:$0x3FA9] =	sst s1  }
0xa: {  	[smem:$0x3FAA] =	sst s2  }
0xb: {  	[smem:$0x3FAB] =	sst s3  }
0xc: {  	[smem:$0x3FAC] =	sst s4  }
0xd: {  	[smem:$0x3FAD] =	sst s5  }
0xe: {  	[smem:$0x3FAE] =	sst s6  }
0xf: {  	[smem:$0x3FAF] =	sst s7  }
0x10: {  	[smem:$0x3FB0] =	sst s8  }
0x11: {  	[smem:$0x3FB1] =	sst s9;
	s0 =	simm.s32 @!p0 $0x0  }
0x12: {  	s1 =	sld [smem:$0x3F97];
	s0 =	simm.s32 @p0 $0x1  }
0x13: {  	[smem:$0x3FB2] =	sst s0;
	s0 =	simm.s32 @!p1 $0x0  }
0x14: {  	s2 =	sld [smem:$0x3F96];
	s0 =	simm.s32 @p1 $0x1  }
0x15: {  	[smem:$0x3FB3] =	sst s0;
	s0 =	simm.s32 @!p2 $0x0  }
0x16: {  	s3 =	sld [smem:$0x3FDB];
	s0 =	simm.s32 @p2 $0x1  }
0x17: {  	s4 =	simm.s32 $0x1BF5;
	[smem:$0x3FB5] =	sst s0  }
0x18: {  	s0 =	sld [smem:$0x3F98];
	_ =	swait.ge [sflag:s4], $0x0  }
0x19: {  	s7 =	sld [smem:$0x3F99]  }
0x1a: {  	s8 =	sadd.s32 $0xFFFFE003, lr  }
0x1b: {  	s9 =	sadd.s32 $0xFFFFFEF7, lr;
	s5 =	simm.s32 $0xFFFFFFFF;
	p2 =	slt.u32 s8, $0xFFFFF086  }
0x1c: {  	p1 =	slt.u32 s9, $0xF7A;
	s5 =	simm.s32 @!p2 $0x0  }
0x1d: {  	s5 =	simm.s32 @p1 $0x1;
	p0 =	seq.s32 s7, s2  }
0x1e: {  	s7 =	smul.u32 @!p0 $0xF7A, s2;
	p2 =	seq.s32 @!p0 s5, $0x0  }
0x1f: {  	s9 =	smul.u32 $0xF7A, s1;
	s8 =	simm.s32 @!p0 $0x1BF5;
	p2 =	por !p2, p0  }
0x20: {  	[sflag:s8] =	ssyncset.s32 @!p0 $0xFFFFF086;
	s6 =	sadd.s32 @!p0 s3, s7;
	s7 =	simm.s32 @!p0 $0x108  }
0x21: {  	s3 =	sadd.s32 s3, s9;
	s6 =	sadd.s32 @!p0 $0x88, s6;
	s7 =	simm.s32 @p2 $0x1082  }
0x22: {  	[simem:s7], [sflag:s8] =	dma.local @!p0 [hbm:s6], $0xF7A  }
0x23: {  	s9 =	sor.u32 $0xD0000000, s2;
	s6 =	simm.s32 $0x108;
	_ =	swait.ge @!p0 [sflag:s8], $0x0  }
0x24: {  	s3 =	sadd.s32 $0x88, s3;
	s6 =	simm.s32 @!p1 $0x1082;
	[sflag:s4] =	ssyncset.s32 $0xFFFFF086  }
0x25: {  	[simem:s6], [sflag:s4] =	dma.local [hbm:s3], $0xF7A  }
0x26: {  	[smem:$0x3F99] =	sst s1;
	(tag) =	ssettag s2;
	_ =	strace s9  }
0x27: {  	s1 =	sld [smem:$0x3FA9]  }
0x28: {  	s2 =	sld [smem:$0x3FAA]  }
0x29: {  	s4 =	sld [smem:$0x3FAC]  }
0x2a: {  	p0 =	seq.s32 s5, $0x0;
	s5 =	sld [smem:$0x3FAD]  }
0x2b: {  	s6 =	sld [smem:$0x3FAE]  }
0x2c: {  	s7 =	sld [smem:$0x3FAF]  }
0x2d: {  	s3 =	simm.s32 $0x108;
	s8 =	sld [smem:$0x3FB0]  }
0x2e: {  	s3 =	simm.s32 @!p0 $0x1082;
	s9 =	sld [smem:$0x3FB1]  }
0x2f: {  	lr =	sadd.s32 s0, s3;
	s0 =	sld [smem:$0x3FA8]  }
0x30: {  	s3 =	sld [smem:$0x3FAB]  }
0x31: {  	[smem:$0x3FB4] =	sst s10  }
0x32: {  	s10 =	sld [smem:$0x3FB2];
	_ =	sdelay $0x3  }
0x33: {  	p0 =	seq.s32 s10, $0x1;
	s10 =	sld [smem:$0x3FB4];
	_ =	sdelay $0x3  }
0x34: {  	[smem:$0x3FB4] =	sst s10  }
0x35: {  	s10 =	sld [smem:$0x3FB3];
	_ =	sdelay $0x3  }
0x36: {  	p1 =	seq.s32 s10, $0x1;
	s10 =	sld [smem:$0x3FB4];
	_ =	sdelay $0x3  }
0x37: {  	[smem:$0x3FB4] =	sst s10  }
0x38: {  	s10 =	sld [smem:$0x3FB5]  }
0x39: {  	_ = 	snop;
	(pc) =	sbr.ind lr, $3  }
0x3a: {  	_ = 	snop  }
0x3b: {  	_ = 	snop  }
0x3c: {  	p2 =	seq.s32 s10, $0x1;
	s10 =	sld [smem:$0x3FB4]  }
0x3d: {  	_ =	shalt  }
0x3e: {  	_ =	shalt  }
0x3f: {  	_ =	shalt  }
0x40: {  	_ =	shalt  }
0x41: {  	_ =	shalt  }
0x42: {  	_ =	shalt  }
0x43: {  	_ =	shalt  }
0x44: {  	_ =	shalt  }
0x45: {  	_ =	shalt  }
0x46: {  	_ =	shalt  }
0x47: {  	_ =	shalt  }
0x48: {  	_ =	shalt  }
0x49: {  	_ =	shalt  }
0x4a: {  	_ =	shalt  }
0x4b: {  	_ =	shalt  }
0x4c: {  	_ =	shalt  }
0x4d: {  	_ =	shalt  }
0x4e: {  	_ =	shalt  }
0x4f: {  	_ =	shalt  }
0x50: {  	_ =	shalt  }
0x51: {  	_ =	shalt  }
0x52: {  	_ =	shalt  }
0x53: {  	_ =	shalt  }
0x54: {  	_ =	shalt  }
0x55: {  	_ =	shalt  }
0x56: {  	_ =	shalt  }
0x57: {  	_ =	shalt  }
0x58: {  	_ =	shalt  }
0x59: {  	_ =	shalt  }
0x5a: {  	_ =	shalt  }
0x5b: {  	_ =	shalt  }
0x5c: {  	_ =	shalt  }
0x5d: {  	_ =	shalt  }
0x5e: {  	_ =	shalt  }
0x5f: {  	_ =	shalt  }
0x60: {  	_ =	shalt  }
0x61: {  	_ =	shalt  }
0x62: {  	_ =	shalt  }
0x63: {  	_ =	shalt  }
0x64: {  	_ =	shalt  }
0x65: {  	_ =	shalt  }
0x66: {  	_ =	shalt  }
0x67: {  	_ =	shalt  }
0x68: {  	_ =	shalt  }
0x69: {  	_ =	shalt  }
0x6a: {  	_ =	shalt  }
0x6b: {  	_ =	shalt  }
0x6c: {  	_ =	shalt  }
0x6d: {  	_ =	shalt  }
0x6e: {  	_ =	shalt  }
0x6f: {  	_ =	shalt  }
0x70: {  	_ =	shalt  }
0x71: {  	_ =	shalt  }
0x72: {  	_ =	shalt  }
0x73: {  	_ =	shalt  }
0x74: {  	_ =	shalt  }
0x75: {  	_ =	shalt  }
0x76: {  	_ =	shalt  }
0x77: {  	_ =	shalt  }
0x78: {  	_ =	shalt  }
0x79: {  	_ =	shalt  }
0x7a: {  	_ =	shalt  }
0x7b: {  	_ =	shalt  }
0x7c: {  	_ =	shalt  }
0x7d: {  	_ =	shalt  }
0x7e: {  	_ =	shalt  }
0x7f: {  	_ =	shalt  }
0x80: {  	_ =	shalt  }
0x81: {  	_ =	shalt  }
0x82: {  	_ =	shalt  }
0x83: {  	_ =	shalt  }
0x84: {  	_ =	shalt  }
0x85: {  	_ =	shalt  }
0x86: {  	_ =	shalt  }
0x87: {  	_ =	shalt  }
.Lfunc_end0:
.L_simem_size_0:
called_computation.4_lowered:
.L_overlay_start_0:
0x88: {  	s2 =	sld [smem:$0x3FD9]  }
0x89: {  	s3 =	sld [smem:$0x3FFE];
	_ =	sdelay $0x1  }
0x8a: {  	s1 =	srdreg.scid  }
0x8b: {  	s0 =	sand.u32 $0x1, s1  }
0x8c: {  	s17 =	sshll.u32 s0, $0xA;
	s2 =	sadd.s32 s3, s2  }
0x8d: {  	s2 =	sadd.s32 s2, s17  }
0x8e: {  	[smem:$0x3FC0] =	sst s2  }
0x8f: {  	_ = 	snop  }
0x90: {  	s2 =	sld [smem:$0x3FD0];
	(tm) =	ssettm $0x1  }
0x91: {  	s18 =	sld [smem:$0x3FFB];
	_ =	sdelay $0x3  }
0x92: {  	_ =	strace s18  }
0x93: {  	s3 =	sld [smem:$0x3FFC];
	_ =	sdelay $0x3  }
0x94: {  	_ =	strace s3  }
0x95: {  	s3 =	sld [smem:$0x3FFD];
	_ =	sdelay $0x3  }
0x96: {  	_ =	strace s3  }
0x97: {  	_ =	strace $0x8FFFFFFF  }
0x98: {  	s19 =	sld [smem:$0x3FDB];
	_ =	sdelay $0x1  }
0x99: {  	s4 =	simm.s32 $_scs_section_size  }
0x9a: {  	s5 =	simm.s32 $_size__tile_overlayer_lowered;
	s6 =	simm.s32 $_tile_overlayer_lowered  }
0x9b: {  	s22 =	simm.s32 $0x1BFF;
	s21 =	sshll.u32 s6, $0x1;
	s3 =	sadd.s32 s4, s19  }
0x9c: {  	s7 =	simm.s32 $0x0;
	s20 =	sshll.u32 s5, $0x1;
	s5 =	sadd.s32 s21, s3  }
0x9d: {  	[timem:s7], [sflag:s22] =	dma.local [hbm:s5], s20  }
0x9e: {  	_ =	swait.ge [sflag:s22], s20  }
0x9f: {  	s4 =	ssub.s32 $0x0, s20;
	[sflag:s22] =	ssyncset.done $0x0  }
0xa0: {  	[sflag:s22] =	ssyncadd.s32 s4;
	_ =	sdelay $0x1  }
0xa1: {  	s23 =	simm.s32 $0x1B8B  }
0xa2: {  	_ =	swait.ge [sflag:s23], $0x1  }
0xa3: {  	[sflag:s23] =	ssyncset.done $0x0  }
0xa4: {  	s25 =	simm.s32 $0x1B8E;
	s24 =	sld [smem:$0x3FFE];
	[sflag:s23] =	ssyncadd.s32 $0xFFFFFFFF  }
0xa5: {  	s26 =	simm.s32 $execute0_lowered;
	[smem:$0x3FD2] =	sst s25  }
0xa6: {  	s5 =	sshll.u32 s26, $0x1;
	_ =	strace $0x80000052;
	[dreg:$0x1] =	wrdreg $0xFFFFFFFF  }
0xa7: {  	s28 =	simm.s32 $_size_execute0_lowered;
	s3 =	sadd.s32 s3, s5;
	[dreg:$0x0] =	wrdreg $0x0  }
0xa8: {  	s5 =	sshll.u32 s28, $0x1;
	[dreg:$0x2] =	wrdreg s3  }
0xa9: {  	[dreg:$0x3] =	wrdreg s5  }
0xaa: {  	[dreg:$0x4] =	wrdreg $0xC0  }
0xab: {  	_ =	task [dreg:s7], $0x5FFFF  }
0xac: {  	[dreg:$0x1] =	wrdreg $0xFFFFFFFF  }
0xad: {  	[dreg:$0x0] =	wrdreg $0x60  }
0xae: {  	[dreg:$0x2] =	wrdreg s2  }
0xaf: {  	[dreg:$0x3] =	wrdreg s24  }
0xb0: {  	[dreg:$0x4] =	wrdreg $0x0  }
0xb1: {  	[dreg:$0x5] =	wrdreg $0x9  }
0xb2: {  	_ =	task.clear_ibuf [dreg:s7], $0x6FFFF;
	_ =	strace $0x90000052  }
0xb3: {  	s29 =	simm.s32 $0x9;
	_ =	strace $0x80000054  }
0xb4: {  	_ =	swait.ge [sflag:s29], $0x1  }
0xb5: {  	[sflag:s29] =	ssyncadd.s32 $0xFFFFFFFF  }
0xb6: {  	_ =	strace $0x90000054  }
0xb7: {  	_ =	sfence  }
0xb8: {  	s30 =	sld [smem:$0x0];
	_ =	sdelay $0x2  }
0xb9: {  	s31 =	sshll.u32 s1, $0xD;
	s1 =	sshrl.u32 s1, $0x2  }
0xba: {  	s3 =	sand.u32 $0x4000, s31;
	s1 =	sadd.s32 s1, s30  }
0xbb: {  	s0 =	sor.u32 s3, s0;
	s1 =	sshll.u32 s1, $0x11  }
0xbc: {  	s0 =	sor.u32 s1, s0  }
0xbd: {  	s0 =	sadd.s32 $0x8F2B, s0  }
0xbe: {  	[sflag:s0] =	ssyncadd.remote.s32 $0x1  }
0xbf: {  	_ =	sfence.sel $0xFFFF  }
0xc0: {  	[dreg:$0x0] =	wrdreg $0xFFFFFFFF;
	(pc) =	sbr.abs _section_cstart, $3  }
0xc1: {  	[dreg:$0x1] =	wrdreg $0xFFFFFFFF  }
0xc2: {  	_ =	task.clear_ibuf [dreg:s7], $0x2FFFF;
	_ =	strace $0x9FFFFFFF  }
0xc3: {  	(tm) =	ssettm $0x7FFFFFFF  }
tec
execute0_lowered:
.L_overlay_start_1:
0x0: {  	(tag) =	ssettag $0x1  }
0x1: {  	s1 =	rddreg [dreg:$0x0]  }
0x2: {  	s7 =	rddreg [dreg:$0x1]  }
0x3: {  	s2 =	rddreg [dreg:$0x2]  }
0x4: {  	s0 =	rddreg [dreg:$0x3];
	s3 =	simm.s32 $0x0;
	s4 =	srdreg.scid  }
0x5: {  	s16 =	simm.s32 $0x9E00;
	s17 =	simm.s32 $0x9E80;
	s18 =	simm.s32 $0x80  }
0x6: {  	s19 =	simm.s32 $0xA300;
	s20 =	simm.s32 $0x1;
	s8 =	sand.u32 $0x1, s4  }
0x7: {  	s21 =	simm.s32 $0x2;
	s4 =	stileid.u32;
	s5 =	smul.u32 $0x5000, s8  }
0x8: {  	s24 =	simm.s32 $0x0;
	[smem:$0x7FF] =	sst s3;
	s9 =	smul.u32 $0x27800, s4  }
0x9: {  	s6 =	sadd.s32 $0x2C00, s7;
	s13 =	sadd.s32 $0x35600, s7;
	s11 =	smul.u32 $0x9C400, s8  }
0xa: {  	s23 =	sadd.s32 $0x9C000, s2;
	_ =	strace $0x80000053;
	s12 =	smul.u32 $0x9C00, s4  }
0xb: {  	s8 =	ssub.s32 $0x2, s8;
	s29 =	smul.u32 $0x500, s4;
	p0 =	sne.s32 s4, $0xF  }
0xc: {  	s31 =	sshll.u32 s4, $0x6;
	s25 =	sshrl.u32 s8, $0x1;
	s23 =	sshrl.u32 @!p0 s23, $0x3  }
0xd: {  	s10 =	sadd.s32 s5, s7;
	s5 =	sadd.s32 $0x2B200, s7;
	s9 =	sshrl.u32 s9, $0x2  }
0xe: {  	s14 =	ssub.s32 s8, s25;
	s26 =	sadd.s32 s12, s11;
	s28 =	sshrl.u32 s11, $0x3  }
0xf: {  	s22 =	sadd.s32 s12, s2;
	s12 =	simm.s32 $0x9F00;
	s15 =	sadd.s32 s9, s2  }
0x10: {  	s7 =	sshrl.u32 s26, $0x3;
	s8 =	sadd.s32 s13, s28;
	s30 =	sadd.s32 s29, s10  }
0x11: {  	s9 =	smax.u32 s14, $0x1;
	s14 =	sor.u32 $0x1C03, s31;
	s22 =	sshrl.u32 s22, $0x3  }
0x12: {  	s7 =	sadd.s32 s13, s7;
	s8 =	sadd.s32 $0x13800, s8;
	s10 =	sadd.s32 $0x2B400, s30  }
0x13: {  	s11 =	sadd.s32 $0x21000, s30;
	s13 =	simm.s32 $0x3;
	s15 =	sshrl.u32 s15, $0x3  }
.LBB2_1:
0x14: {  	[tilespmem:s12], [sflag:$0x3] =	stream.linear.gather [hbm4b:s5+s3], $0x400, $0x38;
	[tilespmem:$0xC300] =	vst v63  }
0x15: {  	_ =	swait.ge [sflag:s13], $0x400  }
0x16: {  	[sflag:s13] =	ssyncset.done $0x0  }
0x17: {  	[sflag:s13] =	ssyncadd.s32 $0xFFFFFC00  }
0x18: {  	[spmem:s15], [sflag:s14] =	dma.local [hbm:s6], $0x13C0  }
0x19: {  	_ =	swait.ge [sflag:s13], $0x13C0  }
0x1a: {  	[sflag:s13] =	ssyncset.done $0x0  }
0x1b: {  	[sflag:s13] =	ssyncadd.s32 $0xFFFFEC40  }
0x1c: {  	s25 =	sadd.s32 $0x0, s11;
	[bflag:$0x0] =	sbarrier.arrive $0xFFFF  }
0x1d: {  	[tilespmem:s16], [sflag:$0x3] =	stream.linear.gather [hbm4b:s25+s3], $0x80, $0x38;
	[tilespmem:$0xC300] =	vst v63  }
0x1e: {  	_ =	swait.ge [sflag:s13], $0x80  }
0x1f: {  	[sflag:s13] =	ssyncset.done $0x0  }
0x20: {  	s31 =	sadd.s32 $0x0, s10;
	[sflag:s13] =	ssyncadd.s32 $0xFFFFFF80  }
0x21: {  	[tilespmem:s17], [sflag:$0x3] =	stream.linear.gather [hbm4b:s31+s3], $0x80, $0x38;
	[tilespmem:$0xC300] =	vst v63  }
0x22: {  	_ =	swait.ge [sflag:s13], $0x80  }
0x23: {  	[sflag:s13] =	ssyncset.done $0x0  }
0x24: {  	[sflag:s13] =	ssyncadd.s32 $0xFFFFFF80  }
0x25: {  	[tilespmem:s19], [sflag:$0x1] =	stream.indirect.gather [hbm4b:s1+s18], $0x40, s16, s18, $0xb8;
	[tilespmem:$0xC300] =	vst v63  }
0x26: {  	_ =	swait.ge [sflag:s20], $0x2000  }
0x27: {  	[sflag:s20] =	ssyncset.done $0x0  }
0x28: {  	[sflag:s20] =	ssyncadd.s32 $0xFFFFE000  }
0x29: {  	[spmem:s2] =	stream.indirect.scatter.add.f32 [tilespmem:s19], [sflag:$0x2], $0x40, s17, s18, $0xb8;
	[tilespmem:$0xC300] =	vst v63  }
0x2a: {  	_ =	swait.ge [sflag:s21], $0x2000  }
0x2b: {  	s26 =	simm.s32 $0x20;
	s25 =	simm.s32 $0x10;
	[sflag:s21] =	ssyncset.done $0x0  }
.LBB2_2:
0x2c: {  	s28 =	sadd.s32 s25, s11  }
0x2d: {  	[sflag:s21] =	ssyncadd.s32 $0xFFFFE000;
	s29 =	smov.u32 s26;
	s30 =	sadd.s32 $0x10, s26  }
0x2e: {  	[tilespmem:s16], [sflag:$0x3] =	stream.linear.gather [hbm4b:s28+s3], $0x80, $0x38;
	[tilespmem:$0xC300] =	vst v63  }
0x2f: {  	p1 =	sne.s32 s26, $0x4F0;
	_ =	swait.ge [sflag:s13], $0x80  }
0x30: {  	[sflag:s13] =	ssyncset.done $0x0  }
0x31: {  	s26 =	sadd.s32 s25, s10;
	s25 =	smov.u32 s29;
	[sflag:s13] =	ssyncadd.s32 $0xFFFFFF80  }
0x32: {  	[tilespmem:s17], [sflag:$0x3] =	stream.linear.gather [hbm4b:s26+s3], $0x80, $0x38;
	[tilespmem:$0xC300] =	vst v63  }
0x33: {  	_ =	swait.ge [sflag:s13], $0x80  }
0x34: {  	[sflag:s13] =	ssyncset.done $0x0  }
0x35: {  	[sflag:s13] =	ssyncadd.s32 $0xFFFFFF80  }
0x36: {  	[tilespmem:s19], [sflag:$0x1] =	stream.indirect.gather [hbm4b:s1+s18], $0x40, s16, s18, $0xb8;
	[tilespmem:$0xC300] =	vst v63  }
0x37: {  	_ =	swait.ge [sflag:s20], $0x2000  }
.Ltmp0:
0x38: {  	[sflag:s20] =	ssyncset.done $0x0;
	(pc) =	sbr.rel @p1 .LBB2_2-.Ltmp0, $4  }
0x39: {  	[sflag:s20] =	ssyncadd.s32 $0xFFFFE000  }
0x3a: {  	[spmem:s2] =	stream.indirect.scatter.add.f32 [tilespmem:s19], [sflag:$0x2], $0x40, s17, s18, $0xb8;
	[tilespmem:$0xC300] =	vst v63  }
0x3b: {  	_ =	swait.ge [sflag:s21], $0x2000  }
0x3c: {  	s26 =	smov.u32 s30;
	[sflag:s21] =	ssyncset.done $0x0  }
0x3d: {  	s26 =	sadd.s32 s25, s11;
	[sflag:s21] =	ssyncadd.s32 $0xFFFFE000  }
0x3e: {  	[tilespmem:s16], [sflag:$0x3] =	stream.linear.gather [hbm4b:s26+s3], $0x80, $0x38;
	[tilespmem:$0xC300] =	vst v63  }
0x3f: {  	_ =	swait.ge [sflag:s13], $0x80  }
0x40: {  	[sflag:s13] =	ssyncset.done $0x0  }
0x41: {  	s31 =	sadd.s32 s25, s10;
	[sflag:s13] =	ssyncadd.s32 $0xFFFFFF80  }
0x42: {  	[tilespmem:s17], [sflag:$0x3] =	stream.linear.gather [hbm4b:s31+s3], $0x80, $0x38;
	[tilespmem:$0xC300] =	vst v63  }
0x43: {  	_ =	swait.ge [sflag:s13], $0x80  }
0x44: {  	[sflag:s13] =	ssyncset.done $0x0  }
0x45: {  	[sflag:s13] =	ssyncadd.s32 $0xFFFFFF80  }
0x46: {  	[tilespmem:s19], [sflag:$0x1] =	stream.indirect.gather [hbm4b:s1+s18], $0x40, s16, s18, $0xb8;
	[tilespmem:$0xC300] =	vst v63  }
0x47: {  	_ =	swait.ge [sflag:s20], $0x2000  }
0x48: {  	[sflag:s20] =	ssyncset.done $0x0  }
0x49: {  	[sflag:s20] =	ssyncadd.s32 $0xFFFFE000  }
0x4a: {  	[spmem:s2] =	stream.indirect.scatter.add.f32 [tilespmem:s19], [sflag:$0x2], $0x40, s17, s18, $0xb8;
	[tilespmem:$0xC300] =	vst v63  }
0x4b: {  	_ =	swait.ge [sflag:s21], $0x2000  }
0x4c: {  	[sflag:s21] =	ssyncset.done $0x0  }
0x4d: {  	[sflag:s21] =	ssyncadd.s32 $0xFFFFE000  }
0x4e: {  	[bflag:$0x0] =	sbarrier.arrive $0xFFFF  }
0x4f: {  	[hbm:s7], [sflag:s14] =	dma.local [spmem:s22], $0x1380  }
0x50: {  	s24 =	sadd.s32 $0x1, s24;
	_ =	swait.ge [sflag:s13], $0x1380  }
0x51: {  	p1 =	sne.s32 s24, s9;
	[sflag:s13] =	ssyncset.done $0x0  }
.Ltmp1:
0x52: {  	s25 =	simm.s32 @!p0 $0x3;
	[sflag:s13] =	ssyncadd.s32 $0xFFFFEC80;
	(pc) =	sbr.rel @p1 .LBB2_1-.Ltmp1, $4  }
0x53: {  	[hbm:s8], [sflag:s14] =	dma.local @!p0 [spmem:s23], $0x80  }
0x54: {  	_ =	swait.ge @!p0 [sflag:s25], $0x80  }
0x55: {  	[sflag:s25] =	ssyncset.done @!p0 $0x0  }
0x56: {  	[sflag:s25] =	ssyncadd.s32 @!p0 $0xFFFFFF80  }
0x57: {  	_ =	sfence.sel $0x180000  }
0x58: {  	[bflag:$0x0] =	sbarrier.arrive $0xFFFF  }
0x59: {  	p0 =	sne.s32 s4, $0x0;
	_ =	strace $0x90000053  }
0x5a: {  	s0 =	sadd.s32 @!p0 $0x100000, s0;
	[bflag:$0x2] =	sbarrier.arrive $0xFFFF  }
0x5b: {  	[sflag:s0] =	ssyncadd.tile.s32 @!p0 $0x1;
	_ =	shalt  }
.Lfunc_end2:
_tile_overlayer_lowered:
.L_overlay_start_2:
0x5c: {  	(tag) =	ssettag $0x2  }
0x5d: {  	s0 =	rddreg [dreg:$0x0];
	s2 =	stileid.u32  }
0x5e: {  	s1 =	rddreg [dreg:$0x1];
	p0 =	sne.s32 s2, $0x0  }
0x5f: {  	s3 =	rddreg [dreg:$0x2];
	[bflag:$0x3] =	sbarrier.arrive $0xFFFF;
	s2 =	simm.s32 @!p0 $0x1C03  }
0x60: {  	[timem:s3], [sflag:s2] =	dma.local @!p0 [hbm:s0], s1  }
0x61: {  	s0 =	simm.s32 @!p0 $0x3  }
0x62: {  	_ =	swait.ge @!p0 [sflag:s0], s1  }
0x63: {  	s1 =	ssub.s32 @!p0 $0x0, s1;
	[sflag:s0] =	ssyncset.done @!p0 $0x0  }
0x64: {  	[sflag:s0] =	ssyncadd.s32 @!p0 s1  }
0x65: {  	[bflag:$0x3] =	sbarrier.arrive $0xFFFF  }
0x66: {  	_ =	shalt  }

</sc_bundles>
